<compile_context>
chip_gen: v7x
topology: tpu7x:2x2x1
jax: 0.10.2.dev20260603
libtpu: 0.0.44.dev20260713+nightly
codegen_flags: <defaults>
</compile_context>

<pallas_src>
import functools

import jax
import jax.numpy as jnp
from jax import lax
from jax.experimental import pallas as pl
from jax.experimental.pallas import tpu as pltpu
from jax.experimental.pallas import tpu_sc as plsc

VOCAB = 1000000
MAXLEN = 200
EMBED = 16
BATCH = 4096

NUM_CORES = 2
NUM_SUBCORES = 16
NW = NUM_CORES * NUM_SUBCORES
SEQ_PER_W = BATCH // NW
CHUNK_SEQ = 16
ROWS_PER_CHUNK = CHUNK_SEQ * MAXLEN
N_CHUNKS = SEQ_PER_W // CHUNK_SEQ


def _embed_kernel(x_hbm, tab_hbm, pos_hbm, out_hbm,
                  idx_a, idx_b, rows_a, rows_b, pos_v,
                  sem_i0, sem_i1, sem_g0, sem_g1, sem_o0, sem_o1):
    wid = lax.axis_index("s") * NUM_CORES + lax.axis_index("c")
    idx_bufs = (idx_a, idx_b)
    rows_bufs = (rows_a, rows_b)
    sem_i = (sem_i0, sem_i1)
    sem_g = (sem_g0, sem_g1)
    sem_o = (sem_o0, sem_o1)

    pltpu.sync_copy(pos_hbm, pos_v)
    base_row = wid * (SEQ_PER_W * MAXLEN)

    def fire_idx(c):
        b = c % 2
        return pltpu.async_copy(
            x_hbm.at[pl.ds(base_row + c * ROWS_PER_CHUNK, ROWS_PER_CHUNK)],
            idx_bufs[b], sem_i[b])

    def fire_gather(c):
        b = c % 2
        return pltpu.async_copy(tab_hbm.at[idx_bufs[b]], rows_bufs[b], sem_g[b])

    def pos_add(b):
        def pos_body(p, carry):
            pv = pos_v[p, :]
            for s in range(CHUNK_SEQ):
                r = s * MAXLEN + p
                rows_bufs[b][r, :] = rows_bufs[b][r, :] + pv
            return carry

        lax.fori_loop(0, MAXLEN, pos_body, 0)

    idx_cp = {0: fire_idx(0)}
    idx_cp[0].wait()
    g_cps = {0: fire_gather(0)}
    if N_CHUNKS > 1:
        idx_cp[1] = fire_idx(1)

    out_cp = {}
    for c in range(N_CHUNKS):
        b = c % 2
        if c + 1 < N_CHUNKS:
            if c - 1 in out_cp:
                out_cp[c - 1].wait()
            idx_cp[c + 1].wait()
            g_cps[c + 1] = fire_gather(c + 1)
        g_cps[c].wait()
        if c + 2 < N_CHUNKS:
            idx_cp[c + 2] = fire_idx(c + 2)
        pos_add(b)
        out_cp[c] = pltpu.async_copy(
            rows_bufs[b],
            out_hbm.at[pl.ds(base_row + c * ROWS_PER_CHUNK, ROWS_PER_CHUNK)],
            sem_o[b])
    out_cp[N_CHUNKS - 2].wait()
    out_cp[N_CHUNKS - 1].wait()


def kernel(x, token_table, pos_table):
    idx_flat = x.reshape(-1).astype(jnp.int32)
    mesh = plsc.VectorSubcoreMesh(core_axis_name="c", subcore_axis_name="s")
    run = functools.partial(
        pl.kernel,
        mesh=mesh,
        out_type=jax.ShapeDtypeStruct((BATCH * MAXLEN, EMBED), jnp.float32),
        scratch_types=[
            pltpu.VMEM((ROWS_PER_CHUNK,), jnp.int32),
            pltpu.VMEM((ROWS_PER_CHUNK,), jnp.int32),
            pltpu.VMEM((ROWS_PER_CHUNK, EMBED), jnp.float32),
            pltpu.VMEM((ROWS_PER_CHUNK, EMBED), jnp.float32),
            pltpu.VMEM((MAXLEN, EMBED), jnp.float32),
            pltpu.SemaphoreType.DMA,
            pltpu.SemaphoreType.DMA,
            pltpu.SemaphoreType.DMA,
            pltpu.SemaphoreType.DMA,
            pltpu.SemaphoreType.DMA,
            pltpu.SemaphoreType.DMA,
        ],
        compiler_params=pltpu.CompilerParams(use_tc_tiling_on_sc=False),
    )(_embed_kernel)
    out = run(idx_flat, token_table, pos_table)
    return out.reshape(BATCH, MAXLEN, EMBED)

# --- scband reference (transcript-rebuilt; emitter-appended) ---
"""Pipeline reference for scband-token-and-position-embedding-87600152969817 (READ-ONLY COPY).

The authoritative reference and input builder live on the scoring server;
editing this copy changes nothing except your own understanding.
"""

import jax, jax.numpy as jnp
import numpy as np

VOCAB = 1000000
MAXLEN = 200
EMBED = 16
BATCH = 4096

def setup_inputs(seed: int = 0) -> dict:
    key = jax.random.key(seed)
    k1, k2, k3 = jax.random.split(key, 3)
    x = jax.random.randint(k1, (BATCH, MAXLEN), 0, VOCAB, dtype=jnp.int64 if jax.config.jax_enable_x64 else jnp.int32)
    token_table = jax.random.normal(k2, (VOCAB, EMBED), dtype=jnp.float32) * 0.02
    pos_table = jax.random.normal(k3, (MAXLEN, EMBED), dtype=jnp.float32) * 0.02
    return {"x": x, "token_table": token_table, "pos_table": pos_table}

def reference(x, token_table, pos_table):
    # maxlen = shape(x)[-1]; positions = range(maxlen)
    seqlen = x.shape[-1]
    positions = jnp.arange(seqlen)
    pos = jnp.take(pos_table, positions, axis=0)            # [seqlen, EMBED]
    tok = jnp.take(token_table, x, axis=0)                  # [BATCH, seqlen, EMBED]
    return tok + pos[None, :, :]

if __name__ == "__main__":
    import jax
    _d = setup_inputs()
    print(jax.jit(kernel)(*tuple(_d.values())))

</pallas_src>

<mosaic_0001>
#map = affine_map<(d0, d1) -> (0)>
#map1 = affine_map<(d0, d1) -> (0, 0)>
module attributes {stable_mosaic.version = 14 : i64} {
  func.func @_embed_kernel(%arg0: i32, %arg1: i32, %arg2: memref<819200xi32, #tpu.memory_space<hbm>>, %arg3: memref<1000000x16xf32, #tpu.memory_space<hbm>>, %arg4: memref<200x16xf32, #tpu.memory_space<hbm>>, %arg5: memref<819200x16xf32, #tpu.memory_space<hbm>>, %arg6: memref<3200xi32, #tpu.memory_space<vmem>>, %arg7: memref<3200xi32, #tpu.memory_space<vmem>>, %arg8: memref<3200x16xf32, #tpu.memory_space<vmem>>, %arg9: memref<3200x16xf32, #tpu.memory_space<vmem>>, %arg10: memref<200x16xf32, #tpu.memory_space<vmem>>, %arg11: memref<!tpu.dma_semaphore, #tpu.memory_space<semaphore_mem>>, %arg12: memref<!tpu.dma_semaphore, #tpu.memory_space<semaphore_mem>>, %arg13: memref<!tpu.dma_semaphore, #tpu.memory_space<semaphore_mem>>, %arg14: memref<!tpu.dma_semaphore, #tpu.memory_space<semaphore_mem>>, %arg15: memref<!tpu.dma_semaphore, #tpu.memory_space<semaphore_mem>>, %arg16: memref<!tpu.dma_semaphore, #tpu.memory_space<semaphore_mem>>) attributes {dimension_semantics = [#tpu.dimension_semantics<core_parallel>, #tpu.dimension_semantics<subcore_parallel>], iteration_bounds = array<i64: 2, 16>, scalar_prefetch = 0 : i64, scratch_operands = 11 : i64, tpu.core_type = #tpu.core_type<sc_vector_subcore>, window_params = [{transform_indices = #map}, {transform_indices = #map1}, {transform_indices = #map1}, {transform_indices = #map1}]} {
    %mul3A = arith.constant 2 : i32
    %mul3A_0 = arith.muli %arg1, %mul3A : i32
    %add3A = arith.addi %mul3A_0, %arg0 : i32
    "tpu.region"() ({
      %run_scoped3A = tpu.sem_alloc : memref<!tpu.dma_semaphore, #tpu.memory_space<semaphore_mem>>
      tpu.enqueue_dma source(%arg4 : memref<200x16xf32, #tpu.memory_space<hbm>>) target(%arg10 : memref<200x16xf32, #tpu.memory_space<vmem>>) target_semaphore(%run_scoped3A : memref<!tpu.dma_semaphore, #tpu.memory_space<semaphore_mem>>)
      tpu.wait_dma2 semaphore(%run_scoped3A : memref<!tpu.dma_semaphore, #tpu.memory_space<semaphore_mem>>) src(%arg4 : memref<200x16xf32, #tpu.memory_space<hbm>>) dst(%arg10 : memref<200x16xf32, #tpu.memory_space<vmem>>)
      tpu.yield
    }) : () -> ()
    %mul3A_1 = arith.constant 25600 : i32
    %mul3A_2 = arith.muli %add3A, %mul3A_1 : i32
    %add3A_3 = arith.constant 0 : i32
    %add3A_4 = arith.addi %mul3A_2, %add3A_3 : i32
    %dma_start3A = tpu.memref_slice %arg2[%add3A_4] : memref<819200xi32, #tpu.memory_space<hbm>> -> memref<3200xi32, #tpu.memory_space<hbm>>
    %dma_start3A_5 = tpu.memref_slice %arg2[%add3A_4] : memref<819200xi32, #tpu.memory_space<hbm>> -> memref<3200xi32, #tpu.memory_space<hbm>>
    tpu.enqueue_dma source(%dma_start3A_5 : memref<3200xi32, #tpu.memory_space<hbm>>) target(%arg6 : memref<3200xi32, #tpu.memory_space<vmem>>) target_semaphore(%arg11 : memref<!tpu.dma_semaphore, #tpu.memory_space<semaphore_mem>>)
    %dma_wait3A = tpu.memref_slice %arg2[%add3A_4] : memref<819200xi32, #tpu.memory_space<hbm>> -> memref<3200xi32, #tpu.memory_space<hbm>>
    %dma_wait3A_6 = tpu.memref_slice %arg2[%add3A_4] : memref<819200xi32, #tpu.memory_space<hbm>> -> memref<3200xi32, #tpu.memory_space<hbm>>
    tpu.wait_dma2 semaphore(%arg11 : memref<!tpu.dma_semaphore, #tpu.memory_space<semaphore_mem>>) src(%dma_wait3A_6 : memref<3200xi32, #tpu.memory_space<hbm>>) dst(%arg6 : memref<3200xi32, #tpu.memory_space<vmem>>)
    %dma_start3A_7 = arith.constant 0 : i32
    %dma_start3A_8 = arith.constant 0 : i32
    %dma_start3A_9 = tpu.memref_slice %arg3[%dma_start3A_7, %dma_start3A_8] : memref<1000000x16xf32, #tpu.memory_space<hbm>> -> memref<1000000x16xf32, #tpu.memory_space<hbm>>
    tpu.enqueue_indirect_dma source(%dma_start3A_9 : memref<1000000x16xf32, #tpu.memory_space<hbm>>) target(%arg8 : memref<3200x16xf32, #tpu.memory_space<vmem>>) offsets(%arg6 : memref<3200xi32, #tpu.memory_space<vmem>>) semaphore(%arg13 : memref<!tpu.dma_semaphore, #tpu.memory_space<semaphore_mem>>)
    %add3A_10 = arith.constant 3200 : i32
    %add3A_11 = arith.addi %mul3A_2, %add3A_10 : i32
    %dma_start3A_12 = tpu.memref_slice %arg2[%add3A_11] : memref<819200xi32, #tpu.memory_space<hbm>> -> memref<3200xi32, #tpu.memory_space<hbm>>
    %dma_start3A_13 = tpu.memref_slice %arg2[%add3A_11] : memref<819200xi32, #tpu.memory_space<hbm>> -> memref<3200xi32, #tpu.memory_space<hbm>>
    tpu.enqueue_dma source(%dma_start3A_13 : memref<3200xi32, #tpu.memory_space<hbm>>) target(%arg7 : memref<3200xi32, #tpu.memory_space<vmem>>) target_semaphore(%arg12 : memref<!tpu.dma_semaphore, #tpu.memory_space<semaphore_mem>>)
    %dma_wait3A_14 = tpu.memref_slice %arg2[%add3A_11] : memref<819200xi32, #tpu.memory_space<hbm>> -> memref<3200xi32, #tpu.memory_space<hbm>>
    %dma_wait3A_15 = tpu.memref_slice %arg2[%add3A_11] : memref<819200xi32, #tpu.memory_space<hbm>> -> memref<3200xi32, #tpu.memory_space<hbm>>
    tpu.wait_dma2 semaphore(%arg12 : memref<!tpu.dma_semaphore, #tpu.memory_space<semaphore_mem>>) src(%dma_wait3A_15 : memref<3200xi32, #tpu.memory_space<hbm>>) dst(%arg7 : memref<3200xi32, #tpu.memory_space<vmem>>)
    %dma_start3A_16 = arith.constant 0 : i32
    %dma_start3A_17 = arith.constant 0 : i32
    %dma_start3A_18 = tpu.memref_slice %arg3[%dma_start3A_16, %dma_start3A_17] : memref<1000000x16xf32, #tpu.memory_space<hbm>> -> memref<1000000x16xf32, #tpu.memory_space<hbm>>
    tpu.enqueue_indirect_dma source(%dma_start3A_18 : memref<1000000x16xf32, #tpu.memory_space<hbm>>) target(%arg9 : memref<3200x16xf32, #tpu.memory_space<vmem>>) offsets(%arg7 : memref<3200xi32, #tpu.memory_space<vmem>>) semaphore(%arg14 : memref<!tpu.dma_semaphore, #tpu.memory_space<semaphore_mem>>)
    %dma_wait3A_19 = arith.constant 0 : i32
    %dma_wait3A_20 = arith.constant 0 : i32
    %dma_wait3A_21 = tpu.memref_slice %arg3[%dma_wait3A_19, %dma_wait3A_20] : memref<1000000x16xf32, #tpu.memory_space<hbm>> -> memref<1000000x16xf32, #tpu.memory_space<hbm>>
    tpu.wait_indirect_dma semaphore(%arg13 : memref<!tpu.dma_semaphore, #tpu.memory_space<semaphore_mem>>) src(%dma_wait3A_21 : memref<1000000x16xf32, #tpu.memory_space<hbm>>) dst(%arg8 : memref<3200x16xf32, #tpu.memory_space<vmem>>)
    %add3A_22 = arith.constant 6400 : i32
    %add3A_23 = arith.addi %mul3A_2, %add3A_22 : i32
    %dma_start3A_24 = tpu.memref_slice %arg2[%add3A_23] : memref<819200xi32, #tpu.memory_space<hbm>> -> memref<3200xi32, #tpu.memory_space<hbm>>
    %dma_start3A_25 = tpu.memref_slice %arg2[%add3A_23] : memref<819200xi32, #tpu.memory_space<hbm>> -> memref<3200xi32, #tpu.memory_space<hbm>>
    tpu.enqueue_dma source(%dma_start3A_25 : memref<3200xi32, #tpu.memory_space<hbm>>) target(%arg6 : memref<3200xi32, #tpu.memory_space<vmem>>) target_semaphore(%arg11 : memref<!tpu.dma_semaphore, #tpu.memory_space<semaphore_mem>>)
    %scan3A = arith.constant 0 : i32
    %scan3A_26 = arith.constant 0 : i32
    %scan3A_27 = arith.constant 200 : i32
    %scan3A_28 = arith.addi %scan3A_26, %scan3A_27 : i32
    %scan3A_29 = arith.constant 1 : i32
    scf.for %scan3A_224 = %scan3A_26 to %scan3A_28 step %scan3A_29  : i32 {
      %get3A = arith.index_cast %scan3A_224 : i32 to index
      %get3A_225 = arith.constant 0 : index
      %get3A_226 = tpu.vector_load %arg10[%get3A, %get3A_225] {strides = array<i32>} : memref<200x16xf32, #tpu.memory_space<vmem>>, vector<1x16xf32>,
      %get3A_227 = vector.shape_cast %get3A_226 : vector<1x16xf32> to vector<16xf32>
      %add3A_228 = arith.constant 0 : i32
      %add3A_229 = arith.addi %add3A_228, %scan3A_224 : i32
      %get3A_230 = arith.index_cast %add3A_229 : i32 to index
      %get3A_231 = arith.constant 0 : index
      %get3A_232 = tpu.vector_load %arg8[%get3A_230, %get3A_231] {strides = array<i32>} : memref<3200x16xf32, #tpu.memory_space<vmem>>, vector<1x16xf32>,
      %get3A_233 = vector.shape_cast %get3A_232 : vector<1x16xf32> to vector<16xf32>
      %add3A_234 = arith.addf %get3A_233, %get3A_227 : vector<16xf32>
      %swap3A = arith.index_cast %add3A_229 : i32 to index
      %swap3A_235 = arith.constant 0 : index
      %swap3A_236 = tpu.vector_load %arg8[%swap3A, %swap3A_235] {strides = array<i32>} : memref<3200x16xf32, #tpu.memory_space<vmem>>, vector<1x16xf32>,
      %swap3A_237 = vector.shape_cast %swap3A_236 : vector<1x16xf32> to vector<16xf32>
      %swap3A_238 = vector.shape_cast %add3A_234 : vector<16xf32> to vector<1x16xf32>
      tpu.vector_store %arg8[%swap3A, %swap3A_235], %swap3A_238 {strides = array<i32>} : memref<3200x16xf32, #tpu.memory_space<vmem>>, vector<1x16xf32>,
      %add3A_239 = arith.constant 200 : i32
      %add3A_240 = arith.addi %add3A_239, %scan3A_224 : i32
      %get3A_241 = arith.index_cast %add3A_240 : i32 to index
      %get3A_242 = arith.constant 0 : index
      %get3A_243 = tpu.vector_load %arg8[%get3A_241, %get3A_242] {strides = array<i32>} : memref<3200x16xf32, #tpu.memory_space<vmem>>, vector<1x16xf32>,
      %get3A_244 = vector.shape_cast %get3A_243 : vector<1x16xf32> to vector<16xf32>
      %add3A_245 = arith.addf %get3A_244, %get3A_227 : vector<16xf32>
      %swap3A_246 = arith.index_cast %add3A_240 : i32 to index
      %swap3A_247 = arith.constant 0 : index
      %swap3A_248 = tpu.vector_load %arg8[%swap3A_246, %swap3A_247] {strides = array<i32>} : memref<3200x16xf32, #tpu.memory_space<vmem>>, vector<1x16xf32>,
      %swap3A_249 = vector.shape_cast %swap3A_248 : vector<1x16xf32> to vector<16xf32>
      %swap3A_250 = vector.shape_cast %add3A_245 : vector<16xf32> to vector<1x16xf32>
      tpu.vector_store %arg8[%swap3A_246, %swap3A_247], %swap3A_250 {strides = array<i32>} : memref<3200x16xf32, #tpu.memory_space<vmem>>, vector<1x16xf32>,
      %add3A_251 = arith.constant 400 : i32
      %add3A_252 = arith.addi %add3A_251, %scan3A_224 : i32
      %get3A_253 = arith.index_cast %add3A_252 : i32 to index
      %get3A_254 = arith.constant 0 : index
      %get3A_255 = tpu.vector_load %arg8[%get3A_253, %get3A_254] {strides = array<i32>} : memref<3200x16xf32, #tpu.memory_space<vmem>>, vector<1x16xf32>,
      %get3A_256 = vector.shape_cast %get3A_255 : vector<1x16xf32> to vector<16xf32>
      %add3A_257 = arith.addf %get3A_256, %get3A_227 : vector<16xf32>
      %swap3A_258 = arith.index_cast %add3A_252 : i32 to index
      %swap3A_259 = arith.constant 0 : index
      %swap3A_260 = tpu.vector_load %arg8[%swap3A_258, %swap3A_259] {strides = array<i32>} : memref<3200x16xf32, #tpu.memory_space<vmem>>, vector<1x16xf32>,
      %swap3A_261 = vector.shape_cast %swap3A_260 : vector<1x16xf32> to vector<16xf32>
      %swap3A_262 = vector.shape_cast %add3A_257 : vector<16xf32> to vector<1x16xf32>
      tpu.vector_store %arg8[%swap3A_258, %swap3A_259], %swap3A_262 {strides = array<i32>} : memref<3200x16xf32, #tpu.memory_space<vmem>>, vector<1x16xf32>,
      %add3A_263 = arith.constant 600 : i32
      %add3A_264 = arith.addi %add3A_263, %scan3A_224 : i32
      %get3A_265 = arith.index_cast %add3A_264 : i32 to index
      %get3A_266 = arith.constant 0 : index
      %get3A_267 = tpu.vector_load %arg8[%get3A_265, %get3A_266] {strides = array<i32>} : memref<3200x16xf32, #tpu.memory_space<vmem>>, vector<1x16xf32>,
      %get3A_268 = vector.shape_cast %get3A_267 : vector<1x16xf32> to vector<16xf32>
      %add3A_269 = arith.addf %get3A_268, %get3A_227 : vector<16xf32>
      %swap3A_270 = arith.index_cast %add3A_264 : i32 to index
      %swap3A_271 = arith.constant 0 : index
      %swap3A_272 = tpu.vector_load %arg8[%swap3A_270, %swap3A_271] {strides = array<i32>} : memref<3200x16xf32, #tpu.memory_space<vmem>>, vector<1x16xf32>,
      %swap3A_273 = vector.shape_cast %swap3A_272 : vector<1x16xf32> to vector<16xf32>
      %swap3A_274 = vector.shape_cast %add3A_269 : vector<16xf32> to vector<1x16xf32>
      tpu.vector_store %arg8[%swap3A_270, %swap3A_271], %swap3A_274 {strides = array<i32>} : memref<3200x16xf32, #tpu.memory_space<vmem>>, vector<1x16xf32>,
      %add3A_275 = arith.constant 800 : i32
      %add3A_276 = arith.addi %add3A_275, %scan3A_224 : i32
      %get3A_277 = arith.index_cast %add3A_276 : i32 to index
      %get3A_278 = arith.constant 0 : index
      %get3A_279 = tpu.vector_load %arg8[%get3A_277, %get3A_278] {strides = array<i32>} : memref<3200x16xf32, #tpu.memory_space<vmem>>, vector<1x16xf32>,
      %get3A_280 = vector.shape_cast %get3A_279 : vector<1x16xf32> to vector<16xf32>
      %add3A_281 = arith.addf %get3A_280, %get3A_227 : vector<16xf32>
      %swap3A_282 = arith.index_cast %add3A_276 : i32 to index
      %swap3A_283 = arith.constant 0 : index
      %swap3A_284 = tpu.vector_load %arg8[%swap3A_282, %swap3A_283] {strides = array<i32>} : memref<3200x16xf32, #tpu.memory_space<vmem>>, vector<1x16xf32>,
      %swap3A_285 = vector.shape_cast %swap3A_284 : vector<1x16xf32> to vector<16xf32>
      %swap3A_286 = vector.shape_cast %add3A_281 : vector<16xf32> to vector<1x16xf32>
      tpu.vector_store %arg8[%swap3A_282, %swap3A_283], %swap3A_286 {strides = array<i32>} : memref<3200x16xf32, #tpu.memory_space<vmem>>, vector<1x16xf32>,
      %add3A_287 = arith.constant 1000 : i32
      %add3A_288 = arith.addi %add3A_287, %scan3A_224 : i32
      %get3A_289 = arith.index_cast %add3A_288 : i32 to index
      %get3A_290 = arith.constant 0 : index
      %get3A_291 = tpu.vector_load %arg8[%get3A_289, %get3A_290] {strides = array<i32>} : memref<3200x16xf32, #tpu.memory_space<vmem>>, vector<1x16xf32>,
      %get3A_292 = vector.shape_cast %get3A_291 : vector<1x16xf32> to vector<16xf32>
      %add3A_293 = arith.addf %get3A_292, %get3A_227 : vector<16xf32>
      %swap3A_294 = arith.index_cast %add3A_288 : i32 to index
      %swap3A_295 = arith.constant 0 : index
      %swap3A_296 = tpu.vector_load %arg8[%swap3A_294, %swap3A_295] {strides = array<i32>} : memref<3200x16xf32, #tpu.memory_space<vmem>>, vector<1x16xf32>,
      %swap3A_297 = vector.shape_cast %swap3A_296 : vector<1x16xf32> to vector<16xf32>
      %swap3A_298 = vector.shape_cast %add3A_293 : vector<16xf32> to vector<1x16xf32>
      tpu.vector_store %arg8[%swap3A_294, %swap3A_295], %swap3A_298 {strides = array<i32>} : memref<3200x16xf32, #tpu.memory_space<vmem>>, vector<1x16xf32>,
      %add3A_299 = arith.constant 1200 : i32
      %add3A_300 = arith.addi %add3A_299, %scan3A_224 : i32
      %get3A_301 = arith.index_cast %add3A_300 : i32 to index
      %get3A_302 = arith.constant 0 : index
      %get3A_303 = tpu.vector_load %arg8[%get3A_301, %get3A_302] {strides = array<i32>} : memref<3200x16xf32, #tpu.memory_space<vmem>>, vector<1x16xf32>,
      %get3A_304 = vector.shape_cast %get3A_303 : vector<1x16xf32> to vector<16xf32>
      %add3A_305 = arith.addf %get3A_304, %get3A_227 : vector<16xf32>
      %swap3A_306 = arith.index_cast %add3A_300 : i32 to index
      %swap3A_307 = arith.constant 0 : index
      %swap3A_308 = tpu.vector_load %arg8[%swap3A_306, %swap3A_307] {strides = array<i32>} : memref<3200x16xf32, #tpu.memory_space<vmem>>, vector<1x16xf32>,
      %swap3A_309 = vector.shape_cast %swap3A_308 : vector<1x16xf32> to vector<16xf32>
      %swap3A_310 = vector.shape_cast %add3A_305 : vector<16xf32> to vector<1x16xf32>
      tpu.vector_store %arg8[%swap3A_306, %swap3A_307], %swap3A_310 {strides = array<i32>} : memref<3200x16xf32, #tpu.memory_space<vmem>>, vector<1x16xf32>,
      %add3A_311 = arith.constant 1400 : i32
      %add3A_312 = arith.addi %add3A_311, %scan3A_224 : i32
      %get3A_313 = arith.index_cast %add3A_312 : i32 to index
      %get3A_314 = arith.constant 0 : index
      %get3A_315 = tpu.vector_load %arg8[%get3A_313, %get3A_314] {strides = array<i32>} : memref<3200x16xf32, #tpu.memory_space<vmem>>, vector<1x16xf32>,
      %get3A_316 = vector.shape_cast %get3A_315 : vector<1x16xf32> to vector<16xf32>
      %add3A_317 = arith.addf %get3A_316, %get3A_227 : vector<16xf32>
      %swap3A_318 = arith.index_cast %add3A_312 : i32 to index
      %swap3A_319 = arith.constant 0 : index
      %swap3A_320 = tpu.vector_load %arg8[%swap3A_318, %swap3A_319] {strides = array<i32>} : memref<3200x16xf32, #tpu.memory_space<vmem>>, vector<1x16xf32>,
      %swap3A_321 = vector.shape_cast %swap3A_320 : vector<1x16xf32> to vector<16xf32>
      %swap3A_322 = vector.shape_cast %add3A_317 : vector<16xf32> to vector<1x16xf32>
      tpu.vector_store %arg8[%swap3A_318, %swap3A_319], %swap3A_322 {strides = array<i32>} : memref<3200x16xf32, #tpu.memory_space<vmem>>, vector<1x16xf32>,
      %add3A_323 = arith.constant 1600 : i32
      %add3A_324 = arith.addi %add3A_323, %scan3A_224 : i32
      %get3A_325 = arith.index_cast %add3A_324 : i32 to index
      %get3A_326 = arith.constant 0 : index
      %get3A_327 = tpu.vector_load %arg8[%get3A_325, %get3A_326] {strides = array<i32>} : memref<3200x16xf32, #tpu.memory_space<vmem>>, vector<1x16xf32>,
      %get3A_328 = vector.shape_cast %get3A_327 : vector<1x16xf32> to vector<16xf32>
      %add3A_329 = arith.addf %get3A_328, %get3A_227 : vector<16xf32>
      %swap3A_330 = arith.index_cast %add3A_324 : i32 to index
      %swap3A_331 = arith.constant 0 : index
      %swap3A_332 = tpu.vector_load %arg8[%swap3A_330, %swap3A_331] {strides = array<i32>} : memref<3200x16xf32, #tpu.memory_space<vmem>>, vector<1x16xf32>,
      %swap3A_333 = vector.shape_cast %swap3A_332 : vector<1x16xf32> to vector<16xf32>
      %swap3A_334 = vector.shape_cast %add3A_329 : vector<16xf32> to vector<1x16xf32>
      tpu.vector_store %arg8[%swap3A_330, %swap3A_331], %swap3A_334 {strides = array<i32>} : memref<3200x16xf32, #tpu.memory_space<vmem>>, vector<1x16xf32>,
      %add3A_335 = arith.constant 1800 : i32
      %add3A_336 = arith.addi %add3A_335, %scan3A_224 : i32
      %get3A_337 = arith.index_cast %add3A_336 : i32 to index
      %get3A_338 = arith.constant 0 : index
      %get3A_339 = tpu.vector_load %arg8[%get3A_337, %get3A_338] {strides = array<i32>} : memref<3200x16xf32, #tpu.memory_space<vmem>>, vector<1x16xf32>,
      %get3A_340 = vector.shape_cast %get3A_339 : vector<1x16xf32> to vector<16xf32>
      %add3A_341 = arith.addf %get3A_340, %get3A_227 : vector<16xf32>
      %swap3A_342 = arith.index_cast %add3A_336 : i32 to index
      %swap3A_343 = arith.constant 0 : index
      %swap3A_344 = tpu.vector_load %arg8[%swap3A_342, %swap3A_343] {strides = array<i32>} : memref<3200x16xf32, #tpu.memory_space<vmem>>, vector<1x16xf32>,
      %swap3A_345 = vector.shape_cast %swap3A_344 : vector<1x16xf32> to vector<16xf32>
      %swap3A_346 = vector.shape_cast %add3A_341 : vector<16xf32> to vector<1x16xf32>
      tpu.vector_store %arg8[%swap3A_342, %swap3A_343], %swap3A_346 {strides = array<i32>} : memref<3200x16xf32, #tpu.memory_space<vmem>>, vector<1x16xf32>,
      %add3A_347 = arith.constant 2000 : i32
      %add3A_348 = arith.addi %add3A_347, %scan3A_224 : i32
      %get3A_349 = arith.index_cast %add3A_348 : i32 to index
      %get3A_350 = arith.constant 0 : index
      %get3A_351 = tpu.vector_load %arg8[%get3A_349, %get3A_350] {strides = array<i32>} : memref<3200x16xf32, #tpu.memory_space<vmem>>, vector<1x16xf32>,
      %get3A_352 = vector.shape_cast %get3A_351 : vector<1x16xf32> to vector<16xf32>
      %add3A_353 = arith.addf %get3A_352, %get3A_227 : vector<16xf32>
      %swap3A_354 = arith.index_cast %add3A_348 : i32 to index
      %swap3A_355 = arith.constant 0 : index
      %swap3A_356 = tpu.vector_load %arg8[%swap3A_354, %swap3A_355] {strides = array<i32>} : memref<3200x16xf32, #tpu.memory_space<vmem>>, vector<1x16xf32>,
      %swap3A_357 = vector.shape_cast %swap3A_356 : vector<1x16xf32> to vector<16xf32>
      %swap3A_358 = vector.shape_cast %add3A_353 : vector<16xf32> to vector<1x16xf32>
      tpu.vector_store %arg8[%swap3A_354, %swap3A_355], %swap3A_358 {strides = array<i32>} : memref<3200x16xf32, #tpu.memory_space<vmem>>, vector<1x16xf32>,
      %add3A_359 = arith.constant 2200 : i32
      %add3A_360 = arith.addi %add3A_359, %scan3A_224 : i32
      %get3A_361 = arith.index_cast %add3A_360 : i32 to index
      %get3A_362 = arith.constant 0 : index
      %get3A_363 = tpu.vector_load %arg8[%get3A_361, %get3A_362] {strides = array<i32>} : memref<3200x16xf32, #tpu.memory_space<vmem>>, vector<1x16xf32>,
      %get3A_364 = vector.shape_cast %get3A_363 : vector<1x16xf32> to vector<16xf32>
      %add3A_365 = arith.addf %get3A_364, %get3A_227 : vector<16xf32>
      %swap3A_366 = arith.index_cast %add3A_360 : i32 to index
      %swap3A_367 = arith.constant 0 : index
      %swap3A_368 = tpu.vector_load %arg8[%swap3A_366, %swap3A_367] {strides = array<i32>} : memref<3200x16xf32, #tpu.memory_space<vmem>>, vector<1x16xf32>,
      %swap3A_369 = vector.shape_cast %swap3A_368 : vector<1x16xf32> to vector<16xf32>
      %swap3A_370 = vector.shape_cast %add3A_365 : vector<16xf32> to vector<1x16xf32>
      tpu.vector_store %arg8[%swap3A_366, %swap3A_367], %swap3A_370 {strides = array<i32>} : memref<3200x16xf32, #tpu.memory_space<vmem>>, vector<1x16xf32>,
      %add3A_371 = arith.constant 2400 : i32
      %add3A_372 = arith.addi %add3A_371, %scan3A_224 : i32
      %get3A_373 = arith.index_cast %add3A_372 : i32 to index
      %get3A_374 = arith.constant 0 : index
      %get3A_375 = tpu.vector_load %arg8[%get3A_373, %get3A_374] {strides = array<i32>} : memref<3200x16xf32, #tpu.memory_space<vmem>>, vector<1x16xf32>,
      %get3A_376 = vector.shape_cast %get3A_375 : vector<1x16xf32> to vector<16xf32>
      %add3A_377 = arith.addf %get3A_376, %get3A_227 : vector<16xf32>
      %swap3A_378 = arith.index_cast %add3A_372 : i32 to index
      %swap3A_379 = arith.constant 0 : index
      %swap3A_380 = tpu.vector_load %arg8[%swap3A_378, %swap3A_379] {strides = array<i32>} : memref<3200x16xf32, #tpu.memory_space<vmem>>, vector<1x16xf32>,
      %swap3A_381 = vector.shape_cast %swap3A_380 : vector<1x16xf32> to vector<16xf32>
      %swap3A_382 = vector.shape_cast %add3A_377 : vector<16xf32> to vector<1x16xf32>
      tpu.vector_store %arg8[%swap3A_378, %swap3A_379], %swap3A_382 {strides = array<i32>} : memref<3200x16xf32, #tpu.memory_space<vmem>>, vector<1x16xf32>,
      %add3A_383 = arith.constant 2600 : i32
      %add3A_384 = arith.addi %add3A_383, %scan3A_224 : i32
      %get3A_385 = arith.index_cast %add3A_384 : i32 to index
      %get3A_386 = arith.constant 0 : index
      %get3A_387 = tpu.vector_load %arg8[%get3A_385, %get3A_386] {strides = array<i32>} : memref<3200x16xf32, #tpu.memory_space<vmem>>, vector<1x16xf32>,
      %get3A_388 = vector.shape_cast %get3A_387 : vector<1x16xf32> to vector<16xf32>
      %add3A_389 = arith.addf %get3A_388, %get3A_227 : vector<16xf32>
      %swap3A_390 = arith.index_cast %add3A_384 : i32 to index
      %swap3A_391 = arith.constant 0 : index
      %swap3A_392 = tpu.vector_load %arg8[%swap3A_390, %swap3A_391] {strides = array<i32>} : memref<3200x16xf32, #tpu.memory_space<vmem>>, vector<1x16xf32>,
      %swap3A_393 = vector.shape_cast %swap3A_392 : vector<1x16xf32> to vector<16xf32>
      %swap3A_394 = vector.shape_cast %add3A_389 : vector<16xf32> to vector<1x16xf32>
      tpu.vector_store %arg8[%swap3A_390, %swap3A_391], %swap3A_394 {strides = array<i32>} : memref<3200x16xf32, #tpu.memory_space<vmem>>, vector<1x16xf32>,
      %add3A_395 = arith.constant 2800 : i32
      %add3A_396 = arith.addi %add3A_395, %scan3A_224 : i32
      %get3A_397 = arith.index_cast %add3A_396 : i32 to index
      %get3A_398 = arith.constant 0 : index
      %get3A_399 = tpu.vector_load %arg8[%get3A_397, %get3A_398] {strides = array<i32>} : memref<3200x16xf32, #tpu.memory_space<vmem>>, vector<1x16xf32>,
      %get3A_400 = vector.shape_cast %get3A_399 : vector<1x16xf32> to vector<16xf32>
      %add3A_401 = arith.addf %get3A_400, %get3A_227 : vector<16xf32>
      %swap3A_402 = arith.index_cast %add3A_396 : i32 to index
      %swap3A_403 = arith.constant 0 : index
      %swap3A_404 = tpu.vector_load %arg8[%swap3A_402, %swap3A_403] {strides = array<i32>} : memref<3200x16xf32, #tpu.memory_space<vmem>>, vector<1x16xf32>,
      %swap3A_405 = vector.shape_cast %swap3A_404 : vector<1x16xf32> to vector<16xf32>
      %swap3A_406 = vector.shape_cast %add3A_401 : vector<16xf32> to vector<1x16xf32>
      tpu.vector_store %arg8[%swap3A_402, %swap3A_403], %swap3A_406 {strides = array<i32>} : memref<3200x16xf32, #tpu.memory_space<vmem>>, vector<1x16xf32>,
      %add3A_407 = arith.constant 3000 : i32
      %add3A_408 = arith.addi %add3A_407, %scan3A_224 : i32
      %get3A_409 = arith.index_cast %add3A_408 : i32 to index
      %get3A_410 = arith.constant 0 : index
      %get3A_411 = tpu.vector_load %arg8[%get3A_409, %get3A_410] {strides = array<i32>} : memref<3200x16xf32, #tpu.memory_space<vmem>>, vector<1x16xf32>,
      %get3A_412 = vector.shape_cast %get3A_411 : vector<1x16xf32> to vector<16xf32>
      %add3A_413 = arith.addf %get3A_412, %get3A_227 : vector<16xf32>
      %swap3A_414 = arith.index_cast %add3A_408 : i32 to index
      %swap3A_415 = arith.constant 0 : index
      %swap3A_416 = tpu.vector_load %arg8[%swap3A_414, %swap3A_415] {strides = array<i32>} : memref<3200x16xf32, #tpu.memory_space<vmem>>, vector<1x16xf32>,
      %swap3A_417 = vector.shape_cast %swap3A_416 : vector<1x16xf32> to vector<16xf32>
      %swap3A_418 = vector.shape_cast %add3A_413 : vector<16xf32> to vector<1x16xf32>
      tpu.vector_store %arg8[%swap3A_414, %swap3A_415], %swap3A_418 {strides = array<i32>} : memref<3200x16xf32, #tpu.memory_space<vmem>>, vector<1x16xf32>,
    }
    %scan3A_30 = arith.constant 200 : i32
    %add3A_31 = arith.constant 0 : i32
    %add3A_32 = arith.addi %mul3A_2, %add3A_31 : i32
    %dma_start3A_33 = arith.constant 0 : i32
    %dma_start3A_34 = tpu.memref_slice %arg5[%add3A_32, %dma_start3A_33] : memref<819200x16xf32, #tpu.memory_space<hbm>> -> memref<3200x16xf32, #tpu.memory_space<hbm>>
    %dma_start3A_35 = arith.constant 0 : i32
    %dma_start3A_36 = tpu.memref_slice %arg5[%add3A_32, %dma_start3A_35] : memref<819200x16xf32, #tpu.memory_space<hbm>> -> memref<3200x16xf32, #tpu.memory_space<hbm>>
    tpu.enqueue_dma source(%arg8 : memref<3200x16xf32, #tpu.memory_space<vmem>>) target(%dma_start3A_36 : memref<3200x16xf32, #tpu.memory_space<hbm>>) target_semaphore(%arg15 : memref<!tpu.dma_semaphore, #tpu.memory_space<semaphore_mem>>)
    %dma_wait3A_37 = arith.constant 0 : i32
    %dma_wait3A_38 = tpu.memref_slice %arg5[%add3A_32, %dma_wait3A_37] : memref<819200x16xf32, #tpu.memory_space<hbm>> -> memref<3200x16xf32, #tpu.memory_space<hbm>>
    %dma_wait3A_39 = arith.constant 0 : i32
    %dma_wait3A_40 = tpu.memref_slice %arg5[%add3A_32, %dma_wait3A_39] : memref<819200x16xf32, #tpu.memory_space<hbm>> -> memref<3200x16xf32, #tpu.memory_space<hbm>>
    tpu.wait_dma2 semaphore(%arg15 : memref<!tpu.dma_semaphore, #tpu.memory_space<semaphore_mem>>) src(%arg8 : memref<3200x16xf32, #tpu.memory_space<vmem>>) dst(%dma_wait3A_40 : memref<3200x16xf32, #tpu.memory_space<hbm>>)
    %dma_wait3A_41 = tpu.memref_slice %arg2[%add3A_23] : memref<819200xi32, #tpu.memory_space<hbm>> -> memref<3200xi32, #tpu.memory_space<hbm>>
    %dma_wait3A_42 = tpu.memref_slice %arg2[%add3A_23] : memref<819200xi32, #tpu.memory_space<hbm>> -> memref<3200xi32, #tpu.memory_space<hbm>>
    tpu.wait_dma2 semaphore(%arg11 : memref<!tpu.dma_semaphore, #tpu.memory_space<semaphore_mem>>) src(%dma_wait3A_42 : memref<3200xi32, #tpu.memory_space<hbm>>) dst(%arg6 : memref<3200xi32, #tpu.memory_space<vmem>>)
    %dma_start3A_43 = arith.constant 0 : i32
    %dma_start3A_44 = arith.constant 0 : i32
    %dma_start3A_45 = tpu.memref_slice %arg3[%dma_start3A_43, %dma_start3A_44] : memref<1000000x16xf32, #tpu.memory_space<hbm>> -> memref<1000000x16xf32, #tpu.memory_space<hbm>>
    tpu.enqueue_indirect_dma source(%dma_start3A_45 : memref<1000000x16xf32, #tpu.memory_space<hbm>>) target(%arg8 : memref<3200x16xf32, #tpu.memory_space<vmem>>) offsets(%arg6 : memref<3200xi32, #tpu.memory_space<vmem>>) semaphore(%arg13 : memref<!tpu.dma_semaphore, #tpu.memory_space<semaphore_mem>>)
    %dma_wait3A_46 = arith.constant 0 : i32
    %dma_wait3A_47 = arith.constant 0 : i32
    %dma_wait3A_48 = tpu.memref_slice %arg3[%dma_wait3A_46, %dma_wait3A_47] : memref<1000000x16xf32, #tpu.memory_space<hbm>> -> memref<1000000x16xf32, #tpu.memory_space<hbm>>
    tpu.wait_indirect_dma semaphore(%arg14 : memref<!tpu.dma_semaphore, #tpu.memory_space<semaphore_mem>>) src(%dma_wait3A_48 : memref<1000000x16xf32, #tpu.memory_space<hbm>>) dst(%arg9 : memref<3200x16xf32, #tpu.memory_space<vmem>>)
    %add3A_49 = arith.constant 9600 : i32
    %add3A_50 = arith.addi %mul3A_2, %add3A_49 : i32
    %dma_start3A_51 = tpu.memref_slice %arg2[%add3A_50] : memref<819200xi32, #tpu.memory_space<hbm>> -> memref<3200xi32, #tpu.memory_space<hbm>>
    %dma_start3A_52 = tpu.memref_slice %arg2[%add3A_50] : memref<819200xi32, #tpu.memory_space<hbm>> -> memref<3200xi32, #tpu.memory_space<hbm>>
    tpu.enqueue_dma source(%dma_start3A_52 : memref<3200xi32, #tpu.memory_space<hbm>>) target(%arg7 : memref<3200xi32, #tpu.memory_space<vmem>>) target_semaphore(%arg12 : memref<!tpu.dma_semaphore, #tpu.memory_space<semaphore_mem>>)
    %scan3A_53 = arith.constant 0 : i32
    %scan3A_54 = arith.constant 0 : i32
    %scan3A_55 = arith.constant 200 : i32
    %scan3A_56 = arith.addi %scan3A_54, %scan3A_55 : i32
    %scan3A_57 = arith.constant 1 : i32
    scf.for %scan3A_224 = %scan3A_54 to %scan3A_56 step %scan3A_57  : i32 {
      %get3A = arith.index_cast %scan3A_224 : i32 to index
      %get3A_225 = arith.constant 0 : index
      %get3A_226 = tpu.vector_load %arg10[%get3A, %get3A_225] {strides = array<i32>} : memref<200x16xf32, #tpu.memory_space<vmem>>, vector<1x16xf32>,
      %get3A_227 = vector.shape_cast %get3A_226 : vector<1x16xf32> to vector<16xf32>
      %add3A_228 = arith.constant 0 : i32
      %add3A_229 = arith.addi %add3A_228, %scan3A_224 : i32
      %get3A_230 = arith.index_cast %add3A_229 : i32 to index
      %get3A_231 = arith.constant 0 : index
      %get3A_232 = tpu.vector_load %arg9[%get3A_230, %get3A_231] {strides = array<i32>} : memref<3200x16xf32, #tpu.memory_space<vmem>>, vector<1x16xf32>,
      %get3A_233 = vector.shape_cast %get3A_232 : vector<1x16xf32> to vector<16xf32>
      %add3A_234 = arith.addf %get3A_233, %get3A_227 : vector<16xf32>
      %swap3A = arith.index_cast %add3A_229 : i32 to index
      %swap3A_235 = arith.constant 0 : index
      %swap3A_236 = tpu.vector_load %arg9[%swap3A, %swap3A_235] {strides = array<i32>} : memref<3200x16xf32, #tpu.memory_space<vmem>>, vector<1x16xf32>,
      %swap3A_237 = vector.shape_cast %swap3A_236 : vector<1x16xf32> to vector<16xf32>
      %swap3A_238 = vector.shape_cast %add3A_234 : vector<16xf32> to vector<1x16xf32>
      tpu.vector_store %arg9[%swap3A, %swap3A_235], %swap3A_238 {strides = array<i32>} : memref<3200x16xf32, #tpu.memory_space<vmem>>, vector<1x16xf32>,
      %add3A_239 = arith.constant 200 : i32
      %add3A_240 = arith.addi %add3A_239, %scan3A_224 : i32
      %get3A_241 = arith.index_cast %add3A_240 : i32 to index
      %get3A_242 = arith.constant 0 : index
      %get3A_243 = tpu.vector_load %arg9[%get3A_241, %get3A_242] {strides = array<i32>} : memref<3200x16xf32, #tpu.memory_space<vmem>>, vector<1x16xf32>,
      %get3A_244 = vector.shape_cast %get3A_243 : vector<1x16xf32> to vector<16xf32>
      %add3A_245 = arith.addf %get3A_244, %get3A_227 : vector<16xf32>
      %swap3A_246 = arith.index_cast %add3A_240 : i32 to index
      %swap3A_247 = arith.constant 0 : index
      %swap3A_248 = tpu.vector_load %arg9[%swap3A_246, %swap3A_247] {strides = array<i32>} : memref<3200x16xf32, #tpu.memory_space<vmem>>, vector<1x16xf32>,
      %swap3A_249 = vector.shape_cast %swap3A_248 : vector<1x16xf32> to vector<16xf32>
      %swap3A_250 = vector.shape_cast %add3A_245 : vector<16xf32> to vector<1x16xf32>
      tpu.vector_store %arg9[%swap3A_246, %swap3A_247], %swap3A_250 {strides = array<i32>} : memref<3200x16xf32, #tpu.memory_space<vmem>>, vector<1x16xf32>,
      %add3A_251 = arith.constant 400 : i32
      %add3A_252 = arith.addi %add3A_251, %scan3A_224 : i32
      %get3A_253 = arith.index_cast %add3A_252 : i32 to index
      %get3A_254 = arith.constant 0 : index
      %get3A_255 = tpu.vector_load %arg9[%get3A_253, %get3A_254] {strides = array<i32>} : memref<3200x16xf32, #tpu.memory_space<vmem>>, vector<1x16xf32>,
      %get3A_256 = vector.shape_cast %get3A_255 : vector<1x16xf32> to vector<16xf32>
      %add3A_257 = arith.addf %get3A_256, %get3A_227 : vector<16xf32>
      %swap3A_258 = arith.index_cast %add3A_252 : i32 to index
      %swap3A_259 = arith.constant 0 : index
      %swap3A_260 = tpu.vector_load %arg9[%swap3A_258, %swap3A_259] {strides = array<i32>} : memref<3200x16xf32, #tpu.memory_space<vmem>>, vector<1x16xf32>,
      %swap3A_261 = vector.shape_cast %swap3A_260 : vector<1x16xf32> to vector<16xf32>
      %swap3A_262 = vector.shape_cast %add3A_257 : vector<16xf32> to vector<1x16xf32>
      tpu.vector_store %arg9[%swap3A_258, %swap3A_259], %swap3A_262 {strides = array<i32>} : memref<3200x16xf32, #tpu.memory_space<vmem>>, vector<1x16xf32>,
      %add3A_263 = arith.constant 600 : i32
      %add3A_264 = arith.addi %add3A_263, %scan3A_224 : i32
      %get3A_265 = arith.index_cast %add3A_264 : i32 to index
      %get3A_266 = arith.constant 0 : index
      %get3A_267 = tpu.vector_load %arg9[%get3A_265, %get3A_266] {strides = array<i32>} : memref<3200x16xf32, #tpu.memory_space<vmem>>, vector<1x16xf32>,
      %get3A_268 = vector.shape_cast %get3A_267 : vector<1x16xf32> to vector<16xf32>
      %add3A_269 = arith.addf %get3A_268, %get3A_227 : vector<16xf32>
      %swap3A_270 = arith.index_cast %add3A_264 : i32 to index
      %swap3A_271 = arith.constant 0 : index
      %swap3A_272 = tpu.vector_load %arg9[%swap3A_270, %swap3A_271] {strides = array<i32>} : memref<3200x16xf32, #tpu.memory_space<vmem>>, vector<1x16xf32>,
      %swap3A_273 = vector.shape_cast %swap3A_272 : vector<1x16xf32> to vector<16xf32>
      %swap3A_274 = vector.shape_cast %add3A_269 : vector<16xf32> to vector<1x16xf32>
      tpu.vector_store %arg9[%swap3A_270, %swap3A_271], %swap3A_274 {strides = array<i32>} : memref<3200x16xf32, #tpu.memory_space<vmem>>, vector<1x16xf32>,
      %add3A_275 = arith.constant 800 : i32
      %add3A_276 = arith.addi %add3A_275, %scan3A_224 : i32
      %get3A_277 = arith.index_cast %add3A_276 : i32 to index
      %get3A_278 = arith.constant 0 : index
      %get3A_279 = tpu.vector_load %arg9[%get3A_277, %get3A_278] {strides = array<i32>} : memref<3200x16xf32, #tpu.memory_space<vmem>>, vector<1x16xf32>,
      %get3A_280 = vector.shape_cast %get3A_279 : vector<1x16xf32> to vector<16xf32>
      %add3A_281 = arith.addf %get3A_280, %get3A_227 : vector<16xf32>
      %swap3A_282 = arith.index_cast %add3A_276 : i32 to index
      %swap3A_283 = arith.constant 0 : index
      %swap3A_284 = tpu.vector_load %arg9[%swap3A_282, %swap3A_283] {strides = array<i32>} : memref<3200x16xf32, #tpu.memory_space<vmem>>, vector<1x16xf32>,
      %swap3A_285 = vector.shape_cast %swap3A_284 : vector<1x16xf32> to vector<16xf32>
      %swap3A_286 = vector.shape_cast %add3A_281 : vector<16xf32> to vector<1x16xf32>
      tpu.vector_store %arg9[%swap3A_282, %swap3A_283], %swap3A_286 {strides = array<i32>} : memref<3200x16xf32, #tpu.memory_space<vmem>>, vector<1x16xf32>,
      %add3A_287 = arith.constant 1000 : i32
      %add3A_288 = arith.addi %add3A_287, %scan3A_224 : i32
      %get3A_289 = arith.index_cast %add3A_288 : i32 to index
      %get3A_290 = arith.constant 0 : index
      %get3A_291 = tpu.vector_load %arg9[%get3A_289, %get3A_290] {strides = array<i32>} : memref<3200x16xf32, #tpu.memory_space<vmem>>, vector<1x16xf32>,
      %get3A_292 = vector.shape_cast %get3A_291 : vector<1x16xf32> to vector<16xf32>
      %add3A_293 = arith.addf %get3A_292, %get3A_227 : vector<16xf32>
      %swap3A_294 = arith.index_cast %add3A_288 : i32 to index
      %swap3A_295 = arith.constant 0 : index
      %swap3A_296 = tpu.vector_load %arg9[%swap3A_294, %swap3A_295] {strides = array<i32>} : memref<3200x16xf32, #tpu.memory_space<vmem>>, vector<1x16xf32>,
      %swap3A_297 = vector.shape_cast %swap3A_296 : vector<1x16xf32> to vector<16xf32>
      %swap3A_298 = vector.shape_cast %add3A_293 : vector<16xf32> to vector<1x16xf32>
      tpu.vector_store %arg9[%swap3A_294, %swap3A_295], %swap3A_298 {strides = array<i32>} : memref<3200x16xf32, #tpu.memory_space<vmem>>, vector<1x16xf32>,
      %add3A_299 = arith.constant 1200 : i32
      %add3A_300 = arith.addi %add3A_299, %scan3A_224 : i32
      %get3A_301 = arith.index_cast %add3A_300 : i32 to index
      %get3A_302 = arith.constant 0 : index
      %get3A_303 = tpu.vector_load %arg9[%get3A_301, %get3A_302] {strides = array<i32>} : memref<3200x16xf32, #tpu.memory_space<vmem>>, vector<1x16xf32>,
      %get3A_304 = vector.shape_cast %get3A_303 : vector<1x16xf32> to vector<16xf32>
      %add3A_305 = arith.addf %get3A_304, %get3A_227 : vector<16xf32>
      %swap3A_306 = arith.index_cast %add3A_300 : i32 to index
      %swap3A_307 = arith.constant 0 : index
      %swap3A_308 = tpu.vector_load %arg9[%swap3A_306, %swap3A_307] {strides = array<i32>} : memref<3200x16xf32, #tpu.memory_space<vmem>>, vector<1x16xf32>,
      %swap3A_309 = vector.shape_cast %swap3A_308 : vector<1x16xf32> to vector<16xf32>
      %swap3A_310 = vector.shape_cast %add3A_305 : vector<16xf32> to vector<1x16xf32>
      tpu.vector_store %arg9[%swap3A_306, %swap3A_307], %swap3A_310 {strides = array<i32>} : memref<3200x16xf32, #tpu.memory_space<vmem>>, vector<1x16xf32>,
      %add3A_311 = arith.constant 1400 : i32
      %add3A_312 = arith.addi %add3A_311, %scan3A_224 : i32
      %get3A_313 = arith.index_cast %add3A_312 : i32 to index
      %get3A_314 = arith.constant 0 : index
      %get3A_315 = tpu.vector_load %arg9[%get3A_313, %get3A_314] {strides = array<i32>} : memref<3200x16xf32, #tpu.memory_space<vmem>>, vector<1x16xf32>,
      %get3A_316 = vector.shape_cast %get3A_315 : vector<1x16xf32> to vector<16xf32>
      %add3A_317 = arith.addf %get3A_316, %get3A_227 : vector<16xf32>
      %swap3A_318 = arith.index_cast %add3A_312 : i32 to index
      %swap3A_319 = arith.constant 0 : index
      %swap3A_320 = tpu.vector_load %arg9[%swap3A_318, %swap3A_319] {strides = array<i32>} : memref<3200x16xf32, #tpu.memory_space<vmem>>, vector<1x16xf32>,
      %swap3A_321 = vector.shape_cast %swap3A_320 : vector<1x16xf32> to vector<16xf32>
      %swap3A_322 = vector.shape_cast %add3A_317 : vector<16xf32> to vector<1x16xf32>
      tpu.vector_store %arg9[%swap3A_318, %swap3A_319], %swap3A_322 {strides = array<i32>} : memref<3200x16xf32, #tpu.memory_space<vmem>>, vector<1x16xf32>,
      %add3A_323 = arith.constant 1600 : i32
      %add3A_324 = arith.addi %add3A_323, %scan3A_224 : i32
      %get3A_325 = arith.index_cast %add3A_324 : i32 to index
      %get3A_326 = arith.constant 0 : index
      %get3A_327 = tpu.vector_load %arg9[%get3A_325, %get3A_326] {strides = array<i32>} : memref<3200x16xf32, #tpu.memory_space<vmem>>, vector<1x16xf32>,
      %get3A_328 = vector.shape_cast %get3A_327 : vector<1x16xf32> to vector<16xf32>
      %add3A_329 = arith.addf %get3A_328, %get3A_227 : vector<16xf32>
      %swap3A_330 = arith.index_cast %add3A_324 : i32 to index
      %swap3A_331 = arith.constant 0 : index
      %swap3A_332 = tpu.vector_load %arg9[%swap3A_330, %swap3A_331] {strides = array<i32>} : memref<3200x16xf32, #tpu.memory_space<vmem>>, vector<1x16xf32>,
      %swap3A_333 = vector.shape_cast %swap3A_332 : vector<1x16xf32> to vector<16xf32>
      %swap3A_334 = vector.shape_cast %add3A_329 : vector<16xf32> to vector<1x16xf32>
      tpu.vector_store %arg9[%swap3A_330, %swap3A_331], %swap3A_334 {strides = array<i32>} : memref<3200x16xf32, #tpu.memory_space<vmem>>, vector<1x16xf32>,
      %add3A_335 = arith.constant 1800 : i32
      %add3A_336 = arith.addi %add3A_335, %scan3A_224 : i32
      %get3A_337 = arith.index_cast %add3A_336 : i32 to index
      %get3A_338 = arith.constant 0 : index
      %get3A_339 = tpu.vector_load %arg9[%get3A_337, %get3A_338] {strides = array<i32>} : memref<3200x16xf32, #tpu.memory_space<vmem>>, vector<1x16xf32>,
      %get3A_340 = vector.shape_cast %get3A_339 : vector<1x16xf32> to vector<16xf32>
      %add3A_341 = arith.addf %get3A_340, %get3A_227 : vector<16xf32>
      %swap3A_342 = arith.index_cast %add3A_336 : i32 to index
      %swap3A_343 = arith.constant 0 : index
      %swap3A_344 = tpu.vector_load %arg9[%swap3A_342, %swap3A_343] {strides = array<i32>} : memref<3200x16xf32, #tpu.memory_space<vmem>>, vector<1x16xf32>,
      %swap3A_345 = vector.shape_cast %swap3A_344 : vector<1x16xf32> to vector<16xf32>
      %swap3A_346 = vector.shape_cast %add3A_341 : vector<16xf32> to vector<1x16xf32>
      tpu.vector_store %arg9[%swap3A_342, %swap3A_343], %swap3A_346 {strides = array<i32>} : memref<3200x16xf32, #tpu.memory_space<vmem>>, vector<1x16xf32>,
      %add3A_347 = arith.constant 2000 : i32
      %add3A_348 = arith.addi %add3A_347, %scan3A_224 : i32
      %get3A_349 = arith.index_cast %add3A_348 : i32 to index
      %get3A_350 = arith.constant 0 : index
      %get3A_351 = tpu.vector_load %arg9[%get3A_349, %get3A_350] {strides = array<i32>} : memref<3200x16xf32, #tpu.memory_space<vmem>>, vector<1x16xf32>,
      %get3A_352 = vector.shape_cast %get3A_351 : vector<1x16xf32> to vector<16xf32>
      %add3A_353 = arith.addf %get3A_352, %get3A_227 : vector<16xf32>
      %swap3A_354 = arith.index_cast %add3A_348 : i32 to index
      %swap3A_355 = arith.constant 0 : index
      %swap3A_356 = tpu.vector_load %arg9[%swap3A_354, %swap3A_355] {strides = array<i32>} : memref<3200x16xf32, #tpu.memory_space<vmem>>, vector<1x16xf32>,
      %swap3A_357 = vector.shape_cast %swap3A_356 : vector<1x16xf32> to vector<16xf32>
      %swap3A_358 = vector.shape_cast %add3A_353 : vector<16xf32> to vector<1x16xf32>
      tpu.vector_store %arg9[%swap3A_354, %swap3A_355], %swap3A_358 {strides = array<i32>} : memref<3200x16xf32, #tpu.memory_space<vmem>>, vector<1x16xf32>,
      %add3A_359 = arith.constant 2200 : i32
      %add3A_360 = arith.addi %add3A_359, %scan3A_224 : i32
      %get3A_361 = arith.index_cast %add3A_360 : i32 to index
      %get3A_362 = arith.constant 0 : index
      %get3A_363 = tpu.vector_load %arg9[%get3A_361, %get3A_362] {strides = array<i32>} : memref<3200x16xf32, #tpu.memory_space<vmem>>, vector<1x16xf32>,
      %get3A_364 = vector.shape_cast %get3A_363 : vector<1x16xf32> to vector<16xf32>
      %add3A_365 = arith.addf %get3A_364, %get3A_227 : vector<16xf32>
      %swap3A_366 = arith.index_cast %add3A_360 : i32 to index
      %swap3A_367 = arith.constant 0 : index
      %swap3A_368 = tpu.vector_load %arg9[%swap3A_366, %swap3A_367] {strides = array<i32>} : memref<3200x16xf32, #tpu.memory_space<vmem>>, vector<1x16xf32>,
      %swap3A_369 = vector.shape_cast %swap3A_368 : vector<1x16xf32> to vector<16xf32>
      %swap3A_370 = vector.shape_cast %add3A_365 : vector<16xf32> to vector<1x16xf32>
      tpu.vector_store %arg9[%swap3A_366, %swap3A_367], %swap3A_370 {strides = array<i32>} : memref<3200x16xf32, #tpu.memory_space<vmem>>, vector<1x16xf32>,
      %add3A_371 = arith.constant 2400 : i32
      %add3A_372 = arith.addi %add3A_371, %scan3A_224 : i32
      %get3A_373 = arith.index_cast %add3A_372 : i32 to index
      %get3A_374 = arith.constant 0 : index
      %get3A_375 = tpu.vector_load %arg9[%get3A_373, %get3A_374] {strides = array<i32>} : memref<3200x16xf32, #tpu.memory_space<vmem>>, vector<1x16xf32>,
      %get3A_376 = vector.shape_cast %get3A_375 : vector<1x16xf32> to vector<16xf32>
      %add3A_377 = arith.addf %get3A_376, %get3A_227 : vector<16xf32>
      %swap3A_378 = arith.index_cast %add3A_372 : i32 to index
      %swap3A_379 = arith.constant 0 : index
      %swap3A_380 = tpu.vector_load %arg9[%swap3A_378, %swap3A_379] {strides = array<i32>} : memref<3200x16xf32, #tpu.memory_space<vmem>>, vector<1x16xf32>,
      %swap3A_381 = vector.shape_cast %swap3A_380 : vector<1x16xf32> to vector<16xf32>
      %swap3A_382 = vector.shape_cast %add3A_377 : vector<16xf32> to vector<1x16xf32>
      tpu.vector_store %arg9[%swap3A_378, %swap3A_379], %swap3A_382 {strides = array<i32>} : memref<3200x16xf32, #tpu.memory_space<vmem>>, vector<1x16xf32>,
      %add3A_383 = arith.constant 2600 : i32
      %add3A_384 = arith.addi %add3A_383, %scan3A_224 : i32
      %get3A_385 = arith.index_cast %add3A_384 : i32 to index
      %get3A_386 = arith.constant 0 : index
      %get3A_387 = tpu.vector_load %arg9[%get3A_385, %get3A_386] {strides = array<i32>} : memref<3200x16xf32, #tpu.memory_space<vmem>>, vector<1x16xf32>,
      %get3A_388 = vector.shape_cast %get3A_387 : vector<1x16xf32> to vector<16xf32>
      %add3A_389 = arith.addf %get3A_388, %get3A_227 : vector<16xf32>
      %swap3A_390 = arith.index_cast %add3A_384 : i32 to index
      %swap3A_391 = arith.constant 0 : index
      %swap3A_392 = tpu.vector_load %arg9[%swap3A_390, %swap3A_391] {strides = array<i32>} : memref<3200x16xf32, #tpu.memory_space<vmem>>, vector<1x16xf32>,
      %swap3A_393 = vector.shape_cast %swap3A_392 : vector<1x16xf32> to vector<16xf32>
      %swap3A_394 = vector.shape_cast %add3A_389 : vector<16xf32> to vector<1x16xf32>
      tpu.vector_store %arg9[%swap3A_390, %swap3A_391], %swap3A_394 {strides = array<i32>} : memref<3200x16xf32, #tpu.memory_space<vmem>>, vector<1x16xf32>,
      %add3A_395 = arith.constant 2800 : i32
      %add3A_396 = arith.addi %add3A_395, %scan3A_224 : i32
      %get3A_397 = arith.index_cast %add3A_396 : i32 to index
      %get3A_398 = arith.constant 0 : index
      %get3A_399 = tpu.vector_load %arg9[%get3A_397, %get3A_398] {strides = array<i32>} : memref<3200x16xf32, #tpu.memory_space<vmem>>, vector<1x16xf32>,
      %get3A_400 = vector.shape_cast %get3A_399 : vector<1x16xf32> to vector<16xf32>
      %add3A_401 = arith.addf %get3A_400, %get3A_227 : vector<16xf32>
      %swap3A_402 = arith.index_cast %add3A_396 : i32 to index
      %swap3A_403 = arith.constant 0 : index
      %swap3A_404 = tpu.vector_load %arg9[%swap3A_402, %swap3A_403] {strides = array<i32>} : memref<3200x16xf32, #tpu.memory_space<vmem>>, vector<1x16xf32>,
      %swap3A_405 = vector.shape_cast %swap3A_404 : vector<1x16xf32> to vector<16xf32>
      %swap3A_406 = vector.shape_cast %add3A_401 : vector<16xf32> to vector<1x16xf32>
      tpu.vector_store %arg9[%swap3A_402, %swap3A_403], %swap3A_406 {strides = array<i32>} : memref<3200x16xf32, #tpu.memory_space<vmem>>, vector<1x16xf32>,
      %add3A_407 = arith.constant 3000 : i32
      %add3A_408 = arith.addi %add3A_407, %scan3A_224 : i32
      %get3A_409 = arith.index_cast %add3A_408 : i32 to index
      %get3A_410 = arith.constant 0 : index
      %get3A_411 = tpu.vector_load %arg9[%get3A_409, %get3A_410] {strides = array<i32>} : memref<3200x16xf32, #tpu.memory_space<vmem>>, vector<1x16xf32>,
      %get3A_412 = vector.shape_cast %get3A_411 : vector<1x16xf32> to vector<16xf32>
      %add3A_413 = arith.addf %get3A_412, %get3A_227 : vector<16xf32>
      %swap3A_414 = arith.index_cast %add3A_408 : i32 to index
      %swap3A_415 = arith.constant 0 : index
      %swap3A_416 = tpu.vector_load %arg9[%swap3A_414, %swap3A_415] {strides = array<i32>} : memref<3200x16xf32, #tpu.memory_space<vmem>>, vector<1x16xf32>,
      %swap3A_417 = vector.shape_cast %swap3A_416 : vector<1x16xf32> to vector<16xf32>
      %swap3A_418 = vector.shape_cast %add3A_413 : vector<16xf32> to vector<1x16xf32>
      tpu.vector_store %arg9[%swap3A_414, %swap3A_415], %swap3A_418 {strides = array<i32>} : memref<3200x16xf32, #tpu.memory_space<vmem>>, vector<1x16xf32>,
    }
    %scan3A_58 = arith.constant 200 : i32
    %add3A_59 = arith.constant 3200 : i32
    %add3A_60 = arith.addi %mul3A_2, %add3A_59 : i32
    %dma_start3A_61 = arith.constant 0 : i32
    %dma_start3A_62 = tpu.memref_slice %arg5[%add3A_60, %dma_start3A_61] : memref<819200x16xf32, #tpu.memory_space<hbm>> -> memref<3200x16xf32, #tpu.memory_space<hbm>>
    %dma_start3A_63 = arith.constant 0 : i32
    %dma_start3A_64 = tpu.memref_slice %arg5[%add3A_60, %dma_start3A_63] : memref<819200x16xf32, #tpu.memory_space<hbm>> -> memref<3200x16xf32, #tpu.memory_space<hbm>>
    tpu.enqueue_dma source(%arg9 : memref<3200x16xf32, #tpu.memory_space<vmem>>) target(%dma_start3A_64 : memref<3200x16xf32, #tpu.memory_space<hbm>>) target_semaphore(%arg16 : memref<!tpu.dma_semaphore, #tpu.memory_space<semaphore_mem>>)
    %dma_wait3A_65 = arith.constant 0 : i32
    %dma_wait3A_66 = tpu.memref_slice %arg5[%add3A_60, %dma_wait3A_65] : memref<819200x16xf32, #tpu.memory_space<hbm>> -> memref<3200x16xf32, #tpu.memory_space<hbm>>
    %dma_wait3A_67 = arith.constant 0 : i32
    %dma_wait3A_68 = tpu.memref_slice %arg5[%add3A_60, %dma_wait3A_67] : memref<819200x16xf32, #tpu.memory_space<hbm>> -> memref<3200x16xf32, #tpu.memory_space<hbm>>
    tpu.wait_dma2 semaphore(%arg16 : memref<!tpu.dma_semaphore, #tpu.memory_space<semaphore_mem>>) src(%arg9 : memref<3200x16xf32, #tpu.memory_space<vmem>>) dst(%dma_wait3A_68 : memref<3200x16xf32, #tpu.memory_space<hbm>>)
    %dma_wait3A_69 = tpu.memref_slice %arg2[%add3A_50] : memref<819200xi32, #tpu.memory_space<hbm>> -> memref<3200xi32, #tpu.memory_space<hbm>>
    %dma_wait3A_70 = tpu.memref_slice %arg2[%add3A_50] : memref<819200xi32, #tpu.memory_space<hbm>> -> memref<3200xi32, #tpu.memory_space<hbm>>
    tpu.wait_dma2 semaphore(%arg12 : memref<!tpu.dma_semaphore, #tpu.memory_space<semaphore_mem>>) src(%dma_wait3A_70 : memref<3200xi32, #tpu.memory_space<hbm>>) dst(%arg7 : memref<3200xi32, #tpu.memory_space<vmem>>)
    %dma_start3A_71 = arith.constant 0 : i32
    %dma_start3A_72 = arith.constant 0 : i32
    %dma_start3A_73 = tpu.memref_slice %arg3[%dma_start3A_71, %dma_start3A_72] : memref<1000000x16xf32, #tpu.memory_space<hbm>> -> memref<1000000x16xf32, #tpu.memory_space<hbm>>
    tpu.enqueue_indirect_dma source(%dma_start3A_73 : memref<1000000x16xf32, #tpu.memory_space<hbm>>) target(%arg9 : memref<3200x16xf32, #tpu.memory_space<vmem>>) offsets(%arg7 : memref<3200xi32, #tpu.memory_space<vmem>>) semaphore(%arg14 : memref<!tpu.dma_semaphore, #tpu.memory_space<semaphore_mem>>)
    %dma_wait3A_74 = arith.constant 0 : i32
    %dma_wait3A_75 = arith.constant 0 : i32
    %dma_wait3A_76 = tpu.memref_slice %arg3[%dma_wait3A_74, %dma_wait3A_75] : memref<1000000x16xf32, #tpu.memory_space<hbm>> -> memref<1000000x16xf32, #tpu.memory_space<hbm>>
    tpu.wait_indirect_dma semaphore(%arg13 : memref<!tpu.dma_semaphore, #tpu.memory_space<semaphore_mem>>) src(%dma_wait3A_76 : memref<1000000x16xf32, #tpu.memory_space<hbm>>) dst(%arg8 : memref<3200x16xf32, #tpu.memory_space<vmem>>)
    %add3A_77 = arith.constant 12800 : i32
    %add3A_78 = arith.addi %mul3A_2, %add3A_77 : i32
    %dma_start3A_79 = tpu.memref_slice %arg2[%add3A_78] : memref<819200xi32, #tpu.memory_space<hbm>> -> memref<3200xi32, #tpu.memory_space<hbm>>
    %dma_start3A_80 = tpu.memref_slice %arg2[%add3A_78] : memref<819200xi32, #tpu.memory_space<hbm>> -> memref<3200xi32, #tpu.memory_space<hbm>>
    tpu.enqueue_dma source(%dma_start3A_80 : memref<3200xi32, #tpu.memory_space<hbm>>) target(%arg6 : memref<3200xi32, #tpu.memory_space<vmem>>) target_semaphore(%arg11 : memref<!tpu.dma_semaphore, #tpu.memory_space<semaphore_mem>>)
    %scan3A_81 = arith.constant 0 : i32
    %scan3A_82 = arith.constant 0 : i32
    %scan3A_83 = arith.constant 200 : i32
    %scan3A_84 = arith.addi %scan3A_82, %scan3A_83 : i32
    %scan3A_85 = arith.constant 1 : i32
    scf.for %scan3A_224 = %scan3A_82 to %scan3A_84 step %scan3A_85  : i32 {
      %get3A = arith.index_cast %scan3A_224 : i32 to index
      %get3A_225 = arith.constant 0 : index
      %get3A_226 = tpu.vector_load %arg10[%get3A, %get3A_225] {strides = array<i32>} : memref<200x16xf32, #tpu.memory_space<vmem>>, vector<1x16xf32>,
      %get3A_227 = vector.shape_cast %get3A_226 : vector<1x16xf32> to vector<16xf32>
      %add3A_228 = arith.constant 0 : i32
      %add3A_229 = arith.addi %add3A_228, %scan3A_224 : i32
      %get3A_230 = arith.index_cast %add3A_229 : i32 to index
      %get3A_231 = arith.constant 0 : index
      %get3A_232 = tpu.vector_load %arg8[%get3A_230, %get3A_231] {strides = array<i32>} : memref<3200x16xf32, #tpu.memory_space<vmem>>, vector<1x16xf32>,
      %get3A_233 = vector.shape_cast %get3A_232 : vector<1x16xf32> to vector<16xf32>
      %add3A_234 = arith.addf %get3A_233, %get3A_227 : vector<16xf32>
      %swap3A = arith.index_cast %add3A_229 : i32 to index
      %swap3A_235 = arith.constant 0 : index
      %swap3A_236 = tpu.vector_load %arg8[%swap3A, %swap3A_235] {strides = array<i32>} : memref<3200x16xf32, #tpu.memory_space<vmem>>, vector<1x16xf32>,
      %swap3A_237 = vector.shape_cast %swap3A_236 : vector<1x16xf32> to vector<16xf32>
      %swap3A_238 = vector.shape_cast %add3A_234 : vector<16xf32> to vector<1x16xf32>
      tpu.vector_store %arg8[%swap3A, %swap3A_235], %swap3A_238 {strides = array<i32>} : memref<3200x16xf32, #tpu.memory_space<vmem>>, vector<1x16xf32>,
      %add3A_239 = arith.constant 200 : i32
      %add3A_240 = arith.addi %add3A_239, %scan3A_224 : i32
      %get3A_241 = arith.index_cast %add3A_240 : i32 to index
      %get3A_242 = arith.constant 0 : index
      %get3A_243 = tpu.vector_load %arg8[%get3A_241, %get3A_242] {strides = array<i32>} : memref<3200x16xf32, #tpu.memory_space<vmem>>, vector<1x16xf32>,
      %get3A_244 = vector.shape_cast %get3A_243 : vector<1x16xf32> to vector<16xf32>
      %add3A_245 = arith.addf %get3A_244, %get3A_227 : vector<16xf32>
      %swap3A_246 = arith.index_cast %add3A_240 : i32 to index
      %swap3A_247 = arith.constant 0 : index
      %swap3A_248 = tpu.vector_load %arg8[%swap3A_246, %swap3A_247] {strides = array<i32>} : memref<3200x16xf32, #tpu.memory_space<vmem>>, vector<1x16xf32>,
      %swap3A_249 = vector.shape_cast %swap3A_248 : vector<1x16xf32> to vector<16xf32>
      %swap3A_250 = vector.shape_cast %add3A_245 : vector<16xf32> to vector<1x16xf32>
      tpu.vector_store %arg8[%swap3A_246, %swap3A_247], %swap3A_250 {strides = array<i32>} : memref<3200x16xf32, #tpu.memory_space<vmem>>, vector<1x16xf32>,
      %add3A_251 = arith.constant 400 : i32
      %add3A_252 = arith.addi %add3A_251, %scan3A_224 : i32
      %get3A_253 = arith.index_cast %add3A_252 : i32 to index
      %get3A_254 = arith.constant 0 : index
      %get3A_255 = tpu.vector_load %arg8[%get3A_253, %get3A_254] {strides = array<i32>} : memref<3200x16xf32, #tpu.memory_space<vmem>>, vector<1x16xf32>,
      %get3A_256 = vector.shape_cast %get3A_255 : vector<1x16xf32> to vector<16xf32>
      %add3A_257 = arith.addf %get3A_256, %get3A_227 : vector<16xf32>
      %swap3A_258 = arith.index_cast %add3A_252 : i32 to index
      %swap3A_259 = arith.constant 0 : index
      %swap3A_260 = tpu.vector_load %arg8[%swap3A_258, %swap3A_259] {strides = array<i32>} : memref<3200x16xf32, #tpu.memory_space<vmem>>, vector<1x16xf32>,
      %swap3A_261 = vector.shape_cast %swap3A_260 : vector<1x16xf32> to vector<16xf32>
      %swap3A_262 = vector.shape_cast %add3A_257 : vector<16xf32> to vector<1x16xf32>
      tpu.vector_store %arg8[%swap3A_258, %swap3A_259], %swap3A_262 {strides = array<i32>} : memref<3200x16xf32, #tpu.memory_space<vmem>>, vector<1x16xf32>,
      %add3A_263 = arith.constant 600 : i32
      %add3A_264 = arith.addi %add3A_263, %scan3A_224 : i32
      %get3A_265 = arith.index_cast %add3A_264 : i32 to index
      %get3A_266 = arith.constant 0 : index
      %get3A_267 = tpu.vector_load %arg8[%get3A_265, %get3A_266] {strides = array<i32>} : memref<3200x16xf32, #tpu.memory_space<vmem>>, vector<1x16xf32>,
      %get3A_268 = vector.shape_cast %get3A_267 : vector<1x16xf32> to vector<16xf32>
      %add3A_269 = arith.addf %get3A_268, %get3A_227 : vector<16xf32>
      %swap3A_270 = arith.index_cast %add3A_264 : i32 to index
      %swap3A_271 = arith.constant 0 : index
      %swap3A_272 = tpu.vector_load %arg8[%swap3A_270, %swap3A_271] {strides = array<i32>} : memref<3200x16xf32, #tpu.memory_space<vmem>>, vector<1x16xf32>,
      %swap3A_273 = vector.shape_cast %swap3A_272 : vector<1x16xf32> to vector<16xf32>
      %swap3A_274 = vector.shape_cast %add3A_269 : vector<16xf32> to vector<1x16xf32>
      tpu.vector_store %arg8[%swap3A_270, %swap3A_271], %swap3A_274 {strides = array<i32>} : memref<3200x16xf32, #tpu.memory_space<vmem>>, vector<1x16xf32>,
      %add3A_275 = arith.constant 800 : i32
      %add3A_276 = arith.addi %add3A_275, %scan3A_224 : i32
      %get3A_277 = arith.index_cast %add3A_276 : i32 to index
      %get3A_278 = arith.constant 0 : index
      %get3A_279 = tpu.vector_load %arg8[%get3A_277, %get3A_278] {strides = array<i32>} : memref<3200x16xf32, #tpu.memory_space<vmem>>, vector<1x16xf32>,
      %get3A_280 = vector.shape_cast %get3A_279 : vector<1x16xf32> to vector<16xf32>
      %add3A_281 = arith.addf %get3A_280, %get3A_227 : vector<16xf32>
      %swap3A_282 = arith.index_cast %add3A_276 : i32 to index
      %swap3A_283 = arith.constant 0 : index
      %swap3A_284 = tpu.vector_load %arg8[%swap3A_282, %swap3A_283] {strides = array<i32>} : memref<3200x16xf32, #tpu.memory_space<vmem>>, vector<1x16xf32>,
      %swap3A_285 = vector.shape_cast %swap3A_284 : vector<1x16xf32> to vector<16xf32>
      %swap3A_286 = vector.shape_cast %add3A_281 : vector<16xf32> to vector<1x16xf32>
      tpu.vector_store %arg8[%swap3A_282, %swap3A_283], %swap3A_286 {strides = array<i32>} : memref<3200x16xf32, #tpu.memory_space<vmem>>, vector<1x16xf32>,
      %add3A_287 = arith.constant 1000 : i32
      %add3A_288 = arith.addi %add3A_287, %scan3A_224 : i32
      %get3A_289 = arith.index_cast %add3A_288 : i32 to index
      %get3A_290 = arith.constant 0 : index
      %get3A_291 = tpu.vector_load %arg8[%get3A_289, %get3A_290] {strides = array<i32>} : memref<3200x16xf32, #tpu.memory_space<vmem>>, vector<1x16xf32>,
      %get3A_292 = vector.shape_cast %get3A_291 : vector<1x16xf32> to vector<16xf32>
      %add3A_293 = arith.addf %get3A_292, %get3A_227 : vector<16xf32>
      %swap3A_294 = arith.index_cast %add3A_288 : i32 to index
      %swap3A_295 = arith.constant 0 : index
      %swap3A_296 = tpu.vector_load %arg8[%swap3A_294, %swap3A_295] {strides = array<i32>} : memref<3200x16xf32, #tpu.memory_space<vmem>>, vector<1x16xf32>,
      %swap3A_297 = vector.shape_cast %swap3A_296 : vector<1x16xf32> to vector<16xf32>
      %swap3A_298 = vector.shape_cast %add3A_293 : vector<16xf32> to vector<1x16xf32>
      tpu.vector_store %arg8[%swap3A_294, %swap3A_295], %swap3A_298 {strides = array<i32>} : memref<3200x16xf32, #tpu.memory_space<vmem>>, vector<1x16xf32>,
      %add3A_299 = arith.constant 1200 : i32
      %add3A_300 = arith.addi %add3A_299, %scan3A_224 : i32
      %get3A_301 = arith.index_cast %add3A_300 : i32 to index
      %get3A_302 = arith.constant 0 : index
      %get3A_303 = tpu.vector_load %arg8[%get3A_301, %get3A_302] {strides = array<i32>} : memref<3200x16xf32, #tpu.memory_space<vmem>>, vector<1x16xf32>,
      %get3A_304 = vector.shape_cast %get3A_303 : vector<1x16xf32> to vector<16xf32>
      %add3A_305 = arith.addf %get3A_304, %get3A_227 : vector<16xf32>
      %swap3A_306 = arith.index_cast %add3A_300 : i32 to index
      %swap3A_307 = arith.constant 0 : index
      %swap3A_308 = tpu.vector_load %arg8[%swap3A_306, %swap3A_307] {strides = array<i32>} : memref<3200x16xf32, #tpu.memory_space<vmem>>, vector<1x16xf32>,
      %swap3A_309 = vector.shape_cast %swap3A_308 : vector<1x16xf32> to vector<16xf32>
      %swap3A_310 = vector.shape_cast %add3A_305 : vector<16xf32> to vector<1x16xf32>
      tpu.vector_store %arg8[%swap3A_306, %swap3A_307], %swap3A_310 {strides = array<i32>} : memref<3200x16xf32, #tpu.memory_space<vmem>>, vector<1x16xf32>,
      %add3A_311 = arith.constant 1400 : i32
      %add3A_312 = arith.addi %add3A_311, %scan3A_224 : i32
      %get3A_313 = arith.index_cast %add3A_312 : i32 to index
      %get3A_314 = arith.constant 0 : index
      %get3A_315 = tpu.vector_load %arg8[%get3A_313, %get3A_314] {strides = array<i32>} : memref<3200x16xf32, #tpu.memory_space<vmem>>, vector<1x16xf32>,
      %get3A_316 = vector.shape_cast %get3A_315 : vector<1x16xf32> to vector<16xf32>
      %add3A_317 = arith.addf %get3A_316, %get3A_227 : vector<16xf32>
      %swap3A_318 = arith.index_cast %add3A_312 : i32 to index
      %swap3A_319 = arith.constant 0 : index
      %swap3A_320 = tpu.vector_load %arg8[%swap3A_318, %swap3A_319] {strides = array<i32>} : memref<3200x16xf32, #tpu.memory_space<vmem>>, vector<1x16xf32>,
      %swap3A_321 = vector.shape_cast %swap3A_320 : vector<1x16xf32> to vector<16xf32>
      %swap3A_322 = vector.shape_cast %add3A_317 : vector<16xf32> to vector<1x16xf32>
      tpu.vector_store %arg8[%swap3A_318, %swap3A_319], %swap3A_322 {strides = array<i32>} : memref<3200x16xf32, #tpu.memory_space<vmem>>, vector<1x16xf32>,
      %add3A_323 = arith.constant 1600 : i32
      %add3A_324 = arith.addi %add3A_323, %scan3A_224 : i32
      %get3A_325 = arith.index_cast %add3A_324 : i32 to index
      %get3A_326 = arith.constant 0 : index
      %get3A_327 = tpu.vector_load %arg8[%get3A_325, %get3A_326] {strides = array<i32>} : memref<3200x16xf32, #tpu.memory_space<vmem>>, vector<1x16xf32>,
      %get3A_328 = vector.shape_cast %get3A_327 : vector<1x16xf32> to vector<16xf32>
      %add3A_329 = arith.addf %get3A_328, %get3A_227 : vector<16xf32>
      %swap3A_330 = arith.index_cast %add3A_324 : i32 to index
      %swap3A_331 = arith.constant 0 : index
      %swap3A_332 = tpu.vector_load %arg8[%swap3A_330, %swap3A_331] {strides = array<i32>} : memref<3200x16xf32, #tpu.memory_space<vmem>>, vector<1x16xf32>,
      %swap3A_333 = vector.shape_cast %swap3A_332 : vector<1x16xf32> to vector<16xf32>
      %swap3A_334 = vector.shape_cast %add3A_329 : vector<16xf32> to vector<1x16xf32>
      tpu.vector_store %arg8[%swap3A_330, %swap3A_331], %swap3A_334 {strides = array<i32>} : memref<3200x16xf32, #tpu.memory_space<vmem>>, vector<1x16xf32>,
      %add3A_335 = arith.constant 1800 : i32
      %add3A_336 = arith.addi %add3A_335, %scan3A_224 : i32
      %get3A_337 = arith.index_cast %add3A_336 : i32 to index
      %get3A_338 = arith.constant 0 : index
      %get3A_339 = tpu.vector_load %arg8[%get3A_337, %get3A_338] {strides = array<i32>} : memref<3200x16xf32, #tpu.memory_space<vmem>>, vector<1x16xf32>,
      %get3A_340 = vector.shape_cast %get3A_339 : vector<1x16xf32> to vector<16xf32>
      %add3A_341 = arith.addf %get3A_340, %get3A_227 : vector<16xf32>
      %swap3A_342 = arith.index_cast %add3A_336 : i32 to index
      %swap3A_343 = arith.constant 0 : index
      %swap3A_344 = tpu.vector_load %arg8[%swap3A_342, %swap3A_343] {strides = array<i32>} : memref<3200x16xf32, #tpu.memory_space<vmem>>, vector<1x16xf32>,
      %swap3A_345 = vector.shape_cast %swap3A_344 : vector<1x16xf32> to vector<16xf32>
      %swap3A_346 = vector.shape_cast %add3A_341 : vector<16xf32> to vector<1x16xf32>
      tpu.vector_store %arg8[%swap3A_342, %swap3A_343], %swap3A_346 {strides = array<i32>} : memref<3200x16xf32, #tpu.memory_space<vmem>>, vector<1x16xf32>,
      %add3A_347 = arith.constant 2000 : i32
      %add3A_348 = arith.addi %add3A_347, %scan3A_224 : i32
      %get3A_349 = arith.index_cast %add3A_348 : i32 to index
      %get3A_350 = arith.constant 0 : index
      %get3A_351 = tpu.vector_load %arg8[%get3A_349, %get3A_350] {strides = array<i32>} : memref<3200x16xf32, #tpu.memory_space<vmem>>, vector<1x16xf32>,
      %get3A_352 = vector.shape_cast %get3A_351 : vector<1x16xf32> to vector<16xf32>
      %add3A_353 = arith.addf %get3A_352, %get3A_227 : vector<16xf32>
      %swap3A_354 = arith.index_cast %add3A_348 : i32 to index
      %swap3A_355 = arith.constant 0 : index
      %swap3A_356 = tpu.vector_load %arg8[%swap3A_354, %swap3A_355] {strides = array<i32>} : memref<3200x16xf32, #tpu.memory_space<vmem>>, vector<1x16xf32>,
      %swap3A_357 = vector.shape_cast %swap3A_356 : vector<1x16xf32> to vector<16xf32>
      %swap3A_358 = vector.shape_cast %add3A_353 : vector<16xf32> to vector<1x16xf32>
      tpu.vector_store %arg8[%swap3A_354, %swap3A_355], %swap3A_358 {strides = array<i32>} : memref<3200x16xf32, #tpu.memory_space<vmem>>, vector<1x16xf32>,
      %add3A_359 = arith.constant 2200 : i32
      %add3A_360 = arith.addi %add3A_359, %scan3A_224 : i32
      %get3A_361 = arith.index_cast %add3A_360 : i32 to index
      %get3A_362 = arith.constant 0 : index
      %get3A_363 = tpu.vector_load %arg8[%get3A_361, %get3A_362] {strides = array<i32>} : memref<3200x16xf32, #tpu.memory_space<vmem>>, vector<1x16xf32>,
      %get3A_364 = vector.shape_cast %get3A_363 : vector<1x16xf32> to vector<16xf32>
      %add3A_365 = arith.addf %get3A_364, %get3A_227 : vector<16xf32>
      %swap3A_366 = arith.index_cast %add3A_360 : i32 to index
      %swap3A_367 = arith.constant 0 : index
      %swap3A_368 = tpu.vector_load %arg8[%swap3A_366, %swap3A_367] {strides = array<i32>} : memref<3200x16xf32, #tpu.memory_space<vmem>>, vector<1x16xf32>,
      %swap3A_369 = vector.shape_cast %swap3A_368 : vector<1x16xf32> to vector<16xf32>
      %swap3A_370 = vector.shape_cast %add3A_365 : vector<16xf32> to vector<1x16xf32>
      tpu.vector_store %arg8[%swap3A_366, %swap3A_367], %swap3A_370 {strides = array<i32>} : memref<3200x16xf32, #tpu.memory_space<vmem>>, vector<1x16xf32>,
      %add3A_371 = arith.constant 2400 : i32
      %add3A_372 = arith.addi %add3A_371, %scan3A_224 : i32
      %get3A_373 = arith.index_cast %add3A_372 : i32 to index
      %get3A_374 = arith.constant 0 : index
      %get3A_375 = tpu.vector_load %arg8[%get3A_373, %get3A_374] {strides = array<i32>} : memref<3200x16xf32, #tpu.memory_space<vmem>>, vector<1x16xf32>,
      %get3A_376 = vector.shape_cast %get3A_375 : vector<1x16xf32> to vector<16xf32>
      %add3A_377 = arith.addf %get3A_376, %get3A_227 : vector<16xf32>
      %swap3A_378 = arith.index_cast %add3A_372 : i32 to index
      %swap3A_379 = arith.constant 0 : index
      %swap3A_380 = tpu.vector_load %arg8[%swap3A_378, %swap3A_379] {strides = array<i32>} : memref<3200x16xf32, #tpu.memory_space<vmem>>, vector<1x16xf32>,
      %swap3A_381 = vector.shape_cast %swap3A_380 : vector<1x16xf32> to vector<16xf32>
      %swap3A_382 = vector.shape_cast %add3A_377 : vector<16xf32> to vector<1x16xf32>
      tpu.vector_store %arg8[%swap3A_378, %swap3A_379], %swap3A_382 {strides = array<i32>} : memref<3200x16xf32, #tpu.memory_space<vmem>>, vector<1x16xf32>,
      %add3A_383 = arith.constant 2600 : i32
      %add3A_384 = arith.addi %add3A_383, %scan3A_224 : i32
      %get3A_385 = arith.index_cast %add3A_384 : i32 to index
      %get3A_386 = arith.constant 0 : index
      %get3A_387 = tpu.vector_load %arg8[%get3A_385, %get3A_386] {strides = array<i32>} : memref<3200x16xf32, #tpu.memory_space<vmem>>, vector<1x16xf32>,
      %get3A_388 = vector.shape_cast %get3A_387 : vector<1x16xf32> to vector<16xf32>
      %add3A_389 = arith.addf %get3A_388, %get3A_227 : vector<16xf32>
      %swap3A_390 = arith.index_cast %add3A_384 : i32 to index
      %swap3A_391 = arith.constant 0 : index
      %swap3A_392 = tpu.vector_load %arg8[%swap3A_390, %swap3A_391] {strides = array<i32>} : memref<3200x16xf32, #tpu.memory_space<vmem>>, vector<1x16xf32>,
      %swap3A_393 = vector.shape_cast %swap3A_392 : vector<1x16xf32> to vector<16xf32>
      %swap3A_394 = vector.shape_cast %add3A_389 : vector<16xf32> to vector<1x16xf32>
      tpu.vector_store %arg8[%swap3A_390, %swap3A_391], %swap3A_394 {strides = array<i32>} : memref<3200x16xf32, #tpu.memory_space<vmem>>, vector<1x16xf32>,
      %add3A_395 = arith.constant 2800 : i32
      %add3A_396 = arith.addi %add3A_395, %scan3A_224 : i32
      %get3A_397 = arith.index_cast %add3A_396 : i32 to index
      %get3A_398 = arith.constant 0 : index
      %get3A_399 = tpu.vector_load %arg8[%get3A_397, %get3A_398] {strides = array<i32>} : memref<3200x16xf32, #tpu.memory_space<vmem>>, vector<1x16xf32>,
      %get3A_400 = vector.shape_cast %get3A_399 : vector<1x16xf32> to vector<16xf32>
      %add3A_401 = arith.addf %get3A_400, %get3A_227 : vector<16xf32>
      %swap3A_402 = arith.index_cast %add3A_396 : i32 to index
      %swap3A_403 = arith.constant 0 : index
      %swap3A_404 = tpu.vector_load %arg8[%swap3A_402, %swap3A_403] {strides = array<i32>} : memref<3200x16xf32, #tpu.memory_space<vmem>>, vector<1x16xf32>,
      %swap3A_405 = vector.shape_cast %swap3A_404 : vector<1x16xf32> to vector<16xf32>
      %swap3A_406 = vector.shape_cast %add3A_401 : vector<16xf32> to vector<1x16xf32>
      tpu.vector_store %arg8[%swap3A_402, %swap3A_403], %swap3A_406 {strides = array<i32>} : memref<3200x16xf32, #tpu.memory_space<vmem>>, vector<1x16xf32>,
      %add3A_407 = arith.constant 3000 : i32
      %add3A_408 = arith.addi %add3A_407, %scan3A_224 : i32
      %get3A_409 = arith.index_cast %add3A_408 : i32 to index
      %get3A_410 = arith.constant 0 : index
      %get3A_411 = tpu.vector_load %arg8[%get3A_409, %get3A_410] {strides = array<i32>} : memref<3200x16xf32, #tpu.memory_space<vmem>>, vector<1x16xf32>,
      %get3A_412 = vector.shape_cast %get3A_411 : vector<1x16xf32> to vector<16xf32>
      %add3A_413 = arith.addf %get3A_412, %get3A_227 : vector<16xf32>
      %swap3A_414 = arith.index_cast %add3A_408 : i32 to index
      %swap3A_415 = arith.constant 0 : index
      %swap3A_416 = tpu.vector_load %arg8[%swap3A_414, %swap3A_415] {strides = array<i32>} : memref<3200x16xf32, #tpu.memory_space<vmem>>, vector<1x16xf32>,
      %swap3A_417 = vector.shape_cast %swap3A_416 : vector<1x16xf32> to vector<16xf32>
      %swap3A_418 = vector.shape_cast %add3A_413 : vector<16xf32> to vector<1x16xf32>
      tpu.vector_store %arg8[%swap3A_414, %swap3A_415], %swap3A_418 {strides = array<i32>} : memref<3200x16xf32, #tpu.memory_space<vmem>>, vector<1x16xf32>,
    }
    %scan3A_86 = arith.constant 200 : i32
    %add3A_87 = arith.constant 6400 : i32
    %add3A_88 = arith.addi %mul3A_2, %add3A_87 : i32
    %dma_start3A_89 = arith.constant 0 : i32
    %dma_start3A_90 = tpu.memref_slice %arg5[%add3A_88, %dma_start3A_89] : memref<819200x16xf32, #tpu.memory_space<hbm>> -> memref<3200x16xf32, #tpu.memory_space<hbm>>
    %dma_start3A_91 = arith.constant 0 : i32
    %dma_start3A_92 = tpu.memref_slice %arg5[%add3A_88, %dma_start3A_91] : memref<819200x16xf32, #tpu.memory_space<hbm>> -> memref<3200x16xf32, #tpu.memory_space<hbm>>
    tpu.enqueue_dma source(%arg8 : memref<3200x16xf32, #tpu.memory_space<vmem>>) target(%dma_start3A_92 : memref<3200x16xf32, #tpu.memory_space<hbm>>) target_semaphore(%arg15 : memref<!tpu.dma_semaphore, #tpu.memory_space<semaphore_mem>>)
    %dma_wait3A_93 = arith.constant 0 : i32
    %dma_wait3A_94 = tpu.memref_slice %arg5[%add3A_88, %dma_wait3A_93] : memref<819200x16xf32, #tpu.memory_space<hbm>> -> memref<3200x16xf32, #tpu.memory_space<hbm>>
    %dma_wait3A_95 = arith.constant 0 : i32
    %dma_wait3A_96 = tpu.memref_slice %arg5[%add3A_88, %dma_wait3A_95] : memref<819200x16xf32, #tpu.memory_space<hbm>> -> memref<3200x16xf32, #tpu.memory_space<hbm>>
    tpu.wait_dma2 semaphore(%arg15 : memref<!tpu.dma_semaphore, #tpu.memory_space<semaphore_mem>>) src(%arg8 : memref<3200x16xf32, #tpu.memory_space<vmem>>) dst(%dma_wait3A_96 : memref<3200x16xf32, #tpu.memory_space<hbm>>)
    %dma_wait3A_97 = tpu.memref_slice %arg2[%add3A_78] : memref<819200xi32, #tpu.memory_space<hbm>> -> memref<3200xi32, #tpu.memory_space<hbm>>
    %dma_wait3A_98 = tpu.memref_slice %arg2[%add3A_78] : memref<819200xi32, #tpu.memory_space<hbm>> -> memref<3200xi32, #tpu.memory_space<hbm>>
    tpu.wait_dma2 semaphore(%arg11 : memref<!tpu.dma_semaphore, #tpu.memory_space<semaphore_mem>>) src(%dma_wait3A_98 : memref<3200xi32, #tpu.memory_space<hbm>>) dst(%arg6 : memref<3200xi32, #tpu.memory_space<vmem>>)
    %dma_start3A_99 = arith.constant 0 : i32
    %dma_start3A_100 = arith.constant 0 : i32
    %dma_start3A_101 = tpu.memref_slice %arg3[%dma_start3A_99, %dma_start3A_100] : memref<1000000x16xf32, #tpu.memory_space<hbm>> -> memref<1000000x16xf32, #tpu.memory_space<hbm>>
    tpu.enqueue_indirect_dma source(%dma_start3A_101 : memref<1000000x16xf32, #tpu.memory_space<hbm>>) target(%arg8 : memref<3200x16xf32, #tpu.memory_space<vmem>>) offsets(%arg6 : memref<3200xi32, #tpu.memory_space<vmem>>) semaphore(%arg13 : memref<!tpu.dma_semaphore, #tpu.memory_space<semaphore_mem>>)
    %dma_wait3A_102 = arith.constant 0 : i32
    %dma_wait3A_103 = arith.constant 0 : i32
    %dma_wait3A_104 = tpu.memref_slice %arg3[%dma_wait3A_102, %dma_wait3A_103] : memref<1000000x16xf32, #tpu.memory_space<hbm>> -> memref<1000000x16xf32, #tpu.memory_space<hbm>>
    tpu.wait_indirect_dma semaphore(%arg14 : memref<!tpu.dma_semaphore, #tpu.memory_space<semaphore_mem>>) src(%dma_wait3A_104 : memref<1000000x16xf32, #tpu.memory_space<hbm>>) dst(%arg9 : memref<3200x16xf32, #tpu.memory_space<vmem>>)
    %add3A_105 = arith.constant 16000 : i32
    %add3A_106 = arith.addi %mul3A_2, %add3A_105 : i32
    %dma_start3A_107 = tpu.memref_slice %arg2[%add3A_106] : memref<819200xi32, #tpu.memory_space<hbm>> -> memref<3200xi32, #tpu.memory_space<hbm>>
    %dma_start3A_108 = tpu.memref_slice %arg2[%add3A_106] : memref<819200xi32, #tpu.memory_space<hbm>> -> memref<3200xi32, #tpu.memory_space<hbm>>
    tpu.enqueue_dma source(%dma_start3A_108 : memref<3200xi32, #tpu.memory_space<hbm>>) target(%arg7 : memref<3200xi32, #tpu.memory_space<vmem>>) target_semaphore(%arg12 : memref<!tpu.dma_semaphore, #tpu.memory_space<semaphore_mem>>)
    %scan3A_109 = arith.constant 0 : i32
    %scan3A_110 = arith.constant 0 : i32
    %scan3A_111 = arith.constant 200 : i32
    %scan3A_112 = arith.addi %scan3A_110, %scan3A_111 : i32
    %scan3A_113 = arith.constant 1 : i32
    scf.for %scan3A_224 = %scan3A_110 to %scan3A_112 step %scan3A_113  : i32 {
      %get3A = arith.index_cast %scan3A_224 : i32 to index
      %get3A_225 = arith.constant 0 : index
      %get3A_226 = tpu.vector_load %arg10[%get3A, %get3A_225] {strides = array<i32>} : memref<200x16xf32, #tpu.memory_space<vmem>>, vector<1x16xf32>,
      %get3A_227 = vector.shape_cast %get3A_226 : vector<1x16xf32> to vector<16xf32>
      %add3A_228 = arith.constant 0 : i32
      %add3A_229 = arith.addi %add3A_228, %scan3A_224 : i32
      %get3A_230 = arith.index_cast %add3A_229 : i32 to index
      %get3A_231 = arith.constant 0 : index
      %get3A_232 = tpu.vector_load %arg9[%get3A_230, %get3A_231] {strides = array<i32>} : memref<3200x16xf32, #tpu.memory_space<vmem>>, vector<1x16xf32>,
      %get3A_233 = vector.shape_cast %get3A_232 : vector<1x16xf32> to vector<16xf32>
      %add3A_234 = arith.addf %get3A_233, %get3A_227 : vector<16xf32>
      %swap3A = arith.index_cast %add3A_229 : i32 to index
      %swap3A_235 = arith.constant 0 : index
      %swap3A_236 = tpu.vector_load %arg9[%swap3A, %swap3A_235] {strides = array<i32>} : memref<3200x16xf32, #tpu.memory_space<vmem>>, vector<1x16xf32>,
      %swap3A_237 = vector.shape_cast %swap3A_236 : vector<1x16xf32> to vector<16xf32>
      %swap3A_238 = vector.shape_cast %add3A_234 : vector<16xf32> to vector<1x16xf32>
      tpu.vector_store %arg9[%swap3A, %swap3A_235], %swap3A_238 {strides = array<i32>} : memref<3200x16xf32, #tpu.memory_space<vmem>>, vector<1x16xf32>,
      %add3A_239 = arith.constant 200 : i32
      %add3A_240 = arith.addi %add3A_239, %scan3A_224 : i32
      %get3A_241 = arith.index_cast %add3A_240 : i32 to index
      %get3A_242 = arith.constant 0 : index
      %get3A_243 = tpu.vector_load %arg9[%get3A_241, %get3A_242] {strides = array<i32>} : memref<3200x16xf32, #tpu.memory_space<vmem>>, vector<1x16xf32>,
      %get3A_244 = vector.shape_cast %get3A_243 : vector<1x16xf32> to vector<16xf32>
      %add3A_245 = arith.addf %get3A_244, %get3A_227 : vector<16xf32>
      %swap3A_246 = arith.index_cast %add3A_240 : i32 to index
      %swap3A_247 = arith.constant 0 : index
      %swap3A_248 = tpu.vector_load %arg9[%swap3A_246, %swap3A_247] {strides = array<i32>} : memref<3200x16xf32, #tpu.memory_space<vmem>>, vector<1x16xf32>,
      %swap3A_249 = vector.shape_cast %swap3A_248 : vector<1x16xf32> to vector<16xf32>
      %swap3A_250 = vector.shape_cast %add3A_245 : vector<16xf32> to vector<1x16xf32>
      tpu.vector_store %arg9[%swap3A_246, %swap3A_247], %swap3A_250 {strides = array<i32>} : memref<3200x16xf32, #tpu.memory_space<vmem>>, vector<1x16xf32>,
      %add3A_251 = arith.constant 400 : i32
      %add3A_252 = arith.addi %add3A_251, %scan3A_224 : i32
      %get3A_253 = arith.index_cast %add3A_252 : i32 to index
      %get3A_254 = arith.constant 0 : index
      %get3A_255 = tpu.vector_load %arg9[%get3A_253, %get3A_254] {strides = array<i32>} : memref<3200x16xf32, #tpu.memory_space<vmem>>, vector<1x16xf32>,
      %get3A_256 = vector.shape_cast %get3A_255 : vector<1x16xf32> to vector<16xf32>
      %add3A_257 = arith.addf %get3A_256, %get3A_227 : vector<16xf32>
      %swap3A_258 = arith.index_cast %add3A_252 : i32 to index
      %swap3A_259 = arith.constant 0 : index
      %swap3A_260 = tpu.vector_load %arg9[%swap3A_258, %swap3A_259] {strides = array<i32>} : memref<3200x16xf32, #tpu.memory_space<vmem>>, vector<1x16xf32>,
      %swap3A_261 = vector.shape_cast %swap3A_260 : vector<1x16xf32> to vector<16xf32>
      %swap3A_262 = vector.shape_cast %add3A_257 : vector<16xf32> to vector<1x16xf32>
      tpu.vector_store %arg9[%swap3A_258, %swap3A_259], %swap3A_262 {strides = array<i32>} : memref<3200x16xf32, #tpu.memory_space<vmem>>, vector<1x16xf32>,
      %add3A_263 = arith.constant 600 : i32
      %add3A_264 = arith.addi %add3A_263, %scan3A_224 : i32
      %get3A_265 = arith.index_cast %add3A_264 : i32 to index
      %get3A_266 = arith.constant 0 : index
      %get3A_267 = tpu.vector_load %arg9[%get3A_265, %get3A_266] {strides = array<i32>} : memref<3200x16xf32, #tpu.memory_space<vmem>>, vector<1x16xf32>,
      %get3A_268 = vector.shape_cast %get3A_267 : vector<1x16xf32> to vector<16xf32>
      %add3A_269 = arith.addf %get3A_268, %get3A_227 : vector<16xf32>
      %swap3A_270 = arith.index_cast %add3A_264 : i32 to index
      %swap3A_271 = arith.constant 0 : index
      %swap3A_272 = tpu.vector_load %arg9[%swap3A_270, %swap3A_271] {strides = array<i32>} : memref<3200x16xf32, #tpu.memory_space<vmem>>, vector<1x16xf32>,
      %swap3A_273 = vector.shape_cast %swap3A_272 : vector<1x16xf32> to vector<16xf32>
      %swap3A_274 = vector.shape_cast %add3A_269 : vector<16xf32> to vector<1x16xf32>
      tpu.vector_store %arg9[%swap3A_270, %swap3A_271], %swap3A_274 {strides = array<i32>} : memref<3200x16xf32, #tpu.memory_space<vmem>>, vector<1x16xf32>,
      %add3A_275 = arith.constant 800 : i32
      %add3A_276 = arith.addi %add3A_275, %scan3A_224 : i32
      %get3A_277 = arith.index_cast %add3A_276 : i32 to index
      %get3A_278 = arith.constant 0 : index
      %get3A_279 = tpu.vector_load %arg9[%get3A_277, %get3A_278] {strides = array<i32>} : memref<3200x16xf32, #tpu.memory_space<vmem>>, vector<1x16xf32>,
      %get3A_280 = vector.shape_cast %get3A_279 : vector<1x16xf32> to vector<16xf32>
      %add3A_281 = arith.addf %get3A_280, %get3A_227 : vector<16xf32>
      %swap3A_282 = arith.index_cast %add3A_276 : i32 to index
      %swap3A_283 = arith.constant 0 : index
      %swap3A_284 = tpu.vector_load %arg9[%swap3A_282, %swap3A_283] {strides = array<i32>} : memref<3200x16xf32, #tpu.memory_space<vmem>>, vector<1x16xf32>,
      %swap3A_285 = vector.shape_cast %swap3A_284 : vector<1x16xf32> to vector<16xf32>
      %swap3A_286 = vector.shape_cast %add3A_281 : vector<16xf32> to vector<1x16xf32>
      tpu.vector_store %arg9[%swap3A_282, %swap3A_283], %swap3A_286 {strides = array<i32>} : memref<3200x16xf32, #tpu.memory_space<vmem>>, vector<1x16xf32>,
      %add3A_287 = arith.constant 1000 : i32
      %add3A_288 = arith.addi %add3A_287, %scan3A_224 : i32
      %get3A_289 = arith.index_cast %add3A_288 : i32 to index
      %get3A_290 = arith.constant 0 : index
      %get3A_291 = tpu.vector_load %arg9[%get3A_289, %get3A_290] {strides = array<i32>} : memref<3200x16xf32, #tpu.memory_space<vmem>>, vector<1x16xf32>,
      %get3A_292 = vector.shape_cast %get3A_291 : vector<1x16xf32> to vector<16xf32>
      %add3A_293 = arith.addf %get3A_292, %get3A_227 : vector<16xf32>
      %swap3A_294 = arith.index_cast %add3A_288 : i32 to index
      %swap3A_295 = arith.constant 0 : index
      %swap3A_296 = tpu.vector_load %arg9[%swap3A_294, %swap3A_295] {strides = array<i32>} : memref<3200x16xf32, #tpu.memory_space<vmem>>, vector<1x16xf32>,
      %swap3A_297 = vector.shape_cast %swap3A_296 : vector<1x16xf32> to vector<16xf32>
      %swap3A_298 = vector.shape_cast %add3A_293 : vector<16xf32> to vector<1x16xf32>
      tpu.vector_store %arg9[%swap3A_294, %swap3A_295], %swap3A_298 {strides = array<i32>} : memref<3200x16xf32, #tpu.memory_space<vmem>>, vector<1x16xf32>,
      %add3A_299 = arith.constant 1200 : i32
      %add3A_300 = arith.addi %add3A_299, %scan3A_224 : i32
      %get3A_301 = arith.index_cast %add3A_300 : i32 to index
      %get3A_302 = arith.constant 0 : index
      %get3A_303 = tpu.vector_load %arg9[%get3A_301, %get3A_302] {strides = array<i32>} : memref<3200x16xf32, #tpu.memory_space<vmem>>, vector<1x16xf32>,
      %get3A_304 = vector.shape_cast %get3A_303 : vector<1x16xf32> to vector<16xf32>
      %add3A_305 = arith.addf %get3A_304, %get3A_227 : vector<16xf32>
      %swap3A_306 = arith.index_cast %add3A_300 : i32 to index
      %swap3A_307 = arith.constant 0 : index
      %swap3A_308 = tpu.vector_load %arg9[%swap3A_306, %swap3A_307] {strides = array<i32>} : memref<3200x16xf32, #tpu.memory_space<vmem>>, vector<1x16xf32>,
      %swap3A_309 = vector.shape_cast %swap3A_308 : vector<1x16xf32> to vector<16xf32>
      %swap3A_310 = vector.shape_cast %add3A_305 : vector<16xf32> to vector<1x16xf32>
      tpu.vector_store %arg9[%swap3A_306, %swap3A_307], %swap3A_310 {strides = array<i32>} : memref<3200x16xf32, #tpu.memory_space<vmem>>, vector<1x16xf32>,
      %add3A_311 = arith.constant 1400 : i32
      %add3A_312 = arith.addi %add3A_311, %scan3A_224 : i32
      %get3A_313 = arith.index_cast %add3A_312 : i32 to index
      %get3A_314 = arith.constant 0 : index
      %get3A_315 = tpu.vector_load %arg9[%get3A_313, %get3A_314] {strides = array<i32>} : memref<3200x16xf32, #tpu.memory_space<vmem>>, vector<1x16xf32>,
      %get3A_316 = vector.shape_cast %get3A_315 : vector<1x16xf32> to vector<16xf32>
      %add3A_317 = arith.addf %get3A_316, %get3A_227 : vector<16xf32>
      %swap3A_318 = arith.index_cast %add3A_312 : i32 to index
      %swap3A_319 = arith.constant 0 : index
      %swap3A_320 = tpu.vector_load %arg9[%swap3A_318, %swap3A_319] {strides = array<i32>} : memref<3200x16xf32, #tpu.memory_space<vmem>>, vector<1x16xf32>,
      %swap3A_321 = vector.shape_cast %swap3A_320 : vector<1x16xf32> to vector<16xf32>
      %swap3A_322 = vector.shape_cast %add3A_317 : vector<16xf32> to vector<1x16xf32>
      tpu.vector_store %arg9[%swap3A_318, %swap3A_319], %swap3A_322 {strides = array<i32>} : memref<3200x16xf32, #tpu.memory_space<vmem>>, vector<1x16xf32>,
      %add3A_323 = arith.constant 1600 : i32
      %add3A_324 = arith.addi %add3A_323, %scan3A_224 : i32
      %get3A_325 = arith.index_cast %add3A_324 : i32 to index
      %get3A_326 = arith.constant 0 : index
      %get3A_327 = tpu.vector_load %arg9[%get3A_325, %get3A_326] {strides = array<i32>} : memref<3200x16xf32, #tpu.memory_space<vmem>>, vector<1x16xf32>,
      %get3A_328 = vector.shape_cast %get3A_327 : vector<1x16xf32> to vector<16xf32>
      %add3A_329 = arith.addf %get3A_328, %get3A_227 : vector<16xf32>
      %swap3A_330 = arith.index_cast %add3A_324 : i32 to index
      %swap3A_331 = arith.constant 0 : index
      %swap3A_332 = tpu.vector_load %arg9[%swap3A_330, %swap3A_331] {strides = array<i32>} : memref<3200x16xf32, #tpu.memory_space<vmem>>, vector<1x16xf32>,
      %swap3A_333 = vector.shape_cast %swap3A_332 : vector<1x16xf32> to vector<16xf32>
      %swap3A_334 = vector.shape_cast %add3A_329 : vector<16xf32> to vector<1x16xf32>
      tpu.vector_store %arg9[%swap3A_330, %swap3A_331], %swap3A_334 {strides = array<i32>} : memref<3200x16xf32, #tpu.memory_space<vmem>>, vector<1x16xf32>,
      %add3A_335 = arith.constant 1800 : i32
      %add3A_336 = arith.addi %add3A_335, %scan3A_224 : i32
      %get3A_337 = arith.index_cast %add3A_336 : i32 to index
      %get3A_338 = arith.constant 0 : index
      %get3A_339 = tpu.vector_load %arg9[%get3A_337, %get3A_338] {strides = array<i32>} : memref<3200x16xf32, #tpu.memory_space<vmem>>, vector<1x16xf32>,
      %get3A_340 = vector.shape_cast %get3A_339 : vector<1x16xf32> to vector<16xf32>
      %add3A_341 = arith.addf %get3A_340, %get3A_227 : vector<16xf32>
      %swap3A_342 = arith.index_cast %add3A_336 : i32 to index
      %swap3A_343 = arith.constant 0 : index
      %swap3A_344 = tpu.vector_load %arg9[%swap3A_342, %swap3A_343] {strides = array<i32>} : memref<3200x16xf32, #tpu.memory_space<vmem>>, vector<1x16xf32>,
      %swap3A_345 = vector.shape_cast %swap3A_344 : vector<1x16xf32> to vector<16xf32>
      %swap3A_346 = vector.shape_cast %add3A_341 : vector<16xf32> to vector<1x16xf32>
      tpu.vector_store %arg9[%swap3A_342, %swap3A_343], %swap3A_346 {strides = array<i32>} : memref<3200x16xf32, #tpu.memory_space<vmem>>, vector<1x16xf32>,
      %add3A_347 = arith.constant 2000 : i32
      %add3A_348 = arith.addi %add3A_347, %scan3A_224 : i32
      %get3A_349 = arith.index_cast %add3A_348 : i32 to index
      %get3A_350 = arith.constant 0 : index
      %get3A_351 = tpu.vector_load %arg9[%get3A_349, %get3A_350] {strides = array<i32>} : memref<3200x16xf32, #tpu.memory_space<vmem>>, vector<1x16xf32>,
      %get3A_352 = vector.shape_cast %get3A_351 : vector<1x16xf32> to vector<16xf32>
      %add3A_353 = arith.addf %get3A_352, %get3A_227 : vector<16xf32>
      %swap3A_354 = arith.index_cast %add3A_348 : i32 to index
      %swap3A_355 = arith.constant 0 : index
      %swap3A_356 = tpu.vector_load %arg9[%swap3A_354, %swap3A_355] {strides = array<i32>} : memref<3200x16xf32, #tpu.memory_space<vmem>>, vector<1x16xf32>,
      %swap3A_357 = vector.shape_cast %swap3A_356 : vector<1x16xf32> to vector<16xf32>
      %swap3A_358 = vector.shape_cast %add3A_353 : vector<16xf32> to vector<1x16xf32>
      tpu.vector_store %arg9[%swap3A_354, %swap3A_355], %swap3A_358 {strides = array<i32>} : memref<3200x16xf32, #tpu.memory_space<vmem>>, vector<1x16xf32>,
      %add3A_359 = arith.constant 2200 : i32
      %add3A_360 = arith.addi %add3A_359, %scan3A_224 : i32
      %get3A_361 = arith.index_cast %add3A_360 : i32 to index
      %get3A_362 = arith.constant 0 : index
      %get3A_363 = tpu.vector_load %arg9[%get3A_361, %get3A_362] {strides = array<i32>} : memref<3200x16xf32, #tpu.memory_space<vmem>>, vector<1x16xf32>,
      %get3A_364 = vector.shape_cast %get3A_363 : vector<1x16xf32> to vector<16xf32>
      %add3A_365 = arith.addf %get3A_364, %get3A_227 : vector<16xf32>
      %swap3A_366 = arith.index_cast %add3A_360 : i32 to index
      %swap3A_367 = arith.constant 0 : index
      %swap3A_368 = tpu.vector_load %arg9[%swap3A_366, %swap3A_367] {strides = array<i32>} : memref<3200x16xf32, #tpu.memory_space<vmem>>, vector<1x16xf32>,
      %swap3A_369 = vector.shape_cast %swap3A_368 : vector<1x16xf32> to vector<16xf32>
      %swap3A_370 = vector.shape_cast %add3A_365 : vector<16xf32> to vector<1x16xf32>
      tpu.vector_store %arg9[%swap3A_366, %swap3A_367], %swap3A_370 {strides = array<i32>} : memref<3200x16xf32, #tpu.memory_space<vmem>>, vector<1x16xf32>,
      %add3A_371 = arith.constant 2400 : i32
      %add3A_372 = arith.addi %add3A_371, %scan3A_224 : i32
      %get3A_373 = arith.index_cast %add3A_372 : i32 to index
      %get3A_374 = arith.constant 0 : index
      %get3A_375 = tpu.vector_load %arg9[%get3A_373, %get3A_374] {strides = array<i32>} : memref<3200x16xf32, #tpu.memory_space<vmem>>, vector<1x16xf32>,
      %get3A_376 = vector.shape_cast %get3A_375 : vector<1x16xf32> to vector<16xf32>
      %add3A_377 = arith.addf %get3A_376, %get3A_227 : vector<16xf32>
      %swap3A_378 = arith.index_cast %add3A_372 : i32 to index
      %swap3A_379 = arith.constant 0 : index
      %swap3A_380 = tpu.vector_load %arg9[%swap3A_378, %swap3A_379] {strides = array<i32>} : memref<3200x16xf32, #tpu.memory_space<vmem>>, vector<1x16xf32>,
      %swap3A_381 = vector.shape_cast %swap3A_380 : vector<1x16xf32> to vector<16xf32>
      %swap3A_382 = vector.shape_cast %add3A_377 : vector<16xf32> to vector<1x16xf32>
      tpu.vector_store %arg9[%swap3A_378, %swap3A_379], %swap3A_382 {strides = array<i32>} : memref<3200x16xf32, #tpu.memory_space<vmem>>, vector<1x16xf32>,
      %add3A_383 = arith.constant 2600 : i32
      %add3A_384 = arith.addi %add3A_383, %scan3A_224 : i32
      %get3A_385 = arith.index_cast %add3A_384 : i32 to index
      %get3A_386 = arith.constant 0 : index
      %get3A_387 = tpu.vector_load %arg9[%get3A_385, %get3A_386] {strides = array<i32>} : memref<3200x16xf32, #tpu.memory_space<vmem>>, vector<1x16xf32>,
      %get3A_388 = vector.shape_cast %get3A_387 : vector<1x16xf32> to vector<16xf32>
      %add3A_389 = arith.addf %get3A_388, %get3A_227 : vector<16xf32>
      %swap3A_390 = arith.index_cast %add3A_384 : i32 to index
      %swap3A_391 = arith.constant 0 : index
      %swap3A_392 = tpu.vector_load %arg9[%swap3A_390, %swap3A_391] {strides = array<i32>} : memref<3200x16xf32, #tpu.memory_space<vmem>>, vector<1x16xf32>,
      %swap3A_393 = vector.shape_cast %swap3A_392 : vector<1x16xf32> to vector<16xf32>
      %swap3A_394 = vector.shape_cast %add3A_389 : vector<16xf32> to vector<1x16xf32>
      tpu.vector_store %arg9[%swap3A_390, %swap3A_391], %swap3A_394 {strides = array<i32>} : memref<3200x16xf32, #tpu.memory_space<vmem>>, vector<1x16xf32>,
      %add3A_395 = arith.constant 2800 : i32
      %add3A_396 = arith.addi %add3A_395, %scan3A_224 : i32
      %get3A_397 = arith.index_cast %add3A_396 : i32 to index
      %get3A_398 = arith.constant 0 : index
      %get3A_399 = tpu.vector_load %arg9[%get3A_397, %get3A_398] {strides = array<i32>} : memref<3200x16xf32, #tpu.memory_space<vmem>>, vector<1x16xf32>,
      %get3A_400 = vector.shape_cast %get3A_399 : vector<1x16xf32> to vector<16xf32>
      %add3A_401 = arith.addf %get3A_400, %get3A_227 : vector<16xf32>
      %swap3A_402 = arith.index_cast %add3A_396 : i32 to index
      %swap3A_403 = arith.constant 0 : index
      %swap3A_404 = tpu.vector_load %arg9[%swap3A_402, %swap3A_403] {strides = array<i32>} : memref<3200x16xf32, #tpu.memory_space<vmem>>, vector<1x16xf32>,
      %swap3A_405 = vector.shape_cast %swap3A_404 : vector<1x16xf32> to vector<16xf32>
      %swap3A_406 = vector.shape_cast %add3A_401 : vector<16xf32> to vector<1x16xf32>
      tpu.vector_store %arg9[%swap3A_402, %swap3A_403], %swap3A_406 {strides = array<i32>} : memref<3200x16xf32, #tpu.memory_space<vmem>>, vector<1x16xf32>,
      %add3A_407 = arith.constant 3000 : i32
      %add3A_408 = arith.addi %add3A_407, %scan3A_224 : i32
      %get3A_409 = arith.index_cast %add3A_408 : i32 to index
      %get3A_410 = arith.constant 0 : index
      %get3A_411 = tpu.vector_load %arg9[%get3A_409, %get3A_410] {strides = array<i32>} : memref<3200x16xf32, #tpu.memory_space<vmem>>, vector<1x16xf32>,
      %get3A_412 = vector.shape_cast %get3A_411 : vector<1x16xf32> to vector<16xf32>
      %add3A_413 = arith.addf %get3A_412, %get3A_227 : vector<16xf32>
      %swap3A_414 = arith.index_cast %add3A_408 : i32 to index
      %swap3A_415 = arith.constant 0 : index
      %swap3A_416 = tpu.vector_load %arg9[%swap3A_414, %swap3A_415] {strides = array<i32>} : memref<3200x16xf32, #tpu.memory_space<vmem>>, vector<1x16xf32>,
      %swap3A_417 = vector.shape_cast %swap3A_416 : vector<1x16xf32> to vector<16xf32>
      %swap3A_418 = vector.shape_cast %add3A_413 : vector<16xf32> to vector<1x16xf32>
      tpu.vector_store %arg9[%swap3A_414, %swap3A_415], %swap3A_418 {strides = array<i32>} : memref<3200x16xf32, #tpu.memory_space<vmem>>, vector<1x16xf32>,
    }
    %scan3A_114 = arith.constant 200 : i32
    %add3A_115 = arith.constant 9600 : i32
    %add3A_116 = arith.addi %mul3A_2, %add3A_115 : i32
    %dma_start3A_117 = arith.constant 0 : i32
    %dma_start3A_118 = tpu.memref_slice %arg5[%add3A_116, %dma_start3A_117] : memref<819200x16xf32, #tpu.memory_space<hbm>> -> memref<3200x16xf32, #tpu.memory_space<hbm>>
    %dma_start3A_119 = arith.constant 0 : i32
    %dma_start3A_120 = tpu.memref_slice %arg5[%add3A_116, %dma_start3A_119] : memref<819200x16xf32, #tpu.memory_space<hbm>> -> memref<3200x16xf32, #tpu.memory_space<hbm>>
    tpu.enqueue_dma source(%arg9 : memref<3200x16xf32, #tpu.memory_space<vmem>>) target(%dma_start3A_120 : memref<3200x16xf32, #tpu.memory_space<hbm>>) target_semaphore(%arg16 : memref<!tpu.dma_semaphore, #tpu.memory_space<semaphore_mem>>)
    %dma_wait3A_121 = arith.constant 0 : i32
    %dma_wait3A_122 = tpu.memref_slice %arg5[%add3A_116, %dma_wait3A_121] : memref<819200x16xf32, #tpu.memory_space<hbm>> -> memref<3200x16xf32, #tpu.memory_space<hbm>>
    %dma_wait3A_123 = arith.constant 0 : i32
    %dma_wait3A_124 = tpu.memref_slice %arg5[%add3A_116, %dma_wait3A_123] : memref<819200x16xf32, #tpu.memory_space<hbm>> -> memref<3200x16xf32, #tpu.memory_space<hbm>>
    tpu.wait_dma2 semaphore(%arg16 : memref<!tpu.dma_semaphore, #tpu.memory_space<semaphore_mem>>) src(%arg9 : memref<3200x16xf32, #tpu.memory_space<vmem>>) dst(%dma_wait3A_124 : memref<3200x16xf32, #tpu.memory_space<hbm>>)
    %dma_wait3A_125 = tpu.memref_slice %arg2[%add3A_106] : memref<819200xi32, #tpu.memory_space<hbm>> -> memref<3200xi32, #tpu.memory_space<hbm>>
    %dma_wait3A_126 = tpu.memref_slice %arg2[%add3A_106] : memref<819200xi32, #tpu.memory_space<hbm>> -> memref<3200xi32, #tpu.memory_space<hbm>>
    tpu.wait_dma2 semaphore(%arg12 : memref<!tpu.dma_semaphore, #tpu.memory_space<semaphore_mem>>) src(%dma_wait3A_126 : memref<3200xi32, #tpu.memory_space<hbm>>) dst(%arg7 : memref<3200xi32, #tpu.memory_space<vmem>>)
    %dma_start3A_127 = arith.constant 0 : i32
    %dma_start3A_128 = arith.constant 0 : i32
    %dma_start3A_129 = tpu.memref_slice %arg3[%dma_start3A_127, %dma_start3A_128] : memref<1000000x16xf32, #tpu.memory_space<hbm>> -> memref<1000000x16xf32, #tpu.memory_space<hbm>>
    tpu.enqueue_indirect_dma source(%dma_start3A_129 : memref<1000000x16xf32, #tpu.memory_space<hbm>>) target(%arg9 : memref<3200x16xf32, #tpu.memory_space<vmem>>) offsets(%arg7 : memref<3200xi32, #tpu.memory_space<vmem>>) semaphore(%arg14 : memref<!tpu.dma_semaphore, #tpu.memory_space<semaphore_mem>>)
    %dma_wait3A_130 = arith.constant 0 : i32
    %dma_wait3A_131 = arith.constant 0 : i32
    %dma_wait3A_132 = tpu.memref_slice %arg3[%dma_wait3A_130, %dma_wait3A_131] : memref<1000000x16xf32, #tpu.memory_space<hbm>> -> memref<1000000x16xf32, #tpu.memory_space<hbm>>
    tpu.wait_indirect_dma semaphore(%arg13 : memref<!tpu.dma_semaphore, #tpu.memory_space<semaphore_mem>>) src(%dma_wait3A_132 : memref<1000000x16xf32, #tpu.memory_space<hbm>>) dst(%arg8 : memref<3200x16xf32, #tpu.memory_space<vmem>>)
    %add3A_133 = arith.constant 19200 : i32
    %add3A_134 = arith.addi %mul3A_2, %add3A_133 : i32
    %dma_start3A_135 = tpu.memref_slice %arg2[%add3A_134] : memref<819200xi32, #tpu.memory_space<hbm>> -> memref<3200xi32, #tpu.memory_space<hbm>>
    %dma_start3A_136 = tpu.memref_slice %arg2[%add3A_134] : memref<819200xi32, #tpu.memory_space<hbm>> -> memref<3200xi32, #tpu.memory_space<hbm>>
    tpu.enqueue_dma source(%dma_start3A_136 : memref<3200xi32, #tpu.memory_space<hbm>>) target(%arg6 : memref<3200xi32, #tpu.memory_space<vmem>>) target_semaphore(%arg11 : memref<!tpu.dma_semaphore, #tpu.memory_space<semaphore_mem>>)
    %scan3A_137 = arith.constant 0 : i32
    %scan3A_138 = arith.constant 0 : i32
    %scan3A_139 = arith.constant 200 : i32
    %scan3A_140 = arith.addi %scan3A_138, %scan3A_139 : i32
    %scan3A_141 = arith.constant 1 : i32
    scf.for %scan3A_224 = %scan3A_138 to %scan3A_140 step %scan3A_141  : i32 {
      %get3A = arith.index_cast %scan3A_224 : i32 to index
      %get3A_225 = arith.constant 0 : index
      %get3A_226 = tpu.vector_load %arg10[%get3A, %get3A_225] {strides = array<i32>} : memref<200x16xf32, #tpu.memory_space<vmem>>, vector<1x16xf32>,
      %get3A_227 = vector.shape_cast %get3A_226 : vector<1x16xf32> to vector<16xf32>
      %add3A_228 = arith.constant 0 : i32
      %add3A_229 = arith.addi %add3A_228, %scan3A_224 : i32
      %get3A_230 = arith.index_cast %add3A_229 : i32 to index
      %get3A_231 = arith.constant 0 : index
      %get3A_232 = tpu.vector_load %arg8[%get3A_230, %get3A_231] {strides = array<i32>} : memref<3200x16xf32, #tpu.memory_space<vmem>>, vector<1x16xf32>,
      %get3A_233 = vector.shape_cast %get3A_232 : vector<1x16xf32> to vector<16xf32>
      %add3A_234 = arith.addf %get3A_233, %get3A_227 : vector<16xf32>
      %swap3A = arith.index_cast %add3A_229 : i32 to index
      %swap3A_235 = arith.constant 0 : index
      %swap3A_236 = tpu.vector_load %arg8[%swap3A, %swap3A_235] {strides = array<i32>} : memref<3200x16xf32, #tpu.memory_space<vmem>>, vector<1x16xf32>,
      %swap3A_237 = vector.shape_cast %swap3A_236 : vector<1x16xf32> to vector<16xf32>
      %swap3A_238 = vector.shape_cast %add3A_234 : vector<16xf32> to vector<1x16xf32>
      tpu.vector_store %arg8[%swap3A, %swap3A_235], %swap3A_238 {strides = array<i32>} : memref<3200x16xf32, #tpu.memory_space<vmem>>, vector<1x16xf32>,
      %add3A_239 = arith.constant 200 : i32
      %add3A_240 = arith.addi %add3A_239, %scan3A_224 : i32
      %get3A_241 = arith.index_cast %add3A_240 : i32 to index
      %get3A_242 = arith.constant 0 : index
      %get3A_243 = tpu.vector_load %arg8[%get3A_241, %get3A_242] {strides = array<i32>} : memref<3200x16xf32, #tpu.memory_space<vmem>>, vector<1x16xf32>,
      %get3A_244 = vector.shape_cast %get3A_243 : vector<1x16xf32> to vector<16xf32>
      %add3A_245 = arith.addf %get3A_244, %get3A_227 : vector<16xf32>
      %swap3A_246 = arith.index_cast %add3A_240 : i32 to index
      %swap3A_247 = arith.constant 0 : index
      %swap3A_248 = tpu.vector_load %arg8[%swap3A_246, %swap3A_247] {strides = array<i32>} : memref<3200x16xf32, #tpu.memory_space<vmem>>, vector<1x16xf32>,
      %swap3A_249 = vector.shape_cast %swap3A_248 : vector<1x16xf32> to vector<16xf32>
      %swap3A_250 = vector.shape_cast %add3A_245 : vector<16xf32> to vector<1x16xf32>
      tpu.vector_store %arg8[%swap3A_246, %swap3A_247], %swap3A_250 {strides = array<i32>} : memref<3200x16xf32, #tpu.memory_space<vmem>>, vector<1x16xf32>,
      %add3A_251 = arith.constant 400 : i32
      %add3A_252 = arith.addi %add3A_251, %scan3A_224 : i32
      %get3A_253 = arith.index_cast %add3A_252 : i32 to index
      %get3A_254 = arith.constant 0 : index
      %get3A_255 = tpu.vector_load %arg8[%get3A_253, %get3A_254] {strides = array<i32>} : memref<3200x16xf32, #tpu.memory_space<vmem>>, vector<1x16xf32>,
      %get3A_256 = vector.shape_cast %get3A_255 : vector<1x16xf32> to vector<16xf32>
      %add3A_257 = arith.addf %get3A_256, %get3A_227 : vector<16xf32>
      %swap3A_258 = arith.index_cast %add3A_252 : i32 to index
      %swap3A_259 = arith.constant 0 : index
      %swap3A_260 = tpu.vector_load %arg8[%swap3A_258, %swap3A_259] {strides = array<i32>} : memref<3200x16xf32, #tpu.memory_space<vmem>>, vector<1x16xf32>,
      %swap3A_261 = vector.shape_cast %swap3A_260 : vector<1x16xf32> to vector<16xf32>
      %swap3A_262 = vector.shape_cast %add3A_257 : vector<16xf32> to vector<1x16xf32>
      tpu.vector_store %arg8[%swap3A_258, %swap3A_259], %swap3A_262 {strides = array<i32>} : memref<3200x16xf32, #tpu.memory_space<vmem>>, vector<1x16xf32>,
      %add3A_263 = arith.constant 600 : i32
      %add3A_264 = arith.addi %add3A_263, %scan3A_224 : i32
      %get3A_265 = arith.index_cast %add3A_264 : i32 to index
      %get3A_266 = arith.constant 0 : index
      %get3A_267 = tpu.vector_load %arg8[%get3A_265, %get3A_266] {strides = array<i32>} : memref<3200x16xf32, #tpu.memory_space<vmem>>, vector<1x16xf32>,
      %get3A_268 = vector.shape_cast %get3A_267 : vector<1x16xf32> to vector<16xf32>
      %add3A_269 = arith.addf %get3A_268, %get3A_227 : vector<16xf32>
      %swap3A_270 = arith.index_cast %add3A_264 : i32 to index
      %swap3A_271 = arith.constant 0 : index
      %swap3A_272 = tpu.vector_load %arg8[%swap3A_270, %swap3A_271] {strides = array<i32>} : memref<3200x16xf32, #tpu.memory_space<vmem>>, vector<1x16xf32>,
      %swap3A_273 = vector.shape_cast %swap3A_272 : vector<1x16xf32> to vector<16xf32>
      %swap3A_274 = vector.shape_cast %add3A_269 : vector<16xf32> to vector<1x16xf32>
      tpu.vector_store %arg8[%swap3A_270, %swap3A_271], %swap3A_274 {strides = array<i32>} : memref<3200x16xf32, #tpu.memory_space<vmem>>, vector<1x16xf32>,
      %add3A_275 = arith.constant 800 : i32
      %add3A_276 = arith.addi %add3A_275, %scan3A_224 : i32
      %get3A_277 = arith.index_cast %add3A_276 : i32 to index
      %get3A_278 = arith.constant 0 : index
      %get3A_279 = tpu.vector_load %arg8[%get3A_277, %get3A_278] {strides = array<i32>} : memref<3200x16xf32, #tpu.memory_space<vmem>>, vector<1x16xf32>,
      %get3A_280 = vector.shape_cast %get3A_279 : vector<1x16xf32> to vector<16xf32>
      %add3A_281 = arith.addf %get3A_280, %get3A_227 : vector<16xf32>
      %swap3A_282 = arith.index_cast %add3A_276 : i32 to index
      %swap3A_283 = arith.constant 0 : index
      %swap3A_284 = tpu.vector_load %arg8[%swap3A_282, %swap3A_283] {strides = array<i32>} : memref<3200x16xf32, #tpu.memory_space<vmem>>, vector<1x16xf32>,
      %swap3A_285 = vector.shape_cast %swap3A_284 : vector<1x16xf32> to vector<16xf32>
      %swap3A_286 = vector.shape_cast %add3A_281 : vector<16xf32> to vector<1x16xf32>
      tpu.vector_store %arg8[%swap3A_282, %swap3A_283], %swap3A_286 {strides = array<i32>} : memref<3200x16xf32, #tpu.memory_space<vmem>>, vector<1x16xf32>,
      %add3A_287 = arith.constant 1000 : i32
      %add3A_288 = arith.addi %add3A_287, %scan3A_224 : i32
      %get3A_289 = arith.index_cast %add3A_288 : i32 to index
      %get3A_290 = arith.constant 0 : index
      %get3A_291 = tpu.vector_load %arg8[%get3A_289, %get3A_290] {strides = array<i32>} : memref<3200x16xf32, #tpu.memory_space<vmem>>, vector<1x16xf32>,
      %get3A_292 = vector.shape_cast %get3A_291 : vector<1x16xf32> to vector<16xf32>
      %add3A_293 = arith.addf %get3A_292, %get3A_227 : vector<16xf32>
      %swap3A_294 = arith.index_cast %add3A_288 : i32 to index
      %swap3A_295 = arith.constant 0 : index
      %swap3A_296 = tpu.vector_load %arg8[%swap3A_294, %swap3A_295] {strides = array<i32>} : memref<3200x16xf32, #tpu.memory_space<vmem>>, vector<1x16xf32>,
      %swap3A_297 = vector.shape_cast %swap3A_296 : vector<1x16xf32> to vector<16xf32>
      %swap3A_298 = vector.shape_cast %add3A_293 : vector<16xf32> to vector<1x16xf32>
      tpu.vector_store %arg8[%swap3A_294, %swap3A_295], %swap3A_298 {strides = array<i32>} : memref<3200x16xf32, #tpu.memory_space<vmem>>, vector<1x16xf32>,
      %add3A_299 = arith.constant 1200 : i32
      %add3A_300 = arith.addi %add3A_299, %scan3A_224 : i32
      %get3A_301 = arith.index_cast %add3A_300 : i32 to index
      %get3A_302 = arith.constant 0 : index
      %get3A_303 = tpu.vector_load %arg8[%get3A_301, %get3A_302] {strides = array<i32>} : memref<3200x16xf32, #tpu.memory_space<vmem>>, vector<1x16xf32>,
      %get3A_304 = vector.shape_cast %get3A_303 : vector<1x16xf32> to vector<16xf32>
      %add3A_305 = arith.addf %get3A_304, %get3A_227 : vector<16xf32>
      %swap3A_306 = arith.index_cast %add3A_300 : i32 to index
      %swap3A_307 = arith.constant 0 : index
      %swap3A_308 = tpu.vector_load %arg8[%swap3A_306, %swap3A_307] {strides = array<i32>} : memref<3200x16xf32, #tpu.memory_space<vmem>>, vector<1x16xf32>,
      %swap3A_309 = vector.shape_cast %swap3A_308 : vector<1x16xf32> to vector<16xf32>
      %swap3A_310 = vector.shape_cast %add3A_305 : vector<16xf32> to vector<1x16xf32>
      tpu.vector_store %arg8[%swap3A_306, %swap3A_307], %swap3A_310 {strides = array<i32>} : memref<3200x16xf32, #tpu.memory_space<vmem>>, vector<1x16xf32>,
      %add3A_311 = arith.constant 1400 : i32
      %add3A_312 = arith.addi %add3A_311, %scan3A_224 : i32
      %get3A_313 = arith.index_cast %add3A_312 : i32 to index
      %get3A_314 = arith.constant 0 : index
      %get3A_315 = tpu.vector_load %arg8[%get3A_313, %get3A_314] {strides = array<i32>} : memref<3200x16xf32, #tpu.memory_space<vmem>>, vector<1x16xf32>,
      %get3A_316 = vector.shape_cast %get3A_315 : vector<1x16xf32> to vector<16xf32>
      %add3A_317 = arith.addf %get3A_316, %get3A_227 : vector<16xf32>
      %swap3A_318 = arith.index_cast %add3A_312 : i32 to index
      %swap3A_319 = arith.constant 0 : index
      %swap3A_320 = tpu.vector_load %arg8[%swap3A_318, %swap3A_319] {strides = array<i32>} : memref<3200x16xf32, #tpu.memory_space<vmem>>, vector<1x16xf32>,
      %swap3A_321 = vector.shape_cast %swap3A_320 : vector<1x16xf32> to vector<16xf32>
      %swap3A_322 = vector.shape_cast %add3A_317 : vector<16xf32> to vector<1x16xf32>
      tpu.vector_store %arg8[%swap3A_318, %swap3A_319], %swap3A_322 {strides = array<i32>} : memref<3200x16xf32, #tpu.memory_space<vmem>>, vector<1x16xf32>,
      %add3A_323 = arith.constant 1600 : i32
      %add3A_324 = arith.addi %add3A_323, %scan3A_224 : i32
      %get3A_325 = arith.index_cast %add3A_324 : i32 to index
      %get3A_326 = arith.constant 0 : index
      %get3A_327 = tpu.vector_load %arg8[%get3A_325, %get3A_326] {strides = array<i32>} : memref<3200x16xf32, #tpu.memory_space<vmem>>, vector<1x16xf32>,
      %get3A_328 = vector.shape_cast %get3A_327 : vector<1x16xf32> to vector<16xf32>
      %add3A_329 = arith.addf %get3A_328, %get3A_227 : vector<16xf32>
      %swap3A_330 = arith.index_cast %add3A_324 : i32 to index
      %swap3A_331 = arith.constant 0 : index
      %swap3A_332 = tpu.vector_load %arg8[%swap3A_330, %swap3A_331] {strides = array<i32>} : memref<3200x16xf32, #tpu.memory_space<vmem>>, vector<1x16xf32>,
      %swap3A_333 = vector.shape_cast %swap3A_332 : vector<1x16xf32> to vector<16xf32>
      %swap3A_334 = vector.shape_cast %add3A_329 : vector<16xf32> to vector<1x16xf32>
      tpu.vector_store %arg8[%swap3A_330, %swap3A_331], %swap3A_334 {strides = array<i32>} : memref<3200x16xf32, #tpu.memory_space<vmem>>, vector<1x16xf32>,
      %add3A_335 = arith.constant 1800 : i32
      %add3A_336 = arith.addi %add3A_335, %scan3A_224 : i32
      %get3A_337 = arith.index_cast %add3A_336 : i32 to index
      %get3A_338 = arith.constant 0 : index
      %get3A_339 = tpu.vector_load %arg8[%get3A_337, %get3A_338] {strides = array<i32>} : memref<3200x16xf32, #tpu.memory_space<vmem>>, vector<1x16xf32>,
      %get3A_340 = vector.shape_cast %get3A_339 : vector<1x16xf32> to vector<16xf32>
      %add3A_341 = arith.addf %get3A_340, %get3A_227 : vector<16xf32>
      %swap3A_342 = arith.index_cast %add3A_336 : i32 to index
      %swap3A_343 = arith.constant 0 : index
      %swap3A_344 = tpu.vector_load %arg8[%swap3A_342, %swap3A_343] {strides = array<i32>} : memref<3200x16xf32, #tpu.memory_space<vmem>>, vector<1x16xf32>,
      %swap3A_345 = vector.shape_cast %swap3A_344 : vector<1x16xf32> to vector<16xf32>
      %swap3A_346 = vector.shape_cast %add3A_341 : vector<16xf32> to vector<1x16xf32>
      tpu.vector_store %arg8[%swap3A_342, %swap3A_343], %swap3A_346 {strides = array<i32>} : memref<3200x16xf32, #tpu.memory_space<vmem>>, vector<1x16xf32>,
      %add3A_347 = arith.constant 2000 : i32
      %add3A_348 = arith.addi %add3A_347, %scan3A_224 : i32
      %get3A_349 = arith.index_cast %add3A_348 : i32 to index
      %get3A_350 = arith.constant 0 : index
      %get3A_351 = tpu.vector_load %arg8[%get3A_349, %get3A_350] {strides = array<i32>} : memref<3200x16xf32, #tpu.memory_space<vmem>>, vector<1x16xf32>,
      %get3A_352 = vector.shape_cast %get3A_351 : vector<1x16xf32> to vector<16xf32>
      %add3A_353 = arith.addf %get3A_352, %get3A_227 : vector<16xf32>
      %swap3A_354 = arith.index_cast %add3A_348 : i32 to index
      %swap3A_355 = arith.constant 0 : index
      %swap3A_356 = tpu.vector_load %arg8[%swap3A_354, %swap3A_355] {strides = array<i32>} : memref<3200x16xf32, #tpu.memory_space<vmem>>, vector<1x16xf32>,
      %swap3A_357 = vector.shape_cast %swap3A_356 : vector<1x16xf32> to vector<16xf32>
      %swap3A_358 = vector.shape_cast %add3A_353 : vector<16xf32> to vector<1x16xf32>
      tpu.vector_store %arg8[%swap3A_354, %swap3A_355], %swap3A_358 {strides = array<i32>} : memref<3200x16xf32, #tpu.memory_space<vmem>>, vector<1x16xf32>,
      %add3A_359 = arith.constant 2200 : i32
      %add3A_360 = arith.addi %add3A_359, %scan3A_224 : i32
      %get3A_361 = arith.index_cast %add3A_360 : i32 to index
      %get3A_362 = arith.constant 0 : index
      %get3A_363 = tpu.vector_load %arg8[%get3A_361, %get3A_362] {strides = array<i32>} : memref<3200x16xf32, #tpu.memory_space<vmem>>, vector<1x16xf32>,
      %get3A_364 = vector.shape_cast %get3A_363 : vector<1x16xf32> to vector<16xf32>
      %add3A_365 = arith.addf %get3A_364, %get3A_227 : vector<16xf32>
      %swap3A_366 = arith.index_cast %add3A_360 : i32 to index
      %swap3A_367 = arith.constant 0 : index
      %swap3A_368 = tpu.vector_load %arg8[%swap3A_366, %swap3A_367] {strides = array<i32>} : memref<3200x16xf32, #tpu.memory_space<vmem>>, vector<1x16xf32>,
      %swap3A_369 = vector.shape_cast %swap3A_368 : vector<1x16xf32> to vector<16xf32>
      %swap3A_370 = vector.shape_cast %add3A_365 : vector<16xf32> to vector<1x16xf32>
      tpu.vector_store %arg8[%swap3A_366, %swap3A_367], %swap3A_370 {strides = array<i32>} : memref<3200x16xf32, #tpu.memory_space<vmem>>, vector<1x16xf32>,
      %add3A_371 = arith.constant 2400 : i32
      %add3A_372 = arith.addi %add3A_371, %scan3A_224 : i32
      %get3A_373 = arith.index_cast %add3A_372 : i32 to index
      %get3A_374 = arith.constant 0 : index
      %get3A_375 = tpu.vector_load %arg8[%get3A_373, %get3A_374] {strides = array<i32>} : memref<3200x16xf32, #tpu.memory_space<vmem>>, vector<1x16xf32>,
      %get3A_376 = vector.shape_cast %get3A_375 : vector<1x16xf32> to vector<16xf32>
      %add3A_377 = arith.addf %get3A_376, %get3A_227 : vector<16xf32>
      %swap3A_378 = arith.index_cast %add3A_372 : i32 to index
      %swap3A_379 = arith.constant 0 : index
      %swap3A_380 = tpu.vector_load %arg8[%swap3A_378, %swap3A_379] {strides = array<i32>} : memref<3200x16xf32, #tpu.memory_space<vmem>>, vector<1x16xf32>,
      %swap3A_381 = vector.shape_cast %swap3A_380 : vector<1x16xf32> to vector<16xf32>
      %swap3A_382 = vector.shape_cast %add3A_377 : vector<16xf32> to vector<1x16xf32>
      tpu.vector_store %arg8[%swap3A_378, %swap3A_379], %swap3A_382 {strides = array<i32>} : memref<3200x16xf32, #tpu.memory_space<vmem>>, vector<1x16xf32>,
      %add3A_383 = arith.constant 2600 : i32
      %add3A_384 = arith.addi %add3A_383, %scan3A_224 : i32
      %get3A_385 = arith.index_cast %add3A_384 : i32 to index
      %get3A_386 = arith.constant 0 : index
      %get3A_387 = tpu.vector_load %arg8[%get3A_385, %get3A_386] {strides = array<i32>} : memref<3200x16xf32, #tpu.memory_space<vmem>>, vector<1x16xf32>,
      %get3A_388 = vector.shape_cast %get3A_387 : vector<1x16xf32> to vector<16xf32>
      %add3A_389 = arith.addf %get3A_388, %get3A_227 : vector<16xf32>
      %swap3A_390 = arith.index_cast %add3A_384 : i32 to index
      %swap3A_391 = arith.constant 0 : index
      %swap3A_392 = tpu.vector_load %arg8[%swap3A_390, %swap3A_391] {strides = array<i32>} : memref<3200x16xf32, #tpu.memory_space<vmem>>, vector<1x16xf32>,
      %swap3A_393 = vector.shape_cast %swap3A_392 : vector<1x16xf32> to vector<16xf32>
      %swap3A_394 = vector.shape_cast %add3A_389 : vector<16xf32> to vector<1x16xf32>
      tpu.vector_store %arg8[%swap3A_390, %swap3A_391], %swap3A_394 {strides = array<i32>} : memref<3200x16xf32, #tpu.memory_space<vmem>>, vector<1x16xf32>,
      %add3A_395 = arith.constant 2800 : i32
      %add3A_396 = arith.addi %add3A_395, %scan3A_224 : i32
      %get3A_397 = arith.index_cast %add3A_396 : i32 to index
      %get3A_398 = arith.constant 0 : index
      %get3A_399 = tpu.vector_load %arg8[%get3A_397, %get3A_398] {strides = array<i32>} : memref<3200x16xf32, #tpu.memory_space<vmem>>, vector<1x16xf32>,
      %get3A_400 = vector.shape_cast %get3A_399 : vector<1x16xf32> to vector<16xf32>
      %add3A_401 = arith.addf %get3A_400, %get3A_227 : vector<16xf32>
      %swap3A_402 = arith.index_cast %add3A_396 : i32 to index
      %swap3A_403 = arith.constant 0 : index
      %swap3A_404 = tpu.vector_load %arg8[%swap3A_402, %swap3A_403] {strides = array<i32>} : memref<3200x16xf32, #tpu.memory_space<vmem>>, vector<1x16xf32>,
      %swap3A_405 = vector.shape_cast %swap3A_404 : vector<1x16xf32> to vector<16xf32>
      %swap3A_406 = vector.shape_cast %add3A_401 : vector<16xf32> to vector<1x16xf32>
      tpu.vector_store %arg8[%swap3A_402, %swap3A_403], %swap3A_406 {strides = array<i32>} : memref<3200x16xf32, #tpu.memory_space<vmem>>, vector<1x16xf32>,
      %add3A_407 = arith.constant 3000 : i32
      %add3A_408 = arith.addi %add3A_407, %scan3A_224 : i32
      %get3A_409 = arith.index_cast %add3A_408 : i32 to index
      %get3A_410 = arith.constant 0 : index
      %get3A_411 = tpu.vector_load %arg8[%get3A_409, %get3A_410] {strides = array<i32>} : memref<3200x16xf32, #tpu.memory_space<vmem>>, vector<1x16xf32>,
      %get3A_412 = vector.shape_cast %get3A_411 : vector<1x16xf32> to vector<16xf32>
      %add3A_413 = arith.addf %get3A_412, %get3A_227 : vector<16xf32>
      %swap3A_414 = arith.index_cast %add3A_408 : i32 to index
      %swap3A_415 = arith.constant 0 : index
      %swap3A_416 = tpu.vector_load %arg8[%swap3A_414, %swap3A_415] {strides = array<i32>} : memref<3200x16xf32, #tpu.memory_space<vmem>>, vector<1x16xf32>,
      %swap3A_417 = vector.shape_cast %swap3A_416 : vector<1x16xf32> to vector<16xf32>
      %swap3A_418 = vector.shape_cast %add3A_413 : vector<16xf32> to vector<1x16xf32>
      tpu.vector_store %arg8[%swap3A_414, %swap3A_415], %swap3A_418 {strides = array<i32>} : memref<3200x16xf32, #tpu.memory_space<vmem>>, vector<1x16xf32>,
    }
    %scan3A_142 = arith.constant 200 : i32
    %add3A_143 = arith.constant 12800 : i32
    %add3A_144 = arith.addi %mul3A_2, %add3A_143 : i32
    %dma_start3A_145 = arith.constant 0 : i32
    %dma_start3A_146 = tpu.memref_slice %arg5[%add3A_144, %dma_start3A_145] : memref<819200x16xf32, #tpu.memory_space<hbm>> -> memref<3200x16xf32, #tpu.memory_space<hbm>>
    %dma_start3A_147 = arith.constant 0 : i32
    %dma_start3A_148 = tpu.memref_slice %arg5[%add3A_144, %dma_start3A_147] : memref<819200x16xf32, #tpu.memory_space<hbm>> -> memref<3200x16xf32, #tpu.memory_space<hbm>>
    tpu.enqueue_dma source(%arg8 : memref<3200x16xf32, #tpu.memory_space<vmem>>) target(%dma_start3A_148 : memref<3200x16xf32, #tpu.memory_space<hbm>>) target_semaphore(%arg15 : memref<!tpu.dma_semaphore, #tpu.memory_space<semaphore_mem>>)
    %dma_wait3A_149 = arith.constant 0 : i32
    %dma_wait3A_150 = tpu.memref_slice %arg5[%add3A_144, %dma_wait3A_149] : memref<819200x16xf32, #tpu.memory_space<hbm>> -> memref<3200x16xf32, #tpu.memory_space<hbm>>
    %dma_wait3A_151 = arith.constant 0 : i32
    %dma_wait3A_152 = tpu.memref_slice %arg5[%add3A_144, %dma_wait3A_151] : memref<819200x16xf32, #tpu.memory_space<hbm>> -> memref<3200x16xf32, #tpu.memory_space<hbm>>
    tpu.wait_dma2 semaphore(%arg15 : memref<!tpu.dma_semaphore, #tpu.memory_space<semaphore_mem>>) src(%arg8 : memref<3200x16xf32, #tpu.memory_space<vmem>>) dst(%dma_wait3A_152 : memref<3200x16xf32, #tpu.memory_space<hbm>>)
    %dma_wait3A_153 = tpu.memref_slice %arg2[%add3A_134] : memref<819200xi32, #tpu.memory_space<hbm>> -> memref<3200xi32, #tpu.memory_space<hbm>>
    %dma_wait3A_154 = tpu.memref_slice %arg2[%add3A_134] : memref<819200xi32, #tpu.memory_space<hbm>> -> memref<3200xi32, #tpu.memory_space<hbm>>
    tpu.wait_dma2 semaphore(%arg11 : memref<!tpu.dma_semaphore, #tpu.memory_space<semaphore_mem>>) src(%dma_wait3A_154 : memref<3200xi32, #tpu.memory_space<hbm>>) dst(%arg6 : memref<3200xi32, #tpu.memory_space<vmem>>)
    %dma_start3A_155 = arith.constant 0 : i32
    %dma_start3A_156 = arith.constant 0 : i32
    %dma_start3A_157 = tpu.memref_slice %arg3[%dma_start3A_155, %dma_start3A_156] : memref<1000000x16xf32, #tpu.memory_space<hbm>> -> memref<1000000x16xf32, #tpu.memory_space<hbm>>
    tpu.enqueue_indirect_dma source(%dma_start3A_157 : memref<1000000x16xf32, #tpu.memory_space<hbm>>) target(%arg8 : memref<3200x16xf32, #tpu.memory_space<vmem>>) offsets(%arg6 : memref<3200xi32, #tpu.memory_space<vmem>>) semaphore(%arg13 : memref<!tpu.dma_semaphore, #tpu.memory_space<semaphore_mem>>)
    %dma_wait3A_158 = arith.constant 0 : i32
    %dma_wait3A_159 = arith.constant 0 : i32
    %dma_wait3A_160 = tpu.memref_slice %arg3[%dma_wait3A_158, %dma_wait3A_159] : memref<1000000x16xf32, #tpu.memory_space<hbm>> -> memref<1000000x16xf32, #tpu.memory_space<hbm>>
    tpu.wait_indirect_dma semaphore(%arg14 : memref<!tpu.dma_semaphore, #tpu.memory_space<semaphore_mem>>) src(%dma_wait3A_160 : memref<1000000x16xf32, #tpu.memory_space<hbm>>) dst(%arg9 : memref<3200x16xf32, #tpu.memory_space<vmem>>)
    %add3A_161 = arith.constant 22400 : i32
    %add3A_162 = arith.addi %mul3A_2, %add3A_161 : i32
    %dma_start3A_163 = tpu.memref_slice %arg2[%add3A_162] : memref<819200xi32, #tpu.memory_space<hbm>> -> memref<3200xi32, #tpu.memory_space<hbm>>
    %dma_start3A_164 = tpu.memref_slice %arg2[%add3A_162] : memref<819200xi32, #tpu.memory_space<hbm>> -> memref<3200xi32, #tpu.memory_space<hbm>>
    tpu.enqueue_dma source(%dma_start3A_164 : memref<3200xi32, #tpu.memory_space<hbm>>) target(%arg7 : memref<3200xi32, #tpu.memory_space<vmem>>) target_semaphore(%arg12 : memref<!tpu.dma_semaphore, #tpu.memory_space<semaphore_mem>>)
    %scan3A_165 = arith.constant 0 : i32
    %scan3A_166 = arith.constant 0 : i32
    %scan3A_167 = arith.constant 200 : i32
    %scan3A_168 = arith.addi %scan3A_166, %scan3A_167 : i32
    %scan3A_169 = arith.constant 1 : i32
    scf.for %scan3A_224 = %scan3A_166 to %scan3A_168 step %scan3A_169  : i32 {
      %get3A = arith.index_cast %scan3A_224 : i32 to index
      %get3A_225 = arith.constant 0 : index
      %get3A_226 = tpu.vector_load %arg10[%get3A, %get3A_225] {strides = array<i32>} : memref<200x16xf32, #tpu.memory_space<vmem>>, vector<1x16xf32>,
      %get3A_227 = vector.shape_cast %get3A_226 : vector<1x16xf32> to vector<16xf32>
      %add3A_228 = arith.constant 0 : i32
      %add3A_229 = arith.addi %add3A_228, %scan3A_224 : i32
      %get3A_230 = arith.index_cast %add3A_229 : i32 to index
      %get3A_231 = arith.constant 0 : index
      %get3A_232 = tpu.vector_load %arg9[%get3A_230, %get3A_231] {strides = array<i32>} : memref<3200x16xf32, #tpu.memory_space<vmem>>, vector<1x16xf32>,
      %get3A_233 = vector.shape_cast %get3A_232 : vector<1x16xf32> to vector<16xf32>
      %add3A_234 = arith.addf %get3A_233, %get3A_227 : vector<16xf32>
      %swap3A = arith.index_cast %add3A_229 : i32 to index
      %swap3A_235 = arith.constant 0 : index
      %swap3A_236 = tpu.vector_load %arg9[%swap3A, %swap3A_235] {strides = array<i32>} : memref<3200x16xf32, #tpu.memory_space<vmem>>, vector<1x16xf32>,
      %swap3A_237 = vector.shape_cast %swap3A_236 : vector<1x16xf32> to vector<16xf32>
      %swap3A_238 = vector.shape_cast %add3A_234 : vector<16xf32> to vector<1x16xf32>
      tpu.vector_store %arg9[%swap3A, %swap3A_235], %swap3A_238 {strides = array<i32>} : memref<3200x16xf32, #tpu.memory_space<vmem>>, vector<1x16xf32>,
      %add3A_239 = arith.constant 200 : i32
      %add3A_240 = arith.addi %add3A_239, %scan3A_224 : i32
      %get3A_241 = arith.index_cast %add3A_240 : i32 to index
      %get3A_242 = arith.constant 0 : index
      %get3A_243 = tpu.vector_load %arg9[%get3A_241, %get3A_242] {strides = array<i32>} : memref<3200x16xf32, #tpu.memory_space<vmem>>, vector<1x16xf32>,
      %get3A_244 = vector.shape_cast %get3A_243 : vector<1x16xf32> to vector<16xf32>
      %add3A_245 = arith.addf %get3A_244, %get3A_227 : vector<16xf32>
      %swap3A_246 = arith.index_cast %add3A_240 : i32 to index
      %swap3A_247 = arith.constant 0 : index
      %swap3A_248 = tpu.vector_load %arg9[%swap3A_246, %swap3A_247] {strides = array<i32>} : memref<3200x16xf32, #tpu.memory_space<vmem>>, vector<1x16xf32>,
      %swap3A_249 = vector.shape_cast %swap3A_248 : vector<1x16xf32> to vector<16xf32>
      %swap3A_250 = vector.shape_cast %add3A_245 : vector<16xf32> to vector<1x16xf32>
      tpu.vector_store %arg9[%swap3A_246, %swap3A_247], %swap3A_250 {strides = array<i32>} : memref<3200x16xf32, #tpu.memory_space<vmem>>, vector<1x16xf32>,
      %add3A_251 = arith.constant 400 : i32
      %add3A_252 = arith.addi %add3A_251, %scan3A_224 : i32
      %get3A_253 = arith.index_cast %add3A_252 : i32 to index
      %get3A_254 = arith.constant 0 : index
      %get3A_255 = tpu.vector_load %arg9[%get3A_253, %get3A_254] {strides = array<i32>} : memref<3200x16xf32, #tpu.memory_space<vmem>>, vector<1x16xf32>,
      %get3A_256 = vector.shape_cast %get3A_255 : vector<1x16xf32> to vector<16xf32>
      %add3A_257 = arith.addf %get3A_256, %get3A_227 : vector<16xf32>
      %swap3A_258 = arith.index_cast %add3A_252 : i32 to index
      %swap3A_259 = arith.constant 0 : index
      %swap3A_260 = tpu.vector_load %arg9[%swap3A_258, %swap3A_259] {strides = array<i32>} : memref<3200x16xf32, #tpu.memory_space<vmem>>, vector<1x16xf32>,
      %swap3A_261 = vector.shape_cast %swap3A_260 : vector<1x16xf32> to vector<16xf32>
      %swap3A_262 = vector.shape_cast %add3A_257 : vector<16xf32> to vector<1x16xf32>
      tpu.vector_store %arg9[%swap3A_258, %swap3A_259], %swap3A_262 {strides = array<i32>} : memref<3200x16xf32, #tpu.memory_space<vmem>>, vector<1x16xf32>,
      %add3A_263 = arith.constant 600 : i32
      %add3A_264 = arith.addi %add3A_263, %scan3A_224 : i32
      %get3A_265 = arith.index_cast %add3A_264 : i32 to index
      %get3A_266 = arith.constant 0 : index
      %get3A_267 = tpu.vector_load %arg9[%get3A_265, %get3A_266] {strides = array<i32>} : memref<3200x16xf32, #tpu.memory_space<vmem>>, vector<1x16xf32>,
      %get3A_268 = vector.shape_cast %get3A_267 : vector<1x16xf32> to vector<16xf32>
      %add3A_269 = arith.addf %get3A_268, %get3A_227 : vector<16xf32>
      %swap3A_270 = arith.index_cast %add3A_264 : i32 to index
      %swap3A_271 = arith.constant 0 : index
      %swap3A_272 = tpu.vector_load %arg9[%swap3A_270, %swap3A_271] {strides = array<i32>} : memref<3200x16xf32, #tpu.memory_space<vmem>>, vector<1x16xf32>,
      %swap3A_273 = vector.shape_cast %swap3A_272 : vector<1x16xf32> to vector<16xf32>
      %swap3A_274 = vector.shape_cast %add3A_269 : vector<16xf32> to vector<1x16xf32>
      tpu.vector_store %arg9[%swap3A_270, %swap3A_271], %swap3A_274 {strides = array<i32>} : memref<3200x16xf32, #tpu.memory_space<vmem>>, vector<1x16xf32>,
      %add3A_275 = arith.constant 800 : i32
      %add3A_276 = arith.addi %add3A_275, %scan3A_224 : i32
      %get3A_277 = arith.index_cast %add3A_276 : i32 to index
      %get3A_278 = arith.constant 0 : index
      %get3A_279 = tpu.vector_load %arg9[%get3A_277, %get3A_278] {strides = array<i32>} : memref<3200x16xf32, #tpu.memory_space<vmem>>, vector<1x16xf32>,
      %get3A_280 = vector.shape_cast %get3A_279 : vector<1x16xf32> to vector<16xf32>
      %add3A_281 = arith.addf %get3A_280, %get3A_227 : vector<16xf32>
      %swap3A_282 = arith.index_cast %add3A_276 : i32 to index
      %swap3A_283 = arith.constant 0 : index
      %swap3A_284 = tpu.vector_load %arg9[%swap3A_282, %swap3A_283] {strides = array<i32>} : memref<3200x16xf32, #tpu.memory_space<vmem>>, vector<1x16xf32>,
      %swap3A_285 = vector.shape_cast %swap3A_284 : vector<1x16xf32> to vector<16xf32>
      %swap3A_286 = vector.shape_cast %add3A_281 : vector<16xf32> to vector<1x16xf32>
      tpu.vector_store %arg9[%swap3A_282, %swap3A_283], %swap3A_286 {strides = array<i32>} : memref<3200x16xf32, #tpu.memory_space<vmem>>, vector<1x16xf32>,
      %add3A_287 = arith.constant 1000 : i32
      %add3A_288 = arith.addi %add3A_287, %scan3A_224 : i32
      %get3A_289 = arith.index_cast %add3A_288 : i32 to index
      %get3A_290 = arith.constant 0 : index
      %get3A_291 = tpu.vector_load %arg9[%get3A_289, %get3A_290] {strides = array<i32>} : memref<3200x16xf32, #tpu.memory_space<vmem>>, vector<1x16xf32>,
      %get3A_292 = vector.shape_cast %get3A_291 : vector<1x16xf32> to vector<16xf32>
      %add3A_293 = arith.addf %get3A_292, %get3A_227 : vector<16xf32>
      %swap3A_294 = arith.index_cast %add3A_288 : i32 to index
      %swap3A_295 = arith.constant 0 : index
      %swap3A_296 = tpu.vector_load %arg9[%swap3A_294, %swap3A_295] {strides = array<i32>} : memref<3200x16xf32, #tpu.memory_space<vmem>>, vector<1x16xf32>,
      %swap3A_297 = vector.shape_cast %swap3A_296 : vector<1x16xf32> to vector<16xf32>
      %swap3A_298 = vector.shape_cast %add3A_293 : vector<16xf32> to vector<1x16xf32>
      tpu.vector_store %arg9[%swap3A_294, %swap3A_295], %swap3A_298 {strides = array<i32>} : memref<3200x16xf32, #tpu.memory_space<vmem>>, vector<1x16xf32>,
      %add3A_299 = arith.constant 1200 : i32
      %add3A_300 = arith.addi %add3A_299, %scan3A_224 : i32
      %get3A_301 = arith.index_cast %add3A_300 : i32 to index
      %get3A_302 = arith.constant 0 : index
      %get3A_303 = tpu.vector_load %arg9[%get3A_301, %get3A_302] {strides = array<i32>} : memref<3200x16xf32, #tpu.memory_space<vmem>>, vector<1x16xf32>,
      %get3A_304 = vector.shape_cast %get3A_303 : vector<1x16xf32> to vector<16xf32>
      %add3A_305 = arith.addf %get3A_304, %get3A_227 : vector<16xf32>
      %swap3A_306 = arith.index_cast %add3A_300 : i32 to index
      %swap3A_307 = arith.constant 0 : index
      %swap3A_308 = tpu.vector_load %arg9[%swap3A_306, %swap3A_307] {strides = array<i32>} : memref<3200x16xf32, #tpu.memory_space<vmem>>, vector<1x16xf32>,
      %swap3A_309 = vector.shape_cast %swap3A_308 : vector<1x16xf32> to vector<16xf32>
      %swap3A_310 = vector.shape_cast %add3A_305 : vector<16xf32> to vector<1x16xf32>
      tpu.vector_store %arg9[%swap3A_306, %swap3A_307], %swap3A_310 {strides = array<i32>} : memref<3200x16xf32, #tpu.memory_space<vmem>>, vector<1x16xf32>,
      %add3A_311 = arith.constant 1400 : i32
      %add3A_312 = arith.addi %add3A_311, %scan3A_224 : i32
      %get3A_313 = arith.index_cast %add3A_312 : i32 to index
      %get3A_314 = arith.constant 0 : index
      %get3A_315 = tpu.vector_load %arg9[%get3A_313, %get3A_314] {strides = array<i32>} : memref<3200x16xf32, #tpu.memory_space<vmem>>, vector<1x16xf32>,
      %get3A_316 = vector.shape_cast %get3A_315 : vector<1x16xf32> to vector<16xf32>
      %add3A_317 = arith.addf %get3A_316, %get3A_227 : vector<16xf32>
      %swap3A_318 = arith.index_cast %add3A_312 : i32 to index
      %swap3A_319 = arith.constant 0 : index
      %swap3A_320 = tpu.vector_load %arg9[%swap3A_318, %swap3A_319] {strides = array<i32>} : memref<3200x16xf32, #tpu.memory_space<vmem>>, vector<1x16xf32>,
      %swap3A_321 = vector.shape_cast %swap3A_320 : vector<1x16xf32> to vector<16xf32>
      %swap3A_322 = vector.shape_cast %add3A_317 : vector<16xf32> to vector<1x16xf32>
      tpu.vector_store %arg9[%swap3A_318, %swap3A_319], %swap3A_322 {strides = array<i32>} : memref<3200x16xf32, #tpu.memory_space<vmem>>, vector<1x16xf32>,
      %add3A_323 = arith.constant 1600 : i32
      %add3A_324 = arith.addi %add3A_323, %scan3A_224 : i32
      %get3A_325 = arith.index_cast %add3A_324 : i32 to index
      %get3A_326 = arith.constant 0 : index
      %get3A_327 = tpu.vector_load %arg9[%get3A_325, %get3A_326] {strides = array<i32>} : memref<3200x16xf32, #tpu.memory_space<vmem>>, vector<1x16xf32>,
      %get3A_328 = vector.shape_cast %get3A_327 : vector<1x16xf32> to vector<16xf32>
      %add3A_329 = arith.addf %get3A_328, %get3A_227 : vector<16xf32>
      %swap3A_330 = arith.index_cast %add3A_324 : i32 to index
      %swap3A_331 = arith.constant 0 : index
      %swap3A_332 = tpu.vector_load %arg9[%swap3A_330, %swap3A_331] {strides = array<i32>} : memref<3200x16xf32, #tpu.memory_space<vmem>>, vector<1x16xf32>,
      %swap3A_333 = vector.shape_cast %swap3A_332 : vector<1x16xf32> to vector<16xf32>
      %swap3A_334 = vector.shape_cast %add3A_329 : vector<16xf32> to vector<1x16xf32>
      tpu.vector_store %arg9[%swap3A_330, %swap3A_331], %swap3A_334 {strides = array<i32>} : memref<3200x16xf32, #tpu.memory_space<vmem>>, vector<1x16xf32>,
      %add3A_335 = arith.constant 1800 : i32
      %add3A_336 = arith.addi %add3A_335, %scan3A_224 : i32
      %get3A_337 = arith.index_cast %add3A_336 : i32 to index
      %get3A_338 = arith.constant 0 : index
      %get3A_339 = tpu.vector_load %arg9[%get3A_337, %get3A_338] {strides = array<i32>} : memref<3200x16xf32, #tpu.memory_space<vmem>>, vector<1x16xf32>,
      %get3A_340 = vector.shape_cast %get3A_339 : vector<1x16xf32> to vector<16xf32>
      %add3A_341 = arith.addf %get3A_340, %get3A_227 : vector<16xf32>
      %swap3A_342 = arith.index_cast %add3A_336 : i32 to index
      %swap3A_343 = arith.constant 0 : index
      %swap3A_344 = tpu.vector_load %arg9[%swap3A_342, %swap3A_343] {strides = array<i32>} : memref<3200x16xf32, #tpu.memory_space<vmem>>, vector<1x16xf32>,
      %swap3A_345 = vector.shape_cast %swap3A_344 : vector<1x16xf32> to vector<16xf32>
      %swap3A_346 = vector.shape_cast %add3A_341 : vector<16xf32> to vector<1x16xf32>
      tpu.vector_store %arg9[%swap3A_342, %swap3A_343], %swap3A_346 {strides = array<i32>} : memref<3200x16xf32, #tpu.memory_space<vmem>>, vector<1x16xf32>,
      %add3A_347 = arith.constant 2000 : i32
      %add3A_348 = arith.addi %add3A_347, %scan3A_224 : i32
      %get3A_349 = arith.index_cast %add3A_348 : i32 to index
      %get3A_350 = arith.constant 0 : index
      %get3A_351 = tpu.vector_load %arg9[%get3A_349, %get3A_350] {strides = array<i32>} : memref<3200x16xf32, #tpu.memory_space<vmem>>, vector<1x16xf32>,
      %get3A_352 = vector.shape_cast %get3A_351 : vector<1x16xf32> to vector<16xf32>
      %add3A_353 = arith.addf %get3A_352, %get3A_227 : vector<16xf32>
      %swap3A_354 = arith.index_cast %add3A_348 : i32 to index
      %swap3A_355 = arith.constant 0 : index
      %swap3A_356 = tpu.vector_load %arg9[%swap3A_354, %swap3A_355] {strides = array<i32>} : memref<3200x16xf32, #tpu.memory_space<vmem>>, vector<1x16xf32>,
      %swap3A_357 = vector.shape_cast %swap3A_356 : vector<1x16xf32> to vector<16xf32>
      %swap3A_358 = vector.shape_cast %add3A_353 : vector<16xf32> to vector<1x16xf32>
      tpu.vector_store %arg9[%swap3A_354, %swap3A_355], %swap3A_358 {strides = array<i32>} : memref<3200x16xf32, #tpu.memory_space<vmem>>, vector<1x16xf32>,
      %add3A_359 = arith.constant 2200 : i32
      %add3A_360 = arith.addi %add3A_359, %scan3A_224 : i32
      %get3A_361 = arith.index_cast %add3A_360 : i32 to index
      %get3A_362 = arith.constant 0 : index
      %get3A_363 = tpu.vector_load %arg9[%get3A_361, %get3A_362] {strides = array<i32>} : memref<3200x16xf32, #tpu.memory_space<vmem>>, vector<1x16xf32>,
      %get3A_364 = vector.shape_cast %get3A_363 : vector<1x16xf32> to vector<16xf32>
      %add3A_365 = arith.addf %get3A_364, %get3A_227 : vector<16xf32>
      %swap3A_366 = arith.index_cast %add3A_360 : i32 to index
      %swap3A_367 = arith.constant 0 : index
      %swap3A_368 = tpu.vector_load %arg9[%swap3A_366, %swap3A_367] {strides = array<i32>} : memref<3200x16xf32, #tpu.memory_space<vmem>>, vector<1x16xf32>,
      %swap3A_369 = vector.shape_cast %swap3A_368 : vector<1x16xf32> to vector<16xf32>
      %swap3A_370 = vector.shape_cast %add3A_365 : vector<16xf32> to vector<1x16xf32>
      tpu.vector_store %arg9[%swap3A_366, %swap3A_367], %swap3A_370 {strides = array<i32>} : memref<3200x16xf32, #tpu.memory_space<vmem>>, vector<1x16xf32>,
      %add3A_371 = arith.constant 2400 : i32
      %add3A_372 = arith.addi %add3A_371, %scan3A_224 : i32
      %get3A_373 = arith.index_cast %add3A_372 : i32 to index
      %get3A_374 = arith.constant 0 : index
      %get3A_375 = tpu.vector_load %arg9[%get3A_373, %get3A_374] {strides = array<i32>} : memref<3200x16xf32, #tpu.memory_space<vmem>>, vector<1x16xf32>,
      %get3A_376 = vector.shape_cast %get3A_375 : vector<1x16xf32> to vector<16xf32>
      %add3A_377 = arith.addf %get3A_376, %get3A_227 : vector<16xf32>
      %swap3A_378 = arith.index_cast %add3A_372 : i32 to index
      %swap3A_379 = arith.constant 0 : index
      %swap3A_380 = tpu.vector_load %arg9[%swap3A_378, %swap3A_379] {strides = array<i32>} : memref<3200x16xf32, #tpu.memory_space<vmem>>, vector<1x16xf32>,
      %swap3A_381 = vector.shape_cast %swap3A_380 : vector<1x16xf32> to vector<16xf32>
      %swap3A_382 = vector.shape_cast %add3A_377 : vector<16xf32> to vector<1x16xf32>
      tpu.vector_store %arg9[%swap3A_378, %swap3A_379], %swap3A_382 {strides = array<i32>} : memref<3200x16xf32, #tpu.memory_space<vmem>>, vector<1x16xf32>,
      %add3A_383 = arith.constant 2600 : i32
      %add3A_384 = arith.addi %add3A_383, %scan3A_224 : i32
      %get3A_385 = arith.index_cast %add3A_384 : i32 to index
      %get3A_386 = arith.constant 0 : index
      %get3A_387 = tpu.vector_load %arg9[%get3A_385, %get3A_386] {strides = array<i32>} : memref<3200x16xf32, #tpu.memory_space<vmem>>, vector<1x16xf32>,
      %get3A_388 = vector.shape_cast %get3A_387 : vector<1x16xf32> to vector<16xf32>
      %add3A_389 = arith.addf %get3A_388, %get3A_227 : vector<16xf32>
      %swap3A_390 = arith.index_cast %add3A_384 : i32 to index
      %swap3A_391 = arith.constant 0 : index
      %swap3A_392 = tpu.vector_load %arg9[%swap3A_390, %swap3A_391] {strides = array<i32>} : memref<3200x16xf32, #tpu.memory_space<vmem>>, vector<1x16xf32>,
      %swap3A_393 = vector.shape_cast %swap3A_392 : vector<1x16xf32> to vector<16xf32>
      %swap3A_394 = vector.shape_cast %add3A_389 : vector<16xf32> to vector<1x16xf32>
      tpu.vector_store %arg9[%swap3A_390, %swap3A_391], %swap3A_394 {strides = array<i32>} : memref<3200x16xf32, #tpu.memory_space<vmem>>, vector<1x16xf32>,
      %add3A_395 = arith.constant 2800 : i32
      %add3A_396 = arith.addi %add3A_395, %scan3A_224 : i32
      %get3A_397 = arith.index_cast %add3A_396 : i32 to index
      %get3A_398 = arith.constant 0 : index
      %get3A_399 = tpu.vector_load %arg9[%get3A_397, %get3A_398] {strides = array<i32>} : memref<3200x16xf32, #tpu.memory_space<vmem>>, vector<1x16xf32>,
      %get3A_400 = vector.shape_cast %get3A_399 : vector<1x16xf32> to vector<16xf32>
      %add3A_401 = arith.addf %get3A_400, %get3A_227 : vector<16xf32>
      %swap3A_402 = arith.index_cast %add3A_396 : i32 to index
      %swap3A_403 = arith.constant 0 : index
      %swap3A_404 = tpu.vector_load %arg9[%swap3A_402, %swap3A_403] {strides = array<i32>} : memref<3200x16xf32, #tpu.memory_space<vmem>>, vector<1x16xf32>,
      %swap3A_405 = vector.shape_cast %swap3A_404 : vector<1x16xf32> to vector<16xf32>
      %swap3A_406 = vector.shape_cast %add3A_401 : vector<16xf32> to vector<1x16xf32>
      tpu.vector_store %arg9[%swap3A_402, %swap3A_403], %swap3A_406 {strides = array<i32>} : memref<3200x16xf32, #tpu.memory_space<vmem>>, vector<1x16xf32>,
      %add3A_407 = arith.constant 3000 : i32
      %add3A_408 = arith.addi %add3A_407, %scan3A_224 : i32
      %get3A_409 = arith.index_cast %add3A_408 : i32 to index
      %get3A_410 = arith.constant 0 : index
      %get3A_411 = tpu.vector_load %arg9[%get3A_409, %get3A_410] {strides = array<i32>} : memref<3200x16xf32, #tpu.memory_space<vmem>>, vector<1x16xf32>,
      %get3A_412 = vector.shape_cast %get3A_411 : vector<1x16xf32> to vector<16xf32>
      %add3A_413 = arith.addf %get3A_412, %get3A_227 : vector<16xf32>
      %swap3A_414 = arith.index_cast %add3A_408 : i32 to index
      %swap3A_415 = arith.constant 0 : index
      %swap3A_416 = tpu.vector_load %arg9[%swap3A_414, %swap3A_415] {strides = array<i32>} : memref<3200x16xf32, #tpu.memory_space<vmem>>, vector<1x16xf32>,
      %swap3A_417 = vector.shape_cast %swap3A_416 : vector<1x16xf32> to vector<16xf32>
      %swap3A_418 = vector.shape_cast %add3A_413 : vector<16xf32> to vector<1x16xf32>
      tpu.vector_store %arg9[%swap3A_414, %swap3A_415], %swap3A_418 {strides = array<i32>} : memref<3200x16xf32, #tpu.memory_space<vmem>>, vector<1x16xf32>,
    }
    %scan3A_170 = arith.constant 200 : i32
    %add3A_171 = arith.constant 16000 : i32
    %add3A_172 = arith.addi %mul3A_2, %add3A_171 : i32
    %dma_start3A_173 = arith.constant 0 : i32
    %dma_start3A_174 = tpu.memref_slice %arg5[%add3A_172, %dma_start3A_173] : memref<819200x16xf32, #tpu.memory_space<hbm>> -> memref<3200x16xf32, #tpu.memory_space<hbm>>
    %dma_start3A_175 = arith.constant 0 : i32
    %dma_start3A_176 = tpu.memref_slice %arg5[%add3A_172, %dma_start3A_175] : memref<819200x16xf32, #tpu.memory_space<hbm>> -> memref<3200x16xf32, #tpu.memory_space<hbm>>
    tpu.enqueue_dma source(%arg9 : memref<3200x16xf32, #tpu.memory_space<vmem>>) target(%dma_start3A_176 : memref<3200x16xf32, #tpu.memory_space<hbm>>) target_semaphore(%arg16 : memref<!tpu.dma_semaphore, #tpu.memory_space<semaphore_mem>>)
    %dma_wait3A_177 = arith.constant 0 : i32
    %dma_wait3A_178 = tpu.memref_slice %arg5[%add3A_172, %dma_wait3A_177] : memref<819200x16xf32, #tpu.memory_space<hbm>> -> memref<3200x16xf32, #tpu.memory_space<hbm>>
    %dma_wait3A_179 = arith.constant 0 : i32
    %dma_wait3A_180 = tpu.memref_slice %arg5[%add3A_172, %dma_wait3A_179] : memref<819200x16xf32, #tpu.memory_space<hbm>> -> memref<3200x16xf32, #tpu.memory_space<hbm>>
    tpu.wait_dma2 semaphore(%arg16 : memref<!tpu.dma_semaphore, #tpu.memory_space<semaphore_mem>>) src(%arg9 : memref<3200x16xf32, #tpu.memory_space<vmem>>) dst(%dma_wait3A_180 : memref<3200x16xf32, #tpu.memory_space<hbm>>)
    %dma_wait3A_181 = tpu.memref_slice %arg2[%add3A_162] : memref<819200xi32, #tpu.memory_space<hbm>> -> memref<3200xi32, #tpu.memory_space<hbm>>
    %dma_wait3A_182 = tpu.memref_slice %arg2[%add3A_162] : memref<819200xi32, #tpu.memory_space<hbm>> -> memref<3200xi32, #tpu.memory_space<hbm>>
    tpu.wait_dma2 semaphore(%arg12 : memref<!tpu.dma_semaphore, #tpu.memory_space<semaphore_mem>>) src(%dma_wait3A_182 : memref<3200xi32, #tpu.memory_space<hbm>>) dst(%arg7 : memref<3200xi32, #tpu.memory_space<vmem>>)
    %dma_start3A_183 = arith.constant 0 : i32
    %dma_start3A_184 = arith.constant 0 : i32
    %dma_start3A_185 = tpu.memref_slice %arg3[%dma_start3A_183, %dma_start3A_184] : memref<1000000x16xf32, #tpu.memory_space<hbm>> -> memref<1000000x16xf32, #tpu.memory_space<hbm>>
    tpu.enqueue_indirect_dma source(%dma_start3A_185 : memref<1000000x16xf32, #tpu.memory_space<hbm>>) target(%arg9 : memref<3200x16xf32, #tpu.memory_space<vmem>>) offsets(%arg7 : memref<3200xi32, #tpu.memory_space<vmem>>) semaphore(%arg14 : memref<!tpu.dma_semaphore, #tpu.memory_space<semaphore_mem>>)
    %dma_wait3A_186 = arith.constant 0 : i32
    %dma_wait3A_187 = arith.constant 0 : i32
    %dma_wait3A_188 = tpu.memref_slice %arg3[%dma_wait3A_186, %dma_wait3A_187] : memref<1000000x16xf32, #tpu.memory_space<hbm>> -> memref<1000000x16xf32, #tpu.memory_space<hbm>>
    tpu.wait_indirect_dma semaphore(%arg13 : memref<!tpu.dma_semaphore, #tpu.memory_space<semaphore_mem>>) src(%dma_wait3A_188 : memref<1000000x16xf32, #tpu.memory_space<hbm>>) dst(%arg8 : memref<3200x16xf32, #tpu.memory_space<vmem>>)
    %scan3A_189 = arith.constant 0 : i32
    %scan3A_190 = arith.constant 0 : i32
    %scan3A_191 = arith.constant 200 : i32
    %scan3A_192 = arith.addi %scan3A_190, %scan3A_191 : i32
    %scan3A_193 = arith.constant 1 : i32
    scf.for %scan3A_224 = %scan3A_190 to %scan3A_192 step %scan3A_193  : i32 {
      %get3A = arith.index_cast %scan3A_224 : i32 to index
      %get3A_225 = arith.constant 0 : index
      %get3A_226 = tpu.vector_load %arg10[%get3A, %get3A_225] {strides = array<i32>} : memref<200x16xf32, #tpu.memory_space<vmem>>, vector<1x16xf32>,
      %get3A_227 = vector.shape_cast %get3A_226 : vector<1x16xf32> to vector<16xf32>
      %add3A_228 = arith.constant 0 : i32
      %add3A_229 = arith.addi %add3A_228, %scan3A_224 : i32
      %get3A_230 = arith.index_cast %add3A_229 : i32 to index
      %get3A_231 = arith.constant 0 : index
      %get3A_232 = tpu.vector_load %arg8[%get3A_230, %get3A_231] {strides = array<i32>} : memref<3200x16xf32, #tpu.memory_space<vmem>>, vector<1x16xf32>,
      %get3A_233 = vector.shape_cast %get3A_232 : vector<1x16xf32> to vector<16xf32>
      %add3A_234 = arith.addf %get3A_233, %get3A_227 : vector<16xf32>
      %swap3A = arith.index_cast %add3A_229 : i32 to index
      %swap3A_235 = arith.constant 0 : index
      %swap3A_236 = tpu.vector_load %arg8[%swap3A, %swap3A_235] {strides = array<i32>} : memref<3200x16xf32, #tpu.memory_space<vmem>>, vector<1x16xf32>,
      %swap3A_237 = vector.shape_cast %swap3A_236 : vector<1x16xf32> to vector<16xf32>
      %swap3A_238 = vector.shape_cast %add3A_234 : vector<16xf32> to vector<1x16xf32>
      tpu.vector_store %arg8[%swap3A, %swap3A_235], %swap3A_238 {strides = array<i32>} : memref<3200x16xf32, #tpu.memory_space<vmem>>, vector<1x16xf32>,
      %add3A_239 = arith.constant 200 : i32
      %add3A_240 = arith.addi %add3A_239, %scan3A_224 : i32
      %get3A_241 = arith.index_cast %add3A_240 : i32 to index
      %get3A_242 = arith.constant 0 : index
      %get3A_243 = tpu.vector_load %arg8[%get3A_241, %get3A_242] {strides = array<i32>} : memref<3200x16xf32, #tpu.memory_space<vmem>>, vector<1x16xf32>,
      %get3A_244 = vector.shape_cast %get3A_243 : vector<1x16xf32> to vector<16xf32>
      %add3A_245 = arith.addf %get3A_244, %get3A_227 : vector<16xf32>
      %swap3A_246 = arith.index_cast %add3A_240 : i32 to index
      %swap3A_247 = arith.constant 0 : index
      %swap3A_248 = tpu.vector_load %arg8[%swap3A_246, %swap3A_247] {strides = array<i32>} : memref<3200x16xf32, #tpu.memory_space<vmem>>, vector<1x16xf32>,
      %swap3A_249 = vector.shape_cast %swap3A_248 : vector<1x16xf32> to vector<16xf32>
      %swap3A_250 = vector.shape_cast %add3A_245 : vector<16xf32> to vector<1x16xf32>
      tpu.vector_store %arg8[%swap3A_246, %swap3A_247], %swap3A_250 {strides = array<i32>} : memref<3200x16xf32, #tpu.memory_space<vmem>>, vector<1x16xf32>,
      %add3A_251 = arith.constant 400 : i32
      %add3A_252 = arith.addi %add3A_251, %scan3A_224 : i32
      %get3A_253 = arith.index_cast %add3A_252 : i32 to index
      %get3A_254 = arith.constant 0 : index
      %get3A_255 = tpu.vector_load %arg8[%get3A_253, %get3A_254] {strides = array<i32>} : memref<3200x16xf32, #tpu.memory_space<vmem>>, vector<1x16xf32>,
      %get3A_256 = vector.shape_cast %get3A_255 : vector<1x16xf32> to vector<16xf32>
      %add3A_257 = arith.addf %get3A_256, %get3A_227 : vector<16xf32>
      %swap3A_258 = arith.index_cast %add3A_252 : i32 to index
      %swap3A_259 = arith.constant 0 : index
      %swap3A_260 = tpu.vector_load %arg8[%swap3A_258, %swap3A_259] {strides = array<i32>} : memref<3200x16xf32, #tpu.memory_space<vmem>>, vector<1x16xf32>,
      %swap3A_261 = vector.shape_cast %swap3A_260 : vector<1x16xf32> to vector<16xf32>
      %swap3A_262 = vector.shape_cast %add3A_257 : vector<16xf32> to vector<1x16xf32>
      tpu.vector_store %arg8[%swap3A_258, %swap3A_259], %swap3A_262 {strides = array<i32>} : memref<3200x16xf32, #tpu.memory_space<vmem>>, vector<1x16xf32>,
      %add3A_263 = arith.constant 600 : i32
      %add3A_264 = arith.addi %add3A_263, %scan3A_224 : i32
      %get3A_265 = arith.index_cast %add3A_264 : i32 to index
      %get3A_266 = arith.constant 0 : index
      %get3A_267 = tpu.vector_load %arg8[%get3A_265, %get3A_266] {strides = array<i32>} : memref<3200x16xf32, #tpu.memory_space<vmem>>, vector<1x16xf32>,
      %get3A_268 = vector.shape_cast %get3A_267 : vector<1x16xf32> to vector<16xf32>
      %add3A_269 = arith.addf %get3A_268, %get3A_227 : vector<16xf32>
      %swap3A_270 = arith.index_cast %add3A_264 : i32 to index
      %swap3A_271 = arith.constant 0 : index
      %swap3A_272 = tpu.vector_load %arg8[%swap3A_270, %swap3A_271] {strides = array<i32>} : memref<3200x16xf32, #tpu.memory_space<vmem>>, vector<1x16xf32>,
      %swap3A_273 = vector.shape_cast %swap3A_272 : vector<1x16xf32> to vector<16xf32>
      %swap3A_274 = vector.shape_cast %add3A_269 : vector<16xf32> to vector<1x16xf32>
      tpu.vector_store %arg8[%swap3A_270, %swap3A_271], %swap3A_274 {strides = array<i32>} : memref<3200x16xf32, #tpu.memory_space<vmem>>, vector<1x16xf32>,
      %add3A_275 = arith.constant 800 : i32
      %add3A_276 = arith.addi %add3A_275, %scan3A_224 : i32
      %get3A_277 = arith.index_cast %add3A_276 : i32 to index
      %get3A_278 = arith.constant 0 : index
      %get3A_279 = tpu.vector_load %arg8[%get3A_277, %get3A_278] {strides = array<i32>} : memref<3200x16xf32, #tpu.memory_space<vmem>>, vector<1x16xf32>,
      %get3A_280 = vector.shape_cast %get3A_279 : vector<1x16xf32> to vector<16xf32>
      %add3A_281 = arith.addf %get3A_280, %get3A_227 : vector<16xf32>
      %swap3A_282 = arith.index_cast %add3A_276 : i32 to index
      %swap3A_283 = arith.constant 0 : index
      %swap3A_284 = tpu.vector_load %arg8[%swap3A_282, %swap3A_283] {strides = array<i32>} : memref<3200x16xf32, #tpu.memory_space<vmem>>, vector<1x16xf32>,
      %swap3A_285 = vector.shape_cast %swap3A_284 : vector<1x16xf32> to vector<16xf32>
      %swap3A_286 = vector.shape_cast %add3A_281 : vector<16xf32> to vector<1x16xf32>
      tpu.vector_store %arg8[%swap3A_282, %swap3A_283], %swap3A_286 {strides = array<i32>} : memref<3200x16xf32, #tpu.memory_space<vmem>>, vector<1x16xf32>,
      %add3A_287 = arith.constant 1000 : i32
      %add3A_288 = arith.addi %add3A_287, %scan3A_224 : i32
      %get3A_289 = arith.index_cast %add3A_288 : i32 to index
      %get3A_290 = arith.constant 0 : index
      %get3A_291 = tpu.vector_load %arg8[%get3A_289, %get3A_290] {strides = array<i32>} : memref<3200x16xf32, #tpu.memory_space<vmem>>, vector<1x16xf32>,
      %get3A_292 = vector.shape_cast %get3A_291 : vector<1x16xf32> to vector<16xf32>
      %add3A_293 = arith.addf %get3A_292, %get3A_227 : vector<16xf32>
      %swap3A_294 = arith.index_cast %add3A_288 : i32 to index
      %swap3A_295 = arith.constant 0 : index
      %swap3A_296 = tpu.vector_load %arg8[%swap3A_294, %swap3A_295] {strides = array<i32>} : memref<3200x16xf32, #tpu.memory_space<vmem>>, vector<1x16xf32>,
      %swap3A_297 = vector.shape_cast %swap3A_296 : vector<1x16xf32> to vector<16xf32>
      %swap3A_298 = vector.shape_cast %add3A_293 : vector<16xf32> to vector<1x16xf32>
      tpu.vector_store %arg8[%swap3A_294, %swap3A_295], %swap3A_298 {strides = array<i32>} : memref<3200x16xf32, #tpu.memory_space<vmem>>, vector<1x16xf32>,
      %add3A_299 = arith.constant 1200 : i32
      %add3A_300 = arith.addi %add3A_299, %scan3A_224 : i32
      %get3A_301 = arith.index_cast %add3A_300 : i32 to index
      %get3A_302 = arith.constant 0 : index
      %get3A_303 = tpu.vector_load %arg8[%get3A_301, %get3A_302] {strides = array<i32>} : memref<3200x16xf32, #tpu.memory_space<vmem>>, vector<1x16xf32>,
      %get3A_304 = vector.shape_cast %get3A_303 : vector<1x16xf32> to vector<16xf32>
      %add3A_305 = arith.addf %get3A_304, %get3A_227 : vector<16xf32>
      %swap3A_306 = arith.index_cast %add3A_300 : i32 to index
      %swap3A_307 = arith.constant 0 : index
      %swap3A_308 = tpu.vector_load %arg8[%swap3A_306, %swap3A_307] {strides = array<i32>} : memref<3200x16xf32, #tpu.memory_space<vmem>>, vector<1x16xf32>,
      %swap3A_309 = vector.shape_cast %swap3A_308 : vector<1x16xf32> to vector<16xf32>
      %swap3A_310 = vector.shape_cast %add3A_305 : vector<16xf32> to vector<1x16xf32>
      tpu.vector_store %arg8[%swap3A_306, %swap3A_307], %swap3A_310 {strides = array<i32>} : memref<3200x16xf32, #tpu.memory_space<vmem>>, vector<1x16xf32>,
      %add3A_311 = arith.constant 1400 : i32
      %add3A_312 = arith.addi %add3A_311, %scan3A_224 : i32
      %get3A_313 = arith.index_cast %add3A_312 : i32 to index
      %get3A_314 = arith.constant 0 : index
      %get3A_315 = tpu.vector_load %arg8[%get3A_313, %get3A_314] {strides = array<i32>} : memref<3200x16xf32, #tpu.memory_space<vmem>>, vector<1x16xf32>,
      %get3A_316 = vector.shape_cast %get3A_315 : vector<1x16xf32> to vector<16xf32>
      %add3A_317 = arith.addf %get3A_316, %get3A_227 : vector<16xf32>
      %swap3A_318 = arith.index_cast %add3A_312 : i32 to index
      %swap3A_319 = arith.constant 0 : index
      %swap3A_320 = tpu.vector_load %arg8[%swap3A_318, %swap3A_319] {strides = array<i32>} : memref<3200x16xf32, #tpu.memory_space<vmem>>, vector<1x16xf32>,
      %swap3A_321 = vector.shape_cast %swap3A_320 : vector<1x16xf32> to vector<16xf32>
      %swap3A_322 = vector.shape_cast %add3A_317 : vector<16xf32> to vector<1x16xf32>
      tpu.vector_store %arg8[%swap3A_318, %swap3A_319], %swap3A_322 {strides = array<i32>} : memref<3200x16xf32, #tpu.memory_space<vmem>>, vector<1x16xf32>,
      %add3A_323 = arith.constant 1600 : i32
      %add3A_324 = arith.addi %add3A_323, %scan3A_224 : i32
      %get3A_325 = arith.index_cast %add3A_324 : i32 to index
      %get3A_326 = arith.constant 0 : index
      %get3A_327 = tpu.vector_load %arg8[%get3A_325, %get3A_326] {strides = array<i32>} : memref<3200x16xf32, #tpu.memory_space<vmem>>, vector<1x16xf32>,
      %get3A_328 = vector.shape_cast %get3A_327 : vector<1x16xf32> to vector<16xf32>
      %add3A_329 = arith.addf %get3A_328, %get3A_227 : vector<16xf32>
      %swap3A_330 = arith.index_cast %add3A_324 : i32 to index
      %swap3A_331 = arith.constant 0 : index
      %swap3A_332 = tpu.vector_load %arg8[%swap3A_330, %swap3A_331] {strides = array<i32>} : memref<3200x16xf32, #tpu.memory_space<vmem>>, vector<1x16xf32>,
      %swap3A_333 = vector.shape_cast %swap3A_332 : vector<1x16xf32> to vector<16xf32>
      %swap3A_334 = vector.shape_cast %add3A_329 : vector<16xf32> to vector<1x16xf32>
      tpu.vector_store %arg8[%swap3A_330, %swap3A_331], %swap3A_334 {strides = array<i32>} : memref<3200x16xf32, #tpu.memory_space<vmem>>, vector<1x16xf32>,
      %add3A_335 = arith.constant 1800 : i32
      %add3A_336 = arith.addi %add3A_335, %scan3A_224 : i32
      %get3A_337 = arith.index_cast %add3A_336 : i32 to index
      %get3A_338 = arith.constant 0 : index
      %get3A_339 = tpu.vector_load %arg8[%get3A_337, %get3A_338] {strides = array<i32>} : memref<3200x16xf32, #tpu.memory_space<vmem>>, vector<1x16xf32>,
      %get3A_340 = vector.shape_cast %get3A_339 : vector<1x16xf32> to vector<16xf32>
      %add3A_341 = arith.addf %get3A_340, %get3A_227 : vector<16xf32>
      %swap3A_342 = arith.index_cast %add3A_336 : i32 to index
      %swap3A_343 = arith.constant 0 : index
      %swap3A_344 = tpu.vector_load %arg8[%swap3A_342, %swap3A_343] {strides = array<i32>} : memref<3200x16xf32, #tpu.memory_space<vmem>>, vector<1x16xf32>,
      %swap3A_345 = vector.shape_cast %swap3A_344 : vector<1x16xf32> to vector<16xf32>
      %swap3A_346 = vector.shape_cast %add3A_341 : vector<16xf32> to vector<1x16xf32>
      tpu.vector_store %arg8[%swap3A_342, %swap3A_343], %swap3A_346 {strides = array<i32>} : memref<3200x16xf32, #tpu.memory_space<vmem>>, vector<1x16xf32>,
      %add3A_347 = arith.constant 2000 : i32
      %add3A_348 = arith.addi %add3A_347, %scan3A_224 : i32
      %get3A_349 = arith.index_cast %add3A_348 : i32 to index
      %get3A_350 = arith.constant 0 : index
      %get3A_351 = tpu.vector_load %arg8[%get3A_349, %get3A_350] {strides = array<i32>} : memref<3200x16xf32, #tpu.memory_space<vmem>>, vector<1x16xf32>,
      %get3A_352 = vector.shape_cast %get3A_351 : vector<1x16xf32> to vector<16xf32>
      %add3A_353 = arith.addf %get3A_352, %get3A_227 : vector<16xf32>
      %swap3A_354 = arith.index_cast %add3A_348 : i32 to index
      %swap3A_355 = arith.constant 0 : index
      %swap3A_356 = tpu.vector_load %arg8[%swap3A_354, %swap3A_355] {strides = array<i32>} : memref<3200x16xf32, #tpu.memory_space<vmem>>, vector<1x16xf32>,
      %swap3A_357 = vector.shape_cast %swap3A_356 : vector<1x16xf32> to vector<16xf32>
      %swap3A_358 = vector.shape_cast %add3A_353 : vector<16xf32> to vector<1x16xf32>
      tpu.vector_store %arg8[%swap3A_354, %swap3A_355], %swap3A_358 {strides = array<i32>} : memref<3200x16xf32, #tpu.memory_space<vmem>>, vector<1x16xf32>,
      %add3A_359 = arith.constant 2200 : i32
      %add3A_360 = arith.addi %add3A_359, %scan3A_224 : i32
      %get3A_361 = arith.index_cast %add3A_360 : i32 to index
      %get3A_362 = arith.constant 0 : index
      %get3A_363 = tpu.vector_load %arg8[%get3A_361, %get3A_362] {strides = array<i32>} : memref<3200x16xf32, #tpu.memory_space<vmem>>, vector<1x16xf32>,
      %get3A_364 = vector.shape_cast %get3A_363 : vector<1x16xf32> to vector<16xf32>
      %add3A_365 = arith.addf %get3A_364, %get3A_227 : vector<16xf32>
      %swap3A_366 = arith.index_cast %add3A_360 : i32 to index
      %swap3A_367 = arith.constant 0 : index
      %swap3A_368 = tpu.vector_load %arg8[%swap3A_366, %swap3A_367] {strides = array<i32>} : memref<3200x16xf32, #tpu.memory_space<vmem>>, vector<1x16xf32>,
      %swap3A_369 = vector.shape_cast %swap3A_368 : vector<1x16xf32> to vector<16xf32>
      %swap3A_370 = vector.shape_cast %add3A_365 : vector<16xf32> to vector<1x16xf32>
      tpu.vector_store %arg8[%swap3A_366, %swap3A_367], %swap3A_370 {strides = array<i32>} : memref<3200x16xf32, #tpu.memory_space<vmem>>, vector<1x16xf32>,
      %add3A_371 = arith.constant 2400 : i32
      %add3A_372 = arith.addi %add3A_371, %scan3A_224 : i32
      %get3A_373 = arith.index_cast %add3A_372 : i32 to index
      %get3A_374 = arith.constant 0 : index
      %get3A_375 = tpu.vector_load %arg8[%get3A_373, %get3A_374] {strides = array<i32>} : memref<3200x16xf32, #tpu.memory_space<vmem>>, vector<1x16xf32>,
      %get3A_376 = vector.shape_cast %get3A_375 : vector<1x16xf32> to vector<16xf32>
      %add3A_377 = arith.addf %get3A_376, %get3A_227 : vector<16xf32>
      %swap3A_378 = arith.index_cast %add3A_372 : i32 to index
      %swap3A_379 = arith.constant 0 : index
      %swap3A_380 = tpu.vector_load %arg8[%swap3A_378, %swap3A_379] {strides = array<i32>} : memref<3200x16xf32, #tpu.memory_space<vmem>>, vector<1x16xf32>,
      %swap3A_381 = vector.shape_cast %swap3A_380 : vector<1x16xf32> to vector<16xf32>
      %swap3A_382 = vector.shape_cast %add3A_377 : vector<16xf32> to vector<1x16xf32>
      tpu.vector_store %arg8[%swap3A_378, %swap3A_379], %swap3A_382 {strides = array<i32>} : memref<3200x16xf32, #tpu.memory_space<vmem>>, vector<1x16xf32>,
      %add3A_383 = arith.constant 2600 : i32
      %add3A_384 = arith.addi %add3A_383, %scan3A_224 : i32
      %get3A_385 = arith.index_cast %add3A_384 : i32 to index
      %get3A_386 = arith.constant 0 : index
      %get3A_387 = tpu.vector_load %arg8[%get3A_385, %get3A_386] {strides = array<i32>} : memref<3200x16xf32, #tpu.memory_space<vmem>>, vector<1x16xf32>,
      %get3A_388 = vector.shape_cast %get3A_387 : vector<1x16xf32> to vector<16xf32>
      %add3A_389 = arith.addf %get3A_388, %get3A_227 : vector<16xf32>
      %swap3A_390 = arith.index_cast %add3A_384 : i32 to index
      %swap3A_391 = arith.constant 0 : index
      %swap3A_392 = tpu.vector_load %arg8[%swap3A_390, %swap3A_391] {strides = array<i32>} : memref<3200x16xf32, #tpu.memory_space<vmem>>, vector<1x16xf32>,
      %swap3A_393 = vector.shape_cast %swap3A_392 : vector<1x16xf32> to vector<16xf32>
      %swap3A_394 = vector.shape_cast %add3A_389 : vector<16xf32> to vector<1x16xf32>
      tpu.vector_store %arg8[%swap3A_390, %swap3A_391], %swap3A_394 {strides = array<i32>} : memref<3200x16xf32, #tpu.memory_space<vmem>>, vector<1x16xf32>,
      %add3A_395 = arith.constant 2800 : i32
      %add3A_396 = arith.addi %add3A_395, %scan3A_224 : i32
      %get3A_397 = arith.index_cast %add3A_396 : i32 to index
      %get3A_398 = arith.constant 0 : index
      %get3A_399 = tpu.vector_load %arg8[%get3A_397, %get3A_398] {strides = array<i32>} : memref<3200x16xf32, #tpu.memory_space<vmem>>, vector<1x16xf32>,
      %get3A_400 = vector.shape_cast %get3A_399 : vector<1x16xf32> to vector<16xf32>
      %add3A_401 = arith.addf %get3A_400, %get3A_227 : vector<16xf32>
      %swap3A_402 = arith.index_cast %add3A_396 : i32 to index
      %swap3A_403 = arith.constant 0 : index
      %swap3A_404 = tpu.vector_load %arg8[%swap3A_402, %swap3A_403] {strides = array<i32>} : memref<3200x16xf32, #tpu.memory_space<vmem>>, vector<1x16xf32>,
      %swap3A_405 = vector.shape_cast %swap3A_404 : vector<1x16xf32> to vector<16xf32>
      %swap3A_406 = vector.shape_cast %add3A_401 : vector<16xf32> to vector<1x16xf32>
      tpu.vector_store %arg8[%swap3A_402, %swap3A_403], %swap3A_406 {strides = array<i32>} : memref<3200x16xf32, #tpu.memory_space<vmem>>, vector<1x16xf32>,
      %add3A_407 = arith.constant 3000 : i32
      %add3A_408 = arith.addi %add3A_407, %scan3A_224 : i32
      %get3A_409 = arith.index_cast %add3A_408 : i32 to index
      %get3A_410 = arith.constant 0 : index
      %get3A_411 = tpu.vector_load %arg8[%get3A_409, %get3A_410] {strides = array<i32>} : memref<3200x16xf32, #tpu.memory_space<vmem>>, vector<1x16xf32>,
      %get3A_412 = vector.shape_cast %get3A_411 : vector<1x16xf32> to vector<16xf32>
      %add3A_413 = arith.addf %get3A_412, %get3A_227 : vector<16xf32>
      %swap3A_414 = arith.index_cast %add3A_408 : i32 to index
      %swap3A_415 = arith.constant 0 : index
      %swap3A_416 = tpu.vector_load %arg8[%swap3A_414, %swap3A_415] {strides = array<i32>} : memref<3200x16xf32, #tpu.memory_space<vmem>>, vector<1x16xf32>,
      %swap3A_417 = vector.shape_cast %swap3A_416 : vector<1x16xf32> to vector<16xf32>
      %swap3A_418 = vector.shape_cast %add3A_413 : vector<16xf32> to vector<1x16xf32>
      tpu.vector_store %arg8[%swap3A_414, %swap3A_415], %swap3A_418 {strides = array<i32>} : memref<3200x16xf32, #tpu.memory_space<vmem>>, vector<1x16xf32>,
    }
    %scan3A_194 = arith.constant 200 : i32
    %add3A_195 = arith.constant 19200 : i32
    %add3A_196 = arith.addi %mul3A_2, %add3A_195 : i32
    %dma_start3A_197 = arith.constant 0 : i32
    %dma_start3A_198 = tpu.memref_slice %arg5[%add3A_196, %dma_start3A_197] : memref<819200x16xf32, #tpu.memory_space<hbm>> -> memref<3200x16xf32, #tpu.memory_space<hbm>>
    %dma_start3A_199 = arith.constant 0 : i32
    %dma_start3A_200 = tpu.memref_slice %arg5[%add3A_196, %dma_start3A_199] : memref<819200x16xf32, #tpu.memory_space<hbm>> -> memref<3200x16xf32, #tpu.memory_space<hbm>>
    tpu.enqueue_dma source(%arg8 : memref<3200x16xf32, #tpu.memory_space<vmem>>) target(%dma_start3A_200 : memref<3200x16xf32, #tpu.memory_space<hbm>>) target_semaphore(%arg15 : memref<!tpu.dma_semaphore, #tpu.memory_space<semaphore_mem>>)
    %dma_wait3A_201 = arith.constant 0 : i32
    %dma_wait3A_202 = arith.constant 0 : i32
    %dma_wait3A_203 = tpu.memref_slice %arg3[%dma_wait3A_201, %dma_wait3A_202] : memref<1000000x16xf32, #tpu.memory_space<hbm>> -> memref<1000000x16xf32, #tpu.memory_space<hbm>>
    tpu.wait_indirect_dma semaphore(%arg14 : memref<!tpu.dma_semaphore, #tpu.memory_space<semaphore_mem>>) src(%dma_wait3A_203 : memref<1000000x16xf32, #tpu.memory_space<hbm>>) dst(%arg9 : memref<3200x16xf32, #tpu.memory_space<vmem>>)
    %scan3A_204 = arith.constant 0 : i32
    %scan3A_205 = arith.constant 0 : i32
    %scan3A_206 = arith.constant 200 : i32
    %scan3A_207 = arith.addi %scan3A_205, %scan3A_206 : i32
    %scan3A_208 = arith.constant 1 : i32
    scf.for %scan3A_224 = %scan3A_205 to %scan3A_207 step %scan3A_208  : i32 {
      %get3A = arith.index_cast %scan3A_224 : i32 to index
      %get3A_225 = arith.constant 0 : index
      %get3A_226 = tpu.vector_load %arg10[%get3A, %get3A_225] {strides = array<i32>} : memref<200x16xf32, #tpu.memory_space<vmem>>, vector<1x16xf32>,
      %get3A_227 = vector.shape_cast %get3A_226 : vector<1x16xf32> to vector<16xf32>
      %add3A_228 = arith.constant 0 : i32
      %add3A_229 = arith.addi %add3A_228, %scan3A_224 : i32
      %get3A_230 = arith.index_cast %add3A_229 : i32 to index
      %get3A_231 = arith.constant 0 : index
      %get3A_232 = tpu.vector_load %arg9[%get3A_230, %get3A_231] {strides = array<i32>} : memref<3200x16xf32, #tpu.memory_space<vmem>>, vector<1x16xf32>,
      %get3A_233 = vector.shape_cast %get3A_232 : vector<1x16xf32> to vector<16xf32>
      %add3A_234 = arith.addf %get3A_233, %get3A_227 : vector<16xf32>
      %swap3A = arith.index_cast %add3A_229 : i32 to index
      %swap3A_235 = arith.constant 0 : index
      %swap3A_236 = tpu.vector_load %arg9[%swap3A, %swap3A_235] {strides = array<i32>} : memref<3200x16xf32, #tpu.memory_space<vmem>>, vector<1x16xf32>,
      %swap3A_237 = vector.shape_cast %swap3A_236 : vector<1x16xf32> to vector<16xf32>
      %swap3A_238 = vector.shape_cast %add3A_234 : vector<16xf32> to vector<1x16xf32>
      tpu.vector_store %arg9[%swap3A, %swap3A_235], %swap3A_238 {strides = array<i32>} : memref<3200x16xf32, #tpu.memory_space<vmem>>, vector<1x16xf32>,
      %add3A_239 = arith.constant 200 : i32
      %add3A_240 = arith.addi %add3A_239, %scan3A_224 : i32
      %get3A_241 = arith.index_cast %add3A_240 : i32 to index
      %get3A_242 = arith.constant 0 : index
      %get3A_243 = tpu.vector_load %arg9[%get3A_241, %get3A_242] {strides = array<i32>} : memref<3200x16xf32, #tpu.memory_space<vmem>>, vector<1x16xf32>,
      %get3A_244 = vector.shape_cast %get3A_243 : vector<1x16xf32> to vector<16xf32>
      %add3A_245 = arith.addf %get3A_244, %get3A_227 : vector<16xf32>
      %swap3A_246 = arith.index_cast %add3A_240 : i32 to index
      %swap3A_247 = arith.constant 0 : index
      %swap3A_248 = tpu.vector_load %arg9[%swap3A_246, %swap3A_247] {strides = array<i32>} : memref<3200x16xf32, #tpu.memory_space<vmem>>, vector<1x16xf32>,
      %swap3A_249 = vector.shape_cast %swap3A_248 : vector<1x16xf32> to vector<16xf32>
      %swap3A_250 = vector.shape_cast %add3A_245 : vector<16xf32> to vector<1x16xf32>
      tpu.vector_store %arg9[%swap3A_246, %swap3A_247], %swap3A_250 {strides = array<i32>} : memref<3200x16xf32, #tpu.memory_space<vmem>>, vector<1x16xf32>,
      %add3A_251 = arith.constant 400 : i32
      %add3A_252 = arith.addi %add3A_251, %scan3A_224 : i32
      %get3A_253 = arith.index_cast %add3A_252 : i32 to index
      %get3A_254 = arith.constant 0 : index
      %get3A_255 = tpu.vector_load %arg9[%get3A_253, %get3A_254] {strides = array<i32>} : memref<3200x16xf32, #tpu.memory_space<vmem>>, vector<1x16xf32>,
      %get3A_256 = vector.shape_cast %get3A_255 : vector<1x16xf32> to vector<16xf32>
      %add3A_257 = arith.addf %get3A_256, %get3A_227 : vector<16xf32>
      %swap3A_258 = arith.index_cast %add3A_252 : i32 to index
      %swap3A_259 = arith.constant 0 : index
      %swap3A_260 = tpu.vector_load %arg9[%swap3A_258, %swap3A_259] {strides = array<i32>} : memref<3200x16xf32, #tpu.memory_space<vmem>>, vector<1x16xf32>,
      %swap3A_261 = vector.shape_cast %swap3A_260 : vector<1x16xf32> to vector<16xf32>
      %swap3A_262 = vector.shape_cast %add3A_257 : vector<16xf32> to vector<1x16xf32>
      tpu.vector_store %arg9[%swap3A_258, %swap3A_259], %swap3A_262 {strides = array<i32>} : memref<3200x16xf32, #tpu.memory_space<vmem>>, vector<1x16xf32>,
      %add3A_263 = arith.constant 600 : i32
      %add3A_264 = arith.addi %add3A_263, %scan3A_224 : i32
      %get3A_265 = arith.index_cast %add3A_264 : i32 to index
      %get3A_266 = arith.constant 0 : index
      %get3A_267 = tpu.vector_load %arg9[%get3A_265, %get3A_266] {strides = array<i32>} : memref<3200x16xf32, #tpu.memory_space<vmem>>, vector<1x16xf32>,
      %get3A_268 = vector.shape_cast %get3A_267 : vector<1x16xf32> to vector<16xf32>
      %add3A_269 = arith.addf %get3A_268, %get3A_227 : vector<16xf32>
      %swap3A_270 = arith.index_cast %add3A_264 : i32 to index
      %swap3A_271 = arith.constant 0 : index
      %swap3A_272 = tpu.vector_load %arg9[%swap3A_270, %swap3A_271] {strides = array<i32>} : memref<3200x16xf32, #tpu.memory_space<vmem>>, vector<1x16xf32>,
      %swap3A_273 = vector.shape_cast %swap3A_272 : vector<1x16xf32> to vector<16xf32>
      %swap3A_274 = vector.shape_cast %add3A_269 : vector<16xf32> to vector<1x16xf32>
      tpu.vector_store %arg9[%swap3A_270, %swap3A_271], %swap3A_274 {strides = array<i32>} : memref<3200x16xf32, #tpu.memory_space<vmem>>, vector<1x16xf32>,
      %add3A_275 = arith.constant 800 : i32
      %add3A_276 = arith.addi %add3A_275, %scan3A_224 : i32
      %get3A_277 = arith.index_cast %add3A_276 : i32 to index
      %get3A_278 = arith.constant 0 : index
      %get3A_279 = tpu.vector_load %arg9[%get3A_277, %get3A_278] {strides = array<i32>} : memref<3200x16xf32, #tpu.memory_space<vmem>>, vector<1x16xf32>,
      %get3A_280 = vector.shape_cast %get3A_279 : vector<1x16xf32> to vector<16xf32>
      %add3A_281 = arith.addf %get3A_280, %get3A_227 : vector<16xf32>
      %swap3A_282 = arith.index_cast %add3A_276 : i32 to index
      %swap3A_283 = arith.constant 0 : index
      %swap3A_284 = tpu.vector_load %arg9[%swap3A_282, %swap3A_283] {strides = array<i32>} : memref<3200x16xf32, #tpu.memory_space<vmem>>, vector<1x16xf32>,
      %swap3A_285 = vector.shape_cast %swap3A_284 : vector<1x16xf32> to vector<16xf32>
      %swap3A_286 = vector.shape_cast %add3A_281 : vector<16xf32> to vector<1x16xf32>
      tpu.vector_store %arg9[%swap3A_282, %swap3A_283], %swap3A_286 {strides = array<i32>} : memref<3200x16xf32, #tpu.memory_space<vmem>>, vector<1x16xf32>,
      %add3A_287 = arith.constant 1000 : i32
      %add3A_288 = arith.addi %add3A_287, %scan3A_224 : i32
      %get3A_289 = arith.index_cast %add3A_288 : i32 to index
      %get3A_290 = arith.constant 0 : index
      %get3A_291 = tpu.vector_load %arg9[%get3A_289, %get3A_290] {strides = array<i32>} : memref<3200x16xf32, #tpu.memory_space<vmem>>, vector<1x16xf32>,
      %get3A_292 = vector.shape_cast %get3A_291 : vector<1x16xf32> to vector<16xf32>
      %add3A_293 = arith.addf %get3A_292, %get3A_227 : vector<16xf32>
      %swap3A_294 = arith.index_cast %add3A_288 : i32 to index
      %swap3A_295 = arith.constant 0 : index
      %swap3A_296 = tpu.vector_load %arg9[%swap3A_294, %swap3A_295] {strides = array<i32>} : memref<3200x16xf32, #tpu.memory_space<vmem>>, vector<1x16xf32>,
      %swap3A_297 = vector.shape_cast %swap3A_296 : vector<1x16xf32> to vector<16xf32>
      %swap3A_298 = vector.shape_cast %add3A_293 : vector<16xf32> to vector<1x16xf32>
      tpu.vector_store %arg9[%swap3A_294, %swap3A_295], %swap3A_298 {strides = array<i32>} : memref<3200x16xf32, #tpu.memory_space<vmem>>, vector<1x16xf32>,
      %add3A_299 = arith.constant 1200 : i32
      %add3A_300 = arith.addi %add3A_299, %scan3A_224 : i32
      %get3A_301 = arith.index_cast %add3A_300 : i32 to index
      %get3A_302 = arith.constant 0 : index
      %get3A_303 = tpu.vector_load %arg9[%get3A_301, %get3A_302] {strides = array<i32>} : memref<3200x16xf32, #tpu.memory_space<vmem>>, vector<1x16xf32>,
      %get3A_304 = vector.shape_cast %get3A_303 : vector<1x16xf32> to vector<16xf32>
      %add3A_305 = arith.addf %get3A_304, %get3A_227 : vector<16xf32>
      %swap3A_306 = arith.index_cast %add3A_300 : i32 to index
      %swap3A_307 = arith.constant 0 : index
      %swap3A_308 = tpu.vector_load %arg9[%swap3A_306, %swap3A_307] {strides = array<i32>} : memref<3200x16xf32, #tpu.memory_space<vmem>>, vector<1x16xf32>,
      %swap3A_309 = vector.shape_cast %swap3A_308 : vector<1x16xf32> to vector<16xf32>
      %swap3A_310 = vector.shape_cast %add3A_305 : vector<16xf32> to vector<1x16xf32>
      tpu.vector_store %arg9[%swap3A_306, %swap3A_307], %swap3A_310 {strides = array<i32>} : memref<3200x16xf32, #tpu.memory_space<vmem>>, vector<1x16xf32>,
      %add3A_311 = arith.constant 1400 : i32
      %add3A_312 = arith.addi %add3A_311, %scan3A_224 : i32
      %get3A_313 = arith.index_cast %add3A_312 : i32 to index
      %get3A_314 = arith.constant 0 : index
      %get3A_315 = tpu.vector_load %arg9[%get3A_313, %get3A_314] {strides = array<i32>} : memref<3200x16xf32, #tpu.memory_space<vmem>>, vector<1x16xf32>,
      %get3A_316 = vector.shape_cast %get3A_315 : vector<1x16xf32> to vector<16xf32>
      %add3A_317 = arith.addf %get3A_316, %get3A_227 : vector<16xf32>
      %swap3A_318 = arith.index_cast %add3A_312 : i32 to index
      %swap3A_319 = arith.constant 0 : index
      %swap3A_320 = tpu.vector_load %arg9[%swap3A_318, %swap3A_319] {strides = array<i32>} : memref<3200x16xf32, #tpu.memory_space<vmem>>, vector<1x16xf32>,
      %swap3A_321 = vector.shape_cast %swap3A_320 : vector<1x16xf32> to vector<16xf32>
      %swap3A_322 = vector.shape_cast %add3A_317 : vector<16xf32> to vector<1x16xf32>
      tpu.vector_store %arg9[%swap3A_318, %swap3A_319], %swap3A_322 {strides = array<i32>} : memref<3200x16xf32, #tpu.memory_space<vmem>>, vector<1x16xf32>,
      %add3A_323 = arith.constant 1600 : i32
      %add3A_324 = arith.addi %add3A_323, %scan3A_224 : i32
      %get3A_325 = arith.index_cast %add3A_324 : i32 to index
      %get3A_326 = arith.constant 0 : index
      %get3A_327 = tpu.vector_load %arg9[%get3A_325, %get3A_326] {strides = array<i32>} : memref<3200x16xf32, #tpu.memory_space<vmem>>, vector<1x16xf32>,
      %get3A_328 = vector.shape_cast %get3A_327 : vector<1x16xf32> to vector<16xf32>
      %add3A_329 = arith.addf %get3A_328, %get3A_227 : vector<16xf32>
      %swap3A_330 = arith.index_cast %add3A_324 : i32 to index
      %swap3A_331 = arith.constant 0 : index
      %swap3A_332 = tpu.vector_load %arg9[%swap3A_330, %swap3A_331] {strides = array<i32>} : memref<3200x16xf32, #tpu.memory_space<vmem>>, vector<1x16xf32>,
      %swap3A_333 = vector.shape_cast %swap3A_332 : vector<1x16xf32> to vector<16xf32>
      %swap3A_334 = vector.shape_cast %add3A_329 : vector<16xf32> to vector<1x16xf32>
      tpu.vector_store %arg9[%swap3A_330, %swap3A_331], %swap3A_334 {strides = array<i32>} : memref<3200x16xf32, #tpu.memory_space<vmem>>, vector<1x16xf32>,
      %add3A_335 = arith.constant 1800 : i32
      %add3A_336 = arith.addi %add3A_335, %scan3A_224 : i32
      %get3A_337 = arith.index_cast %add3A_336 : i32 to index
      %get3A_338 = arith.constant 0 : index
      %get3A_339 = tpu.vector_load %arg9[%get3A_337, %get3A_338] {strides = array<i32>} : memref<3200x16xf32, #tpu.memory_space<vmem>>, vector<1x16xf32>,
      %get3A_340 = vector.shape_cast %get3A_339 : vector<1x16xf32> to vector<16xf32>
      %add3A_341 = arith.addf %get3A_340, %get3A_227 : vector<16xf32>
      %swap3A_342 = arith.index_cast %add3A_336 : i32 to index
      %swap3A_343 = arith.constant 0 : index
      %swap3A_344 = tpu.vector_load %arg9[%swap3A_342, %swap3A_343] {strides = array<i32>} : memref<3200x16xf32, #tpu.memory_space<vmem>>, vector<1x16xf32>,
      %swap3A_345 = vector.shape_cast %swap3A_344 : vector<1x16xf32> to vector<16xf32>
      %swap3A_346 = vector.shape_cast %add3A_341 : vector<16xf32> to vector<1x16xf32>
      tpu.vector_store %arg9[%swap3A_342, %swap3A_343], %swap3A_346 {strides = array<i32>} : memref<3200x16xf32, #tpu.memory_space<vmem>>, vector<1x16xf32>,
      %add3A_347 = arith.constant 2000 : i32
      %add3A_348 = arith.addi %add3A_347, %scan3A_224 : i32
      %get3A_349 = arith.index_cast %add3A_348 : i32 to index
      %get3A_350 = arith.constant 0 : index
      %get3A_351 = tpu.vector_load %arg9[%get3A_349, %get3A_350] {strides = array<i32>} : memref<3200x16xf32, #tpu.memory_space<vmem>>, vector<1x16xf32>,
      %get3A_352 = vector.shape_cast %get3A_351 : vector<1x16xf32> to vector<16xf32>
      %add3A_353 = arith.addf %get3A_352, %get3A_227 : vector<16xf32>
      %swap3A_354 = arith.index_cast %add3A_348 : i32 to index
      %swap3A_355 = arith.constant 0 : index
      %swap3A_356 = tpu.vector_load %arg9[%swap3A_354, %swap3A_355] {strides = array<i32>} : memref<3200x16xf32, #tpu.memory_space<vmem>>, vector<1x16xf32>,
      %swap3A_357 = vector.shape_cast %swap3A_356 : vector<1x16xf32> to vector<16xf32>
      %swap3A_358 = vector.shape_cast %add3A_353 : vector<16xf32> to vector<1x16xf32>
      tpu.vector_store %arg9[%swap3A_354, %swap3A_355], %swap3A_358 {strides = array<i32>} : memref<3200x16xf32, #tpu.memory_space<vmem>>, vector<1x16xf32>,
      %add3A_359 = arith.constant 2200 : i32
      %add3A_360 = arith.addi %add3A_359, %scan3A_224 : i32
      %get3A_361 = arith.index_cast %add3A_360 : i32 to index
      %get3A_362 = arith.constant 0 : index
      %get3A_363 = tpu.vector_load %arg9[%get3A_361, %get3A_362] {strides = array<i32>} : memref<3200x16xf32, #tpu.memory_space<vmem>>, vector<1x16xf32>,
      %get3A_364 = vector.shape_cast %get3A_363 : vector<1x16xf32> to vector<16xf32>
      %add3A_365 = arith.addf %get3A_364, %get3A_227 : vector<16xf32>
      %swap3A_366 = arith.index_cast %add3A_360 : i32 to index
      %swap3A_367 = arith.constant 0 : index
      %swap3A_368 = tpu.vector_load %arg9[%swap3A_366, %swap3A_367] {strides = array<i32>} : memref<3200x16xf32, #tpu.memory_space<vmem>>, vector<1x16xf32>,
      %swap3A_369 = vector.shape_cast %swap3A_368 : vector<1x16xf32> to vector<16xf32>
      %swap3A_370 = vector.shape_cast %add3A_365 : vector<16xf32> to vector<1x16xf32>
      tpu.vector_store %arg9[%swap3A_366, %swap3A_367], %swap3A_370 {strides = array<i32>} : memref<3200x16xf32, #tpu.memory_space<vmem>>, vector<1x16xf32>,
      %add3A_371 = arith.constant 2400 : i32
      %add3A_372 = arith.addi %add3A_371, %scan3A_224 : i32
      %get3A_373 = arith.index_cast %add3A_372 : i32 to index
      %get3A_374 = arith.constant 0 : index
      %get3A_375 = tpu.vector_load %arg9[%get3A_373, %get3A_374] {strides = array<i32>} : memref<3200x16xf32, #tpu.memory_space<vmem>>, vector<1x16xf32>,
      %get3A_376 = vector.shape_cast %get3A_375 : vector<1x16xf32> to vector<16xf32>
      %add3A_377 = arith.addf %get3A_376, %get3A_227 : vector<16xf32>
      %swap3A_378 = arith.index_cast %add3A_372 : i32 to index
      %swap3A_379 = arith.constant 0 : index
      %swap3A_380 = tpu.vector_load %arg9[%swap3A_378, %swap3A_379] {strides = array<i32>} : memref<3200x16xf32, #tpu.memory_space<vmem>>, vector<1x16xf32>,
      %swap3A_381 = vector.shape_cast %swap3A_380 : vector<1x16xf32> to vector<16xf32>
      %swap3A_382 = vector.shape_cast %add3A_377 : vector<16xf32> to vector<1x16xf32>
      tpu.vector_store %arg9[%swap3A_378, %swap3A_379], %swap3A_382 {strides = array<i32>} : memref<3200x16xf32, #tpu.memory_space<vmem>>, vector<1x16xf32>,
      %add3A_383 = arith.constant 2600 : i32
      %add3A_384 = arith.addi %add3A_383, %scan3A_224 : i32
      %get3A_385 = arith.index_cast %add3A_384 : i32 to index
      %get3A_386 = arith.constant 0 : index
      %get3A_387 = tpu.vector_load %arg9[%get3A_385, %get3A_386] {strides = array<i32>} : memref<3200x16xf32, #tpu.memory_space<vmem>>, vector<1x16xf32>,
      %get3A_388 = vector.shape_cast %get3A_387 : vector<1x16xf32> to vector<16xf32>
      %add3A_389 = arith.addf %get3A_388, %get3A_227 : vector<16xf32>
      %swap3A_390 = arith.index_cast %add3A_384 : i32 to index
      %swap3A_391 = arith.constant 0 : index
      %swap3A_392 = tpu.vector_load %arg9[%swap3A_390, %swap3A_391] {strides = array<i32>} : memref<3200x16xf32, #tpu.memory_space<vmem>>, vector<1x16xf32>,
      %swap3A_393 = vector.shape_cast %swap3A_392 : vector<1x16xf32> to vector<16xf32>
      %swap3A_394 = vector.shape_cast %add3A_389 : vector<16xf32> to vector<1x16xf32>
      tpu.vector_store %arg9[%swap3A_390, %swap3A_391], %swap3A_394 {strides = array<i32>} : memref<3200x16xf32, #tpu.memory_space<vmem>>, vector<1x16xf32>,
      %add3A_395 = arith.constant 2800 : i32
      %add3A_396 = arith.addi %add3A_395, %scan3A_224 : i32
      %get3A_397 = arith.index_cast %add3A_396 : i32 to index
      %get3A_398 = arith.constant 0 : index
      %get3A_399 = tpu.vector_load %arg9[%get3A_397, %get3A_398] {strides = array<i32>} : memref<3200x16xf32, #tpu.memory_space<vmem>>, vector<1x16xf32>,
      %get3A_400 = vector.shape_cast %get3A_399 : vector<1x16xf32> to vector<16xf32>
      %add3A_401 = arith.addf %get3A_400, %get3A_227 : vector<16xf32>
      %swap3A_402 = arith.index_cast %add3A_396 : i32 to index
      %swap3A_403 = arith.constant 0 : index
      %swap3A_404 = tpu.vector_load %arg9[%swap3A_402, %swap3A_403] {strides = array<i32>} : memref<3200x16xf32, #tpu.memory_space<vmem>>, vector<1x16xf32>,
      %swap3A_405 = vector.shape_cast %swap3A_404 : vector<1x16xf32> to vector<16xf32>
      %swap3A_406 = vector.shape_cast %add3A_401 : vector<16xf32> to vector<1x16xf32>
      tpu.vector_store %arg9[%swap3A_402, %swap3A_403], %swap3A_406 {strides = array<i32>} : memref<3200x16xf32, #tpu.memory_space<vmem>>, vector<1x16xf32>,
      %add3A_407 = arith.constant 3000 : i32
      %add3A_408 = arith.addi %add3A_407, %scan3A_224 : i32
      %get3A_409 = arith.index_cast %add3A_408 : i32 to index
      %get3A_410 = arith.constant 0 : index
      %get3A_411 = tpu.vector_load %arg9[%get3A_409, %get3A_410] {strides = array<i32>} : memref<3200x16xf32, #tpu.memory_space<vmem>>, vector<1x16xf32>,
      %get3A_412 = vector.shape_cast %get3A_411 : vector<1x16xf32> to vector<16xf32>
      %add3A_413 = arith.addf %get3A_412, %get3A_227 : vector<16xf32>
      %swap3A_414 = arith.index_cast %add3A_408 : i32 to index
      %swap3A_415 = arith.constant 0 : index
      %swap3A_416 = tpu.vector_load %arg9[%swap3A_414, %swap3A_415] {strides = array<i32>} : memref<3200x16xf32, #tpu.memory_space<vmem>>, vector<1x16xf32>,
      %swap3A_417 = vector.shape_cast %swap3A_416 : vector<1x16xf32> to vector<16xf32>
      %swap3A_418 = vector.shape_cast %add3A_413 : vector<16xf32> to vector<1x16xf32>
      tpu.vector_store %arg9[%swap3A_414, %swap3A_415], %swap3A_418 {strides = array<i32>} : memref<3200x16xf32, #tpu.memory_space<vmem>>, vector<1x16xf32>,
    }
    %scan3A_209 = arith.constant 200 : i32
    %add3A_210 = arith.constant 22400 : i32
    %add3A_211 = arith.addi %mul3A_2, %add3A_210 : i32
    %dma_start3A_212 = arith.constant 0 : i32
    %dma_start3A_213 = tpu.memref_slice %arg5[%add3A_211, %dma_start3A_212] : memref<819200x16xf32, #tpu.memory_space<hbm>> -> memref<3200x16xf32, #tpu.memory_space<hbm>>
    %dma_start3A_214 = arith.constant 0 : i32
    %dma_start3A_215 = tpu.memref_slice %arg5[%add3A_211, %dma_start3A_214] : memref<819200x16xf32, #tpu.memory_space<hbm>> -> memref<3200x16xf32, #tpu.memory_space<hbm>>
    tpu.enqueue_dma source(%arg9 : memref<3200x16xf32, #tpu.memory_space<vmem>>) target(%dma_start3A_215 : memref<3200x16xf32, #tpu.memory_space<hbm>>) target_semaphore(%arg16 : memref<!tpu.dma_semaphore, #tpu.memory_space<semaphore_mem>>)
    %dma_wait3A_216 = arith.constant 0 : i32
    %dma_wait3A_217 = tpu.memref_slice %arg5[%add3A_196, %dma_wait3A_216] : memref<819200x16xf32, #tpu.memory_space<hbm>> -> memref<3200x16xf32, #tpu.memory_space<hbm>>
    %dma_wait3A_218 = arith.constant 0 : i32
    %dma_wait3A_219 = tpu.memref_slice %arg5[%add3A_196, %dma_wait3A_218] : memref<819200x16xf32, #tpu.memory_space<hbm>> -> memref<3200x16xf32, #tpu.memory_space<hbm>>
    tpu.wait_dma2 semaphore(%arg15 : memref<!tpu.dma_semaphore, #tpu.memory_space<semaphore_mem>>) src(%arg8 : memref<3200x16xf32, #tpu.memory_space<vmem>>) dst(%dma_wait3A_219 : memref<3200x16xf32, #tpu.memory_space<hbm>>)
    %dma_wait3A_220 = arith.constant 0 : i32
    %dma_wait3A_221 = tpu.memref_slice %arg5[%add3A_211, %dma_wait3A_220] : memref<819200x16xf32, #tpu.memory_space<hbm>> -> memref<3200x16xf32, #tpu.memory_space<hbm>>
    %dma_wait3A_222 = arith.constant 0 : i32
    %dma_wait3A_223 = tpu.memref_slice %arg5[%add3A_211, %dma_wait3A_222] : memref<819200x16xf32, #tpu.memory_space<hbm>> -> memref<3200x16xf32, #tpu.memory_space<hbm>>
    tpu.wait_dma2 semaphore(%arg16 : memref<!tpu.dma_semaphore, #tpu.memory_space<semaphore_mem>>) src(%arg9 : memref<3200x16xf32, #tpu.memory_space<vmem>>) dst(%dma_wait3A_223 : memref<3200x16xf32, #tpu.memory_space<hbm>>)
    return
  }
}

</mosaic_0001>

<sc_bundles>
// kernel: kernel.3.cloned.1.call-start
scs
__scs_entry_jumppad:
0x0: {  	(pc) =	sbr.rel $0x88, $3  }
0x1: {  	(tag) =	ssettag $0x0;
	lr =	simm.s32 $0x1  }
0x2: {  	[smem:$0x3F9E] =	sst lr;
	_ =	strace $0xD0000000  }
0x3: {  	_ = 	snop  }
0x4: {  	_ = 	snop  }
0x5: {  	_ = 	snop  }
0x6: {  	_ = 	snop  }
0x7: {  	_ = 	snop  }
__scs_overlays_trampoline_lowered:
0x8: {  	[smem:$0x3FAD] =	sst s0  }
0x9: {  	[smem:$0x3FAE] =	sst s1  }
0xa: {  	[smem:$0x3FAF] =	sst s2  }
0xb: {  	[smem:$0x3FB0] =	sst s3  }
0xc: {  	[smem:$0x3FB1] =	sst s4  }
0xd: {  	[smem:$0x3FB2] =	sst s5  }
0xe: {  	[smem:$0x3FB3] =	sst s6  }
0xf: {  	[smem:$0x3FB4] =	sst s7  }
0x10: {  	[smem:$0x3FB5] =	sst s8  }
0x11: {  	[smem:$0x3FB6] =	sst s9;
	s0 =	simm.s32 @!p0 $0x0  }
0x12: {  	s1 =	sld [smem:$0x3F9C];
	s0 =	simm.s32 @p0 $0x1  }
0x13: {  	[smem:$0x3FB7] =	sst s0;
	s0 =	simm.s32 @!p1 $0x0  }
0x14: {  	s2 =	sld [smem:$0x3F9B];
	s0 =	simm.s32 @p1 $0x1  }
0x15: {  	[smem:$0x3FB8] =	sst s0;
	s0 =	simm.s32 @!p2 $0x0  }
0x16: {  	s3 =	sld [smem:$0x3FDB];
	s0 =	simm.s32 @p2 $0x1  }
0x17: {  	s4 =	simm.s32 $0x1BF5;
	[smem:$0x3FBA] =	sst s0  }
0x18: {  	s0 =	sld [smem:$0x3F9D];
	_ =	swait.ge [sflag:s4], $0x0  }
0x19: {  	s7 =	sld [smem:$0x3F9E]  }
0x1a: {  	s8 =	sadd.s32 $0xFFFFE003, lr  }
0x1b: {  	s9 =	sadd.s32 $0xFFFFFEF7, lr;
	s5 =	simm.s32 $0xFFFFFFFF;
	p2 =	slt.u32 s8, $0xFFFFF086  }
0x1c: {  	p1 =	slt.u32 s9, $0xF7A;
	s5 =	simm.s32 @!p2 $0x0  }
0x1d: {  	s5 =	simm.s32 @p1 $0x1;
	p0 =	seq.s32 s7, s2  }
0x1e: {  	s7 =	smul.u32 @!p0 $0xF7A, s2;
	p2 =	seq.s32 @!p0 s5, $0x0  }
0x1f: {  	s9 =	smul.u32 $0xF7A, s1;
	s8 =	simm.s32 @!p0 $0x1BF5;
	p2 =	por !p2, p0  }
0x20: {  	[sflag:s8] =	ssyncset.s32 @!p0 $0xFFFFF086;
	s6 =	sadd.s32 @!p0 s3, s7;
	s7 =	simm.s32 @!p0 $0x108  }
0x21: {  	s3 =	sadd.s32 s3, s9;
	s6 =	sadd.s32 @!p0 $0x88, s6;
	s7 =	simm.s32 @p2 $0x1082  }
0x22: {  	[simem:s7], [sflag:s8] =	dma.local @!p0 [hbm:s6], $0xF7A  }
0x23: {  	s9 =	sor.u32 $0xD0000000, s2;
	s6 =	simm.s32 $0x108;
	_ =	swait.ge @!p0 [sflag:s8], $0x0  }
0x24: {  	s3 =	sadd.s32 $0x88, s3;
	s6 =	simm.s32 @!p1 $0x1082;
	[sflag:s4] =	ssyncset.s32 $0xFFFFF086  }
0x25: {  	[simem:s6], [sflag:s4] =	dma.local [hbm:s3], $0xF7A  }
0x26: {  	[smem:$0x3F9E] =	sst s1;
	(tag) =	ssettag s2;
	_ =	strace s9  }
0x27: {  	s1 =	sld [smem:$0x3FAE]  }
0x28: {  	s2 =	sld [smem:$0x3FAF]  }
0x29: {  	s4 =	sld [smem:$0x3FB1]  }
0x2a: {  	p0 =	seq.s32 s5, $0x0;
	s5 =	sld [smem:$0x3FB2]  }
0x2b: {  	s6 =	sld [smem:$0x3FB3]  }
0x2c: {  	s7 =	sld [smem:$0x3FB4]  }
0x2d: {  	s3 =	simm.s32 $0x108;
	s8 =	sld [smem:$0x3FB5]  }
0x2e: {  	s3 =	simm.s32 @!p0 $0x1082;
	s9 =	sld [smem:$0x3FB6]  }
0x2f: {  	lr =	sadd.s32 s0, s3;
	s0 =	sld [smem:$0x3FAD]  }
0x30: {  	s3 =	sld [smem:$0x3FB0]  }
0x31: {  	[smem:$0x3FB9] =	sst s10  }
0x32: {  	s10 =	sld [smem:$0x3FB7];
	_ =	sdelay $0x3  }
0x33: {  	p0 =	seq.s32 s10, $0x1;
	s10 =	sld [smem:$0x3FB9];
	_ =	sdelay $0x3  }
0x34: {  	[smem:$0x3FB9] =	sst s10  }
0x35: {  	s10 =	sld [smem:$0x3FB8];
	_ =	sdelay $0x3  }
0x36: {  	p1 =	seq.s32 s10, $0x1;
	s10 =	sld [smem:$0x3FB9];
	_ =	sdelay $0x3  }
0x37: {  	[smem:$0x3FB9] =	sst s10  }
0x38: {  	s10 =	sld [smem:$0x3FBA]  }
0x39: {  	_ = 	snop;
	(pc) =	sbr.ind lr, $3  }
0x3a: {  	_ = 	snop  }
0x3b: {  	_ = 	snop  }
0x3c: {  	p2 =	seq.s32 s10, $0x1;
	s10 =	sld [smem:$0x3FB9]  }
0x3d: {  	_ =	shalt  }
0x3e: {  	_ =	shalt  }
0x3f: {  	_ =	shalt  }
0x40: {  	_ =	shalt  }
0x41: {  	_ =	shalt  }
0x42: {  	_ =	shalt  }
0x43: {  	_ =	shalt  }
0x44: {  	_ =	shalt  }
0x45: {  	_ =	shalt  }
0x46: {  	_ =	shalt  }
0x47: {  	_ =	shalt  }
0x48: {  	_ =	shalt  }
0x49: {  	_ =	shalt  }
0x4a: {  	_ =	shalt  }
0x4b: {  	_ =	shalt  }
0x4c: {  	_ =	shalt  }
0x4d: {  	_ =	shalt  }
0x4e: {  	_ =	shalt  }
0x4f: {  	_ =	shalt  }
0x50: {  	_ =	shalt  }
0x51: {  	_ =	shalt  }
0x52: {  	_ =	shalt  }
0x53: {  	_ =	shalt  }
0x54: {  	_ =	shalt  }
0x55: {  	_ =	shalt  }
0x56: {  	_ =	shalt  }
0x57: {  	_ =	shalt  }
0x58: {  	_ =	shalt  }
0x59: {  	_ =	shalt  }
0x5a: {  	_ =	shalt  }
0x5b: {  	_ =	shalt  }
0x5c: {  	_ =	shalt  }
0x5d: {  	_ =	shalt  }
0x5e: {  	_ =	shalt  }
0x5f: {  	_ =	shalt  }
0x60: {  	_ =	shalt  }
0x61: {  	_ =	shalt  }
0x62: {  	_ =	shalt  }
0x63: {  	_ =	shalt  }
0x64: {  	_ =	shalt  }
0x65: {  	_ =	shalt  }
0x66: {  	_ =	shalt  }
0x67: {  	_ =	shalt  }
0x68: {  	_ =	shalt  }
0x69: {  	_ =	shalt  }
0x6a: {  	_ =	shalt  }
0x6b: {  	_ =	shalt  }
0x6c: {  	_ =	shalt  }
0x6d: {  	_ =	shalt  }
0x6e: {  	_ =	shalt  }
0x6f: {  	_ =	shalt  }
0x70: {  	_ =	shalt  }
0x71: {  	_ =	shalt  }
0x72: {  	_ =	shalt  }
0x73: {  	_ =	shalt  }
0x74: {  	_ =	shalt  }
0x75: {  	_ =	shalt  }
0x76: {  	_ =	shalt  }
0x77: {  	_ =	shalt  }
0x78: {  	_ =	shalt  }
0x79: {  	_ =	shalt  }
0x7a: {  	_ =	shalt  }
0x7b: {  	_ =	shalt  }
0x7c: {  	_ =	shalt  }
0x7d: {  	_ =	shalt  }
0x7e: {  	_ =	shalt  }
0x7f: {  	_ =	shalt  }
0x80: {  	_ =	shalt  }
0x81: {  	_ =	shalt  }
0x82: {  	_ =	shalt  }
0x83: {  	_ =	shalt  }
0x84: {  	_ =	shalt  }
0x85: {  	_ =	shalt  }
0x86: {  	_ =	shalt  }
0x87: {  	_ =	shalt  }
.Lfunc_end0:
.L_simem_size_0:
called_computation.1_lowered:
.L_overlay_start_0:
0x88: {  	s2 =	sld [smem:$0x3FD9]  }
0x89: {  	s3 =	sld [smem:$0x3FFE];
	_ =	sdelay $0x1  }
0x8a: {  	s1 =	srdreg.scid  }
0x8b: {  	s0 =	sand.u32 $0x1, s1  }
0x8c: {  	s17 =	sshll.u32 s0, $0xA;
	s2 =	sadd.s32 s3, s2  }
0x8d: {  	s2 =	sadd.s32 s2, s17  }
0x8e: {  	[smem:$0x3FC5] =	sst s2  }
0x8f: {  	_ = 	snop  }
0x90: {  	s2 =	sld [smem:$0x3FD0];
	(tm) =	ssettm $0x1  }
0x91: {  	s18 =	sld [smem:$0x3FFB];
	_ =	sdelay $0x3  }
0x92: {  	_ =	strace s18  }
0x93: {  	s3 =	sld [smem:$0x3FFC];
	_ =	sdelay $0x3  }
0x94: {  	_ =	strace s3  }
0x95: {  	s3 =	sld [smem:$0x3FFD];
	_ =	sdelay $0x3  }
0x96: {  	_ =	strace s3  }
0x97: {  	_ =	strace $0x8FFFFFFF  }
0x98: {  	s19 =	sld [smem:$0x3FDB];
	_ =	sdelay $0x1  }
0x99: {  	s4 =	simm.s32 $_scs_section_size  }
0x9a: {  	s5 =	simm.s32 $_size__tile_overlayer_lowered;
	s6 =	simm.s32 $_tile_overlayer_lowered  }
0x9b: {  	s22 =	simm.s32 $0x1BFF;
	s21 =	sshll.u32 s6, $0x1;
	s3 =	sadd.s32 s4, s19  }
0x9c: {  	s7 =	simm.s32 $0x0;
	s20 =	sshll.u32 s5, $0x1;
	s5 =	sadd.s32 s21, s3  }
0x9d: {  	[timem:s7], [sflag:s22] =	dma.local [hbm:s5], s20  }
0x9e: {  	_ =	swait.ge [sflag:s22], s20  }
0x9f: {  	s4 =	ssub.s32 $0x0, s20;
	[sflag:s22] =	ssyncset.done $0x0  }
0xa0: {  	[sflag:s22] =	ssyncadd.s32 s4;
	_ =	sdelay $0x1  }
0xa1: {  	s23 =	simm.s32 $0x1B8B  }
0xa2: {  	_ =	swait.ge [sflag:s23], $0x1  }
0xa3: {  	[sflag:s23] =	ssyncset.done $0x0  }
0xa4: {  	s25 =	simm.s32 $0x1B8E;
	s24 =	sld [smem:$0x3FFE];
	[sflag:s23] =	ssyncadd.s32 $0xFFFFFFFF  }
0xa5: {  	s26 =	simm.s32 $execute0_lowered;
	[smem:$0x3FD2] =	sst s25  }
0xa6: {  	s5 =	sshll.u32 s26, $0x1;
	_ =	strace $0x80000046;
	[dreg:$0x1] =	wrdreg $0xFFFFFFFF  }
0xa7: {  	s28 =	simm.s32 $_size_execute0_lowered;
	s3 =	sadd.s32 s3, s5;
	[dreg:$0x0] =	wrdreg $0x0  }
0xa8: {  	s5 =	sshll.u32 s28, $0x1;
	[dreg:$0x2] =	wrdreg s3  }
0xa9: {  	[dreg:$0x3] =	wrdreg s5  }
0xaa: {  	[dreg:$0x4] =	wrdreg $0xC0  }
0xab: {  	_ =	task [dreg:s7], $0x5FFFF  }
0xac: {  	[dreg:$0x1] =	wrdreg $0xFFFFFFFF  }
0xad: {  	[dreg:$0x0] =	wrdreg $0x60  }
0xae: {  	[dreg:$0x2] =	wrdreg s24  }
0xaf: {  	[dreg:$0x3] =	wrdreg s2  }
0xb0: {  	[dreg:$0x4] =	wrdreg $0x9  }
0xb1: {  	_ =	task.clear_ibuf [dreg:s7], $0x5FFFF;
	_ =	strace $0x90000046  }
0xb2: {  	s29 =	simm.s32 $0x9;
	_ =	strace $0x80000048  }
0xb3: {  	_ =	swait.ge [sflag:s29], $0x1  }
0xb4: {  	[sflag:s29] =	ssyncadd.s32 $0xFFFFFFFF  }
0xb5: {  	_ =	strace $0x90000048  }
0xb6: {  	_ =	sfence  }
0xb7: {  	s30 =	sld [smem:$0x0];
	_ =	sdelay $0x2  }
0xb8: {  	s31 =	sshll.u32 s1, $0xD;
	s1 =	sshrl.u32 s1, $0x2  }
0xb9: {  	s3 =	sand.u32 $0x4000, s31;
	s1 =	sadd.s32 s1, s30  }
0xba: {  	s0 =	sor.u32 s3, s0;
	s1 =	sshll.u32 s1, $0x11  }
0xbb: {  	s0 =	sor.u32 s1, s0  }
0xbc: {  	s0 =	sadd.s32 $0x8F2B, s0  }
0xbd: {  	[sflag:s0] =	ssyncadd.remote.s32 $0x1  }
0xbe: {  	_ =	sfence.sel $0xFFFF  }
0xbf: {  	[dreg:$0x0] =	wrdreg $0xFFFFFFFF;
	(pc) =	sbr.abs _section_cstart, $3  }
0xc0: {  	[dreg:$0x1] =	wrdreg $0xFFFFFFFF  }
0xc1: {  	_ =	task.clear_ibuf [dreg:s7], $0x2FFFF;
	_ =	strace $0x9FFFFFFF  }
0xc2: {  	(tm) =	ssettm $0x7FFFFFFF  }
0xc3: {  	_ =	shalt  }
tec
execute0_lowered:
.L_overlay_start_1:
0x0: {  	(tag) =	ssettag $0x1  }
0x1: {  	s0 =	rddreg [dreg:$0x0]  }
0x2: {  	s1 =	rddreg [dreg:$0x1]  }
0x3: {  	s3 =	srdreg.scid;
	s4 =	stileid.u32;
	s2 =	simm.s32 $0x0  }
0x4: {  	s28 =	simm.s32 $0x2;
	s29 =	simm.s32 $0xE100;
	s30 =	simm.s32 $0x3  }
0x5: {  	s31 =	simm.s32 $0x5;
	s3 =	sand.u32 $0x1, s3;
	s4 =	sshll.u32 s4, $0x1  }
0x6: {  	[smem:$0x7FF] =	sst s2;
	s17 =	sadd.s32 $0xC00, s0;
	s4 =	sor.u32 s3, s4  }
0x7: {  	_ =	strace $0x80000047;
	s5 =	ssub.s32 $0x2, s3;
	s3 =	sadd.s32 $0xF43000, s0  }
0x8: {  	s0 =	sadd.s32 $0x19C00, s0;
	s15 =	smul.u32 $0x6400, s4;
	s6 =	sshrl.u32 s5, $0x1  }
0x9: {  	[dreg:$0x3] =	wrdreg s0;
	s4 =	smul.u32 $0xC800, s4;
	s0 =	ssub.s32 s5, s6  }
0xa: {  	s9 =	sshrl.u32 s15, $0x3;
	s10 =	sadd.s32 $0xC80, s15;
	s11 =	sadd.s32 $0x1900, s15  }
0xb: {  	s14 =	sadd.s32 $0x2580, s15;
	s8 =	sadd.s32 s1, s4;
	s16 =	sadd.s32 $0x3200, s15  }
0xc: {  	s18 =	sadd.s32 $0x3E80, s15;
	s5 =	sadd.s32 s17, s9;
	s12 =	sshrl.u32 s10, $0x3  }
0xd: {  	s7 =	sshrl.u32 s11, $0x3;
	s13 =	sshrl.u32 s14, $0x3;
	s19 =	sshrl.u32 s16, $0x3  }
0xe: {  	s20 =	sshrl.u32 s18, $0x3;
	s21 =	sshll.u32 s14, $0x1;
	s4 =	sshll.u32 s16, $0x1  }
0xf: {  	s24 =	sshll.u32 s18, $0x1;
	[dreg:$0x4] =	wrdreg s5;
	s6 =	sadd.s32 s17, s12  }
0x10: {  	s7 =	sadd.s32 s17, s7;
	s5 =	sshll.u32 s10, $0x1;
	s9 =	sadd.s32 s17, s13  }
0x11: {  	s12 =	sshll.u32 s11, $0x1;
	s11 =	sadd.s32 s17, s19;
	s13 =	sadd.s32 s17, s20  }
0x12: {  	s19 =	sadd.s32 $0x4B00, s15;
	s14 =	sadd.s32 s1, s21;
	s20 =	sadd.s32 $0x5780, s15  }
0x13: {  	s16 =	sadd.s32 s1, s4;
	s18 =	sadd.s32 s1, s24;
	s21 =	smax.u32 s0, $0x1  }
0x14: {  	s24 =	simm.s32 $0x1;
	s0 =	simm.s32 $0x4;
	[dreg:$0x5] =	wrdreg s6  }
0x15: {  	s10 =	sadd.s32 s1, s5;
	s12 =	sadd.s32 s1, s12;
	s22 =	sshrl.u32 s19, $0x3  }
0x16: {  	s23 =	sshrl.u32 s20, $0x3;
	s25 =	sshll.u32 s19, $0x1;
	s26 =	sshll.u32 s20, $0x1  }
0x17: {  	s15 =	sadd.s32 s17, s22;
	s17 =	sadd.s32 s17, s23;
	s19 =	sadd.s32 s1, s25  }
0x18: {  	s20 =	sadd.s32 s1, s26;
	s23 =	simm.s32 $0x7;
	s25 =	simm.s32 $0xC80  }
0x19: {  	s26 =	simm.s32 $0x1900;
	s1 =	simm.s32 $0x6;
	s22 =	simm.s32 $0x0  }
.LBB2_1:
0x1a: {  	s4 =	rddreg [dreg:$0x3];
	s5 =	simm.s32 $0x1A900  }
0x1b: {  	[tilespmem:s5], [sflag:$0x7] =	stream.linear.gather [hbm4b:s4+s2], $0xC80, $0x38;
	[tilespmem:$0x1B580] =	vst v63  }
0x1c: {  	_ =	swait.ge [sflag:s23], $0xC80  }
0x1d: {  	[sflag:s23] =	ssyncset.done $0x0  }
0x1e: {  	s5 =	rddreg [dreg:$0x4];
	[sflag:s23] =	ssyncadd.s32 $0xFFFFF380  }
0x1f: {  	[tilespmem:s2], [sflag:$0x1] =	stream.linear.gather [hbm4b:s5+s2], $0xC80, $0x38;
	[tilespmem:$0x1B580] =	vst v63  }
0x20: {  	_ =	swait.ge [sflag:s24], $0xC80  }
0x21: {  	[sflag:s24] =	ssyncset.done $0x0  }
0x22: {  	[sflag:s24] =	ssyncadd.s32 $0xFFFFF380  }
0x23: {  	[tilespmem:s26], [sflag:$0x3] =	stream.indirect.gather [hbm4b:s3+s25], $0x10, s2, s25, $0xb8;
	[tilespmem:$0x1B580] =	vst v63  }
0x24: {  	s6 =	rddreg [dreg:$0x5]  }
0x25: {  	[tilespmem:s25], [sflag:$0x2] =	stream.linear.gather [hbm4b:s6+s2], $0xC80, $0x38;
	[tilespmem:$0x1B580] =	vst v63  }
0x26: {  	_ =	swait.ge [sflag:s28], $0xC80  }
0x27: {  	[sflag:s28] =	ssyncset.done $0x0  }
0x28: {  	[sflag:s28] =	ssyncadd.s32 $0xFFFFF380  }
0x29: {  	[tilespmem:s29], [sflag:$0x4] =	stream.indirect.gather [hbm4b:s3+s25], $0x10, s25, s25, $0xb8;
	[tilespmem:$0x1B580] =	vst v63  }
0x2a: {  	_ =	swait.ge [sflag:s30], $0xC800  }
0x2b: {  	[sflag:s30] =	ssyncset.done $0x0  }
0x2c: {  	s4 =	simm.s32 $0x0;
	[sflag:s30] =	ssyncadd.s32 $0xFFFF3800  }
0x2d: {  	[tilespmem:s2], [sflag:$0x1] =	stream.linear.gather [hbm4b:s7+s2], $0xC80, $0x38;
	[tilespmem:$0x1B580] =	vst v63  }
0x2e: {  	v0 =	vld [tilespmem:s4+$0x1A900]  }
0x2f: {  	v1 =	vld [tilespmem:s4+$0x1900]  }
0x30: {  	v2 =	vld [tilespmem:s4+$0x2580]  }
0x31: {  	v3 =	vld [tilespmem:s4+$0x3200]  }
0x32: {  	v4 =	vld [tilespmem:s4+$0x3E80]  }
0x33: {  	v5 =	vld [tilespmem:s4+$0x4B00]  }
0x34: {  	v6 =	vld [tilespmem:s4+$0x5780];
	v1 =	vadd.f32 v1, v0  }
0x35: {  	v7 =	vld [tilespmem:s4+$0x6400];
	v2 =	vadd.f32 v2, v0  }
0x36: {  	v8 =	vld [tilespmem:s4+$0x7080];
	[tilespmem:s4+$0x1900] =	vst v1;
	v1 =	vadd.f32 v3, v0  }
0x37: {  	v9 =	vld [tilespmem:s4+$0x7D00];
	[tilespmem:s4+$0x2580] =	vst v2;
	v2 =	vadd.f32 v4, v0  }
0x38: {  	v10 =	vld [tilespmem:s4+$0x8980];
	[tilespmem:s4+$0x3200] =	vst v1;
	v1 =	vadd.f32 v5, v0  }
0x39: {  	v3 =	vadd.f32 v6, v0;
	[tilespmem:s4+$0x3E80] =	vst v2;
	v2 =	vld [tilespmem:s4+$0x9600]  }
0x3a: {  	v4 =	vadd.f32 v7, v0;
	[tilespmem:s4+$0x4B00] =	vst v1;
	v1 =	vld [tilespmem:s4+$0xA280]  }
0x3b: {  	[tilespmem:s4+$0x5780] =	vst v3;
	v3 =	vld [tilespmem:s4+$0xAF00];
	v5 =	vadd.f32 v8, v0  }
0x3c: {  	v7 =	vadd.f32 v9, v0;
	[tilespmem:s4+$0x6400] =	vst v4;
	v4 =	vld [tilespmem:s4+$0xBB80]  }
0x3d: {  	s5 =	simm.s32 $0x40;
	v6 =	vadd.f32 v10, v0;
	[tilespmem:s4+$0x7080] =	vst v5;
	v5 =	vld [tilespmem:s4+$0xC800]  }
.LBB2_2:
0x3e: {  	s6 =	sshra.s32 s5, $0x2;
	p0 =	sne.s32 s5, $0x31C0;
	[tilespmem:s4+$0x7D00] =	vst v7;
	v2 =	vadd.f32 v2, v0;
	v7 =	vld [tilespmem:s4+$0xD480]  }
0x3f: {  	v8 =	vld [tilespmem:s6+$0x1A900];
	[tilespmem:s4+$0x8980] =	vst v6;
	v1 =	vadd.f32 v1, v0  }
0x40: {  	v6 =	vld [tilespmem:s6+$0x1900];
	[tilespmem:s4+$0x9600] =	vst v2;
	v2 =	vadd.f32 v3, v0  }
0x41: {  	v3 =	vld [tilespmem:s6+$0x2580];
	[tilespmem:s4+$0xA280] =	vst v1;
	v1 =	vadd.f32 v4, v0  }
0x42: {  	v4 =	vld [tilespmem:s6+$0x3200];
	[tilespmem:s4+$0xAF00] =	vst v2;
	v2 =	vadd.f32 v5, v0  }
0x43: {  	v5 =	vld [tilespmem:s6+$0x3E80];
	[tilespmem:s4+$0xBB80] =	vst v1;
	v1 =	vadd.f32 v7, v0  }
0x44: {  	v7 =	vld [tilespmem:s6+$0x4B00];
	[tilespmem:s4+$0xC800] =	vst v2;
	v0 =	vmov v8  }
0x45: {  	v2 =	vadd.f32 v6, v0;
	v6 =	vld [tilespmem:s6+$0x5780];
	[tilespmem:s4+$0xD480] =	vst v1;
	s4 =	smov.u32 s6  }
0x46: {  	v1 =	vadd.f32 v3, v0;
	v3 =	vld [tilespmem:s4+$0x6400]  }
0x47: {  	[tilespmem:s4+$0x1900] =	vst v2;
	v2 =	vadd.f32 v4, v0;
	v4 =	vld [tilespmem:s4+$0x7080]  }
0x48: {  	[tilespmem:s4+$0x2580] =	vst v1;
	v1 =	vadd.f32 v5, v0;
	v5 =	vld [tilespmem:s4+$0x7D00]  }
0x49: {  	[tilespmem:s4+$0x3200] =	vst v2;
	v7 =	vadd.f32 v7, v0;
	v8 =	vld [tilespmem:s4+$0x8980]  }
.Ltmp0:
0x4a: {  	[tilespmem:s4+$0x3E80] =	vst v1;
	v6 =	vadd.f32 v6, v0;
	v2 =	vld [tilespmem:s4+$0x9600];
	(pc) =	sbr.rel @p0 .LBB2_2-.Ltmp0, $4  }
0x4b: {  	[tilespmem:s4+$0x4B00] =	vst v7;
	v7 =	vadd.f32 v3, v0;
	v1 =	vld [tilespmem:s4+$0xA280]  }
0x4c: {  	[tilespmem:s4+$0x5780] =	vst v6;
	v6 =	vadd.f32 v4, v0;
	v3 =	vld [tilespmem:s4+$0xAF00]  }
0x4d: {  	[tilespmem:s4+$0x6400] =	vst v7;
	v7 =	vadd.f32 v5, v0;
	v4 =	vld [tilespmem:s4+$0xBB80]  }
0x4e: {  	s5 =	sadd.s32 $0x40, s5;
	[tilespmem:s4+$0x7080] =	vst v6;
	v6 =	vadd.f32 v8, v0;
	v5 =	vld [tilespmem:s4+$0xC800]  }
0x4f: {  	[tilespmem:s4+$0x7D00] =	vst v7;
	v2 =	vadd.f32 v2, v0;
	v7 =	vld [tilespmem:s4+$0xD480]  }
0x50: {  	[tilespmem:s4+$0x8980] =	vst v6;
	v1 =	vadd.f32 v1, v0  }
0x51: {  	[tilespmem:s4+$0x9600] =	vst v2;
	v2 =	vadd.f32 v3, v0  }
0x52: {  	[tilespmem:s4+$0xA280] =	vst v1;
	v1 =	vadd.f32 v4, v0  }
0x53: {  	[tilespmem:s4+$0xAF00] =	vst v2;
	v2 =	vadd.f32 v5, v0  }
0x54: {  	[tilespmem:s4+$0xBB80] =	vst v1;
	v0 =	vadd.f32 v7, v0  }
0x55: {  	[tilespmem:s4+$0xC800] =	vst v2  }
0x56: {  	s6 =	simm.s32 $0x0;
	[tilespmem:s4+$0xD480] =	vst v0  }
0x57: {  	[hbm4b:s8+s6] =	stream.linear.scatter [tilespmem:s26], [sflag:$0x5], $0xC800, $0x38;
	[tilespmem:$0x1B580] =	vst v63  }
0x58: {  	_ =	swait.ge [sflag:s31], $0xC800  }
0x59: {  	[sflag:s31] =	ssyncset.done $0x0  }
0x5a: {  	[sflag:s31] =	ssyncadd.s32 $0xFFFF3800  }
0x5b: {  	_ =	swait.ge [sflag:s24], $0xC80  }
0x5c: {  	[sflag:s24] =	ssyncset.done $0x0  }
0x5d: {  	[sflag:s24] =	ssyncadd.s32 $0xFFFFF380  }
0x5e: {  	[tilespmem:s26], [sflag:$0x3] =	stream.indirect.gather [hbm4b:s3+s25], $0x10, s6, s25, $0xb8;
	[tilespmem:$0x1B580] =	vst v63  }
0x5f: {  	_ =	swait.ge [sflag:s0], $0xC800  }
0x60: {  	[sflag:s0] =	ssyncset.done $0x0  }
0x61: {  	s4 =	simm.s32 $0x0;
	[sflag:s0] =	ssyncadd.s32 $0xFFFF3800  }
0x62: {  	[tilespmem:s25], [sflag:$0x2] =	stream.linear.gather [hbm4b:s9+s6], $0xC80, $0x38;
	[tilespmem:$0x1B580] =	vst v63  }
0x63: {  	v0 =	vld [tilespmem:s4+$0x1A900]  }
0x64: {  	v1 =	vld [tilespmem:s4+$0xE100]  }
0x65: {  	v2 =	vld [tilespmem:s4+$0xED80]  }
0x66: {  	v3 =	vld [tilespmem:s4+$0xFA00]  }
0x67: {  	v4 =	vld [tilespmem:s4+$0x10680]  }
0x68: {  	v5 =	vld [tilespmem:s4+$0x11300]  }
0x69: {  	v6 =	vld [tilespmem:s4+$0x11F80];
	v1 =	vadd.f32 v1, v0  }
0x6a: {  	v7 =	vld [tilespmem:s4+$0x12C00];
	v2 =	vadd.f32 v2, v0  }
0x6b: {  	v8 =	vld [tilespmem:s4+$0x13880];
	[tilespmem:s4+$0xE100] =	vst v1;
	v1 =	vadd.f32 v3, v0  }
0x6c: {  	v9 =	vld [tilespmem:s4+$0x14500];
	[tilespmem:s4+$0xED80] =	vst v2;
	v2 =	vadd.f32 v4, v0  }
0x6d: {  	v10 =	vld [tilespmem:s4+$0x15180];
	[tilespmem:s4+$0xFA00] =	vst v1;
	v1 =	vadd.f32 v5, v0  }
0x6e: {  	v3 =	vadd.f32 v6, v0;
	[tilespmem:s4+$0x10680] =	vst v2;
	v2 =	vld [tilespmem:s4+$0x15E00]  }
0x6f: {  	v4 =	vadd.f32 v7, v0;
	[tilespmem:s4+$0x11300] =	vst v1;
	v1 =	vld [tilespmem:s4+$0x16A80]  }
0x70: {  	[tilespmem:s4+$0x11F80] =	vst v3;
	v3 =	vld [tilespmem:s4+$0x17700];
	v5 =	vadd.f32 v8, v0  }
0x71: {  	v7 =	vadd.f32 v9, v0;
	[tilespmem:s4+$0x12C00] =	vst v4;
	v4 =	vld [tilespmem:s4+$0x18380]  }
0x72: {  	s5 =	simm.s32 $0x40;
	v6 =	vadd.f32 v10, v0;
	[tilespmem:s4+$0x13880] =	vst v5;
	v5 =	vld [tilespmem:s4+$0x19000]  }
.LBB2_4:
0x73: {  	s6 =	sshra.s32 s5, $0x2;
	p0 =	sne.s32 s5, $0x31C0;
	[tilespmem:s4+$0x14500] =	vst v7;
	v2 =	vadd.f32 v2, v0;
	v7 =	vld [tilespmem:s4+$0x19C80]  }
0x74: {  	v8 =	vld [tilespmem:s6+$0x1A900];
	[tilespmem:s4+$0x15180] =	vst v6;
	v1 =	vadd.f32 v1, v0  }
0x75: {  	v6 =	vld [tilespmem:s6+$0xE100];
	[tilespmem:s4+$0x15E00] =	vst v2;
	v2 =	vadd.f32 v3, v0  }
0x76: {  	v3 =	vld [tilespmem:s6+$0xED80];
	[tilespmem:s4+$0x16A80] =	vst v1;
	v1 =	vadd.f32 v4, v0  }
0x77: {  	v4 =	vld [tilespmem:s6+$0xFA00];
	[tilespmem:s4+$0x17700] =	vst v2;
	v2 =	vadd.f32 v5, v0  }
0x78: {  	v5 =	vld [tilespmem:s6+$0x10680];
	[tilespmem:s4+$0x18380] =	vst v1;
	v1 =	vadd.f32 v7, v0  }
0x79: {  	v7 =	vld [tilespmem:s6+$0x11300];
	[tilespmem:s4+$0x19000] =	vst v2;
	v0 =	vmov v8  }
0x7a: {  	v2 =	vadd.f32 v6, v0;
	v6 =	vld [tilespmem:s6+$0x11F80];
	[tilespmem:s4+$0x19C80] =	vst v1;
	s4 =	smov.u32 s6  }
0x7b: {  	v1 =	vadd.f32 v3, v0;
	v3 =	vld [tilespmem:s4+$0x12C00]  }
0x7c: {  	[tilespmem:s4+$0xE100] =	vst v2;
	v2 =	vadd.f32 v4, v0;
	v4 =	vld [tilespmem:s4+$0x13880]  }
0x7d: {  	[tilespmem:s4+$0xED80] =	vst v1;
	v1 =	vadd.f32 v5, v0;
	v5 =	vld [tilespmem:s4+$0x14500]  }
0x7e: {  	[tilespmem:s4+$0xFA00] =	vst v2;
	v7 =	vadd.f32 v7, v0;
	v8 =	vld [tilespmem:s4+$0x15180]  }
.Ltmp1:
0x7f: {  	[tilespmem:s4+$0x10680] =	vst v1;
	v6 =	vadd.f32 v6, v0;
	v2 =	vld [tilespmem:s4+$0x15E00];
	(pc) =	sbr.rel @p0 .LBB2_4-.Ltmp1, $4  }
0x80: {  	[tilespmem:s4+$0x11300] =	vst v7;
	v7 =	vadd.f32 v3, v0;
	v1 =	vld [tilespmem:s4+$0x16A80]  }
0x81: {  	[tilespmem:s4+$0x11F80] =	vst v6;
	v6 =	vadd.f32 v4, v0;
	v3 =	vld [tilespmem:s4+$0x17700]  }
0x82: {  	[tilespmem:s4+$0x12C00] =	vst v7;
	v7 =	vadd.f32 v5, v0;
	v4 =	vld [tilespmem:s4+$0x18380]  }
0x83: {  	s5 =	sadd.s32 $0x40, s5;
	[tilespmem:s4+$0x13880] =	vst v6;
	v6 =	vadd.f32 v8, v0;
	v5 =	vld [tilespmem:s4+$0x19000]  }
0x84: {  	[tilespmem:s4+$0x14500] =	vst v7;
	v2 =	vadd.f32 v2, v0;
	v7 =	vld [tilespmem:s4+$0x19C80]  }
0x85: {  	[tilespmem:s4+$0x15180] =	vst v6;
	v1 =	vadd.f32 v1, v0  }
0x86: {  	[tilespmem:s4+$0x15E00] =	vst v2;
	v2 =	vadd.f32 v3, v0  }
0x87: {  	[tilespmem:s4+$0x16A80] =	vst v1;
	v1 =	vadd.f32 v4, v0  }
0x88: {  	[tilespmem:s4+$0x17700] =	vst v2;
	v2 =	vadd.f32 v5, v0  }
0x89: {  	[tilespmem:s4+$0x18380] =	vst v1;
	v0 =	vadd.f32 v7, v0  }
0x8a: {  	[tilespmem:s4+$0x19000] =	vst v2  }
0x8b: {  	s6 =	simm.s32 $0x0;
	[tilespmem:s4+$0x19C80] =	vst v0  }
0x8c: {  	[hbm4b:s10+s6] =	stream.linear.scatter [tilespmem:s29], [sflag:$0x6], $0xC800, $0x38;
	[tilespmem:$0x1B580] =	vst v63  }
0x8d: {  	_ =	swait.ge [sflag:s1], $0xC800  }
0x8e: {  	[sflag:s1] =	ssyncset.done $0x0  }
0x8f: {  	[sflag:s1] =	ssyncadd.s32 $0xFFFF3800  }
0x90: {  	_ =	swait.ge [sflag:s28], $0xC80  }
0x91: {  	[sflag:s28] =	ssyncset.done $0x0  }
0x92: {  	[sflag:s28] =	ssyncadd.s32 $0xFFFFF380  }
0x93: {  	[tilespmem:s29], [sflag:$0x4] =	stream.indirect.gather [hbm4b:s3+s25], $0x10, s25, s25, $0xb8;
	[tilespmem:$0x1B580] =	vst v63  }
0x94: {  	_ =	swait.ge [sflag:s30], $0xC800  }
0x95: {  	[sflag:s30] =	ssyncset.done $0x0  }
0x96: {  	s4 =	simm.s32 $0x0;
	[sflag:s30] =	ssyncadd.s32 $0xFFFF3800  }
0x97: {  	[tilespmem:s6], [sflag:$0x1] =	stream.linear.gather [hbm4b:s11+s6], $0xC80, $0x38;
	[tilespmem:$0x1B580] =	vst v63  }
0x98: {  	v0 =	vld [tilespmem:s4+$0x1A900]  }
0x99: {  	v1 =	vld [tilespmem:s4+$0x1900]  }
0x9a: {  	v2 =	vld [tilespmem:s4+$0x2580]  }
0x9b: {  	v3 =	vld [tilespmem:s4+$0x3200]  }
0x9c: {  	v4 =	vld [tilespmem:s4+$0x3E80]  }
0x9d: {  	v5 =	vld [tilespmem:s4+$0x4B00]  }
0x9e: {  	v6 =	vld [tilespmem:s4+$0x5780];
	v1 =	vadd.f32 v1, v0  }
0x9f: {  	v7 =	vld [tilespmem:s4+$0x6400];
	v2 =	vadd.f32 v2, v0  }
0xa0: {  	v8 =	vld [tilespmem:s4+$0x7080];
	[tilespmem:s4+$0x1900] =	vst v1;
	v1 =	vadd.f32 v3, v0  }
0xa1: {  	v9 =	vld [tilespmem:s4+$0x7D00];
	[tilespmem:s4+$0x2580] =	vst v2;
	v2 =	vadd.f32 v4, v0  }
0xa2: {  	v10 =	vld [tilespmem:s4+$0x8980];
	[tilespmem:s4+$0x3200] =	vst v1;
	v1 =	vadd.f32 v5, v0  }
0xa3: {  	v3 =	vadd.f32 v6, v0;
	[tilespmem:s4+$0x3E80] =	vst v2;
	v2 =	vld [tilespmem:s4+$0x9600]  }
0xa4: {  	v4 =	vadd.f32 v7, v0;
	[tilespmem:s4+$0x4B00] =	vst v1;
	v1 =	vld [tilespmem:s4+$0xA280]  }
0xa5: {  	[tilespmem:s4+$0x5780] =	vst v3;
	v3 =	vld [tilespmem:s4+$0xAF00];
	v5 =	vadd.f32 v8, v0  }
0xa6: {  	v7 =	vadd.f32 v9, v0;
	[tilespmem:s4+$0x6400] =	vst v4;
	v4 =	vld [tilespmem:s4+$0xBB80]  }
0xa7: {  	s5 =	simm.s32 $0x40;
	v6 =	vadd.f32 v10, v0;
	[tilespmem:s4+$0x7080] =	vst v5;
	v5 =	vld [tilespmem:s4+$0xC800]  }
.LBB2_6:
0xa8: {  	s6 =	sshra.s32 s5, $0x2;
	p0 =	sne.s32 s5, $0x31C0;
	[tilespmem:s4+$0x7D00] =	vst v7;
	v2 =	vadd.f32 v2, v0;
	v7 =	vld [tilespmem:s4+$0xD480]  }
0xa9: {  	v8 =	vld [tilespmem:s6+$0x1A900];
	[tilespmem:s4+$0x8980] =	vst v6;
	v1 =	vadd.f32 v1, v0  }
0xaa: {  	v6 =	vld [tilespmem:s6+$0x1900];
	[tilespmem:s4+$0x9600] =	vst v2;
	v2 =	vadd.f32 v3, v0  }
0xab: {  	v3 =	vld [tilespmem:s6+$0x2580];
	[tilespmem:s4+$0xA280] =	vst v1;
	v1 =	vadd.f32 v4, v0  }
0xac: {  	v4 =	vld [tilespmem:s6+$0x3200];
	[tilespmem:s4+$0xAF00] =	vst v2;
	v2 =	vadd.f32 v5, v0  }
0xad: {  	v5 =	vld [tilespmem:s6+$0x3E80];
	[tilespmem:s4+$0xBB80] =	vst v1;
	v1 =	vadd.f32 v7, v0  }
0xae: {  	v7 =	vld [tilespmem:s6+$0x4B00];
	[tilespmem:s4+$0xC800] =	vst v2;
	v0 =	vmov v8  }
0xaf: {  	v2 =	vadd.f32 v6, v0;
	v6 =	vld [tilespmem:s6+$0x5780];
	[tilespmem:s4+$0xD480] =	vst v1;
	s4 =	smov.u32 s6  }
0xb0: {  	v1 =	vadd.f32 v3, v0;
	v3 =	vld [tilespmem:s4+$0x6400]  }
0xb1: {  	[tilespmem:s4+$0x1900] =	vst v2;
	v2 =	vadd.f32 v4, v0;
	v4 =	vld [tilespmem:s4+$0x7080]  }
0xb2: {  	[tilespmem:s4+$0x2580] =	vst v1;
	v1 =	vadd.f32 v5, v0;
	v5 =	vld [tilespmem:s4+$0x7D00]  }
0xb3: {  	[tilespmem:s4+$0x3200] =	vst v2;
	v7 =	vadd.f32 v7, v0;
	v8 =	vld [tilespmem:s4+$0x8980]  }
.Ltmp2:
0xb4: {  	[tilespmem:s4+$0x3E80] =	vst v1;
	v6 =	vadd.f32 v6, v0;
	v2 =	vld [tilespmem:s4+$0x9600];
	(pc) =	sbr.rel @p0 .LBB2_6-.Ltmp2, $4  }
0xb5: {  	[tilespmem:s4+$0x4B00] =	vst v7;
	v7 =	vadd.f32 v3, v0;
	v1 =	vld [tilespmem:s4+$0xA280]  }
0xb6: {  	[tilespmem:s4+$0x5780] =	vst v6;
	v6 =	vadd.f32 v4, v0;
	v3 =	vld [tilespmem:s4+$0xAF00]  }
0xb7: {  	[tilespmem:s4+$0x6400] =	vst v7;
	v7 =	vadd.f32 v5, v0;
	v4 =	vld [tilespmem:s4+$0xBB80]  }
0xb8: {  	s5 =	sadd.s32 $0x40, s5;
	[tilespmem:s4+$0x7080] =	vst v6;
	v6 =	vadd.f32 v8, v0;
	v5 =	vld [tilespmem:s4+$0xC800]  }
0xb9: {  	[tilespmem:s4+$0x7D00] =	vst v7;
	v2 =	vadd.f32 v2, v0;
	v7 =	vld [tilespmem:s4+$0xD480]  }
0xba: {  	[tilespmem:s4+$0x8980] =	vst v6;
	v1 =	vadd.f32 v1, v0  }
0xbb: {  	[tilespmem:s4+$0x9600] =	vst v2;
	v2 =	vadd.f32 v3, v0  }
0xbc: {  	[tilespmem:s4+$0xA280] =	vst v1;
	v1 =	vadd.f32 v4, v0  }
0xbd: {  	[tilespmem:s4+$0xAF00] =	vst v2;
	v2 =	vadd.f32 v5, v0  }
0xbe: {  	[tilespmem:s4+$0xBB80] =	vst v1;
	v0 =	vadd.f32 v7, v0  }
0xbf: {  	[tilespmem:s4+$0xC800] =	vst v2  }
0xc0: {  	s6 =	simm.s32 $0x0;
	[tilespmem:s4+$0xD480] =	vst v0  }
0xc1: {  	[hbm4b:s12+s6] =	stream.linear.scatter [tilespmem:s26], [sflag:$0x5], $0xC800, $0x38;
	[tilespmem:$0x1B580] =	vst v63  }
0xc2: {  	_ =	swait.ge [sflag:s31], $0xC800  }
0xc3: {  	[sflag:s31] =	ssyncset.done $0x0  }
0xc4: {  	[sflag:s31] =	ssyncadd.s32 $0xFFFF3800  }
0xc5: {  	_ =	swait.ge [sflag:s24], $0xC80  }
0xc6: {  	[sflag:s24] =	ssyncset.done $0x0  }
0xc7: {  	[sflag:s24] =	ssyncadd.s32 $0xFFFFF380  }
0xc8: {  	[tilespmem:s26], [sflag:$0x3] =	stream.indirect.gather [hbm4b:s3+s25], $0x10, s6, s25, $0xb8;
	[tilespmem:$0x1B580] =	vst v63  }
0xc9: {  	_ =	swait.ge [sflag:s0], $0xC800  }
0xca: {  	[sflag:s0] =	ssyncset.done $0x0  }
0xcb: {  	s4 =	simm.s32 $0x0;
	[sflag:s0] =	ssyncadd.s32 $0xFFFF3800  }
0xcc: {  	[tilespmem:s25], [sflag:$0x2] =	stream.linear.gather [hbm4b:s13+s6], $0xC80, $0x38;
	[tilespmem:$0x1B580] =	vst v63  }
0xcd: {  	v0 =	vld [tilespmem:s4+$0x1A900]  }
0xce: {  	v1 =	vld [tilespmem:s4+$0xE100]  }
0xcf: {  	v2 =	vld [tilespmem:s4+$0xED80]  }
0xd0: {  	v3 =	vld [tilespmem:s4+$0xFA00]  }
0xd1: {  	v4 =	vld [tilespmem:s4+$0x10680]  }
0xd2: {  	v5 =	vld [tilespmem:s4+$0x11300]  }
0xd3: {  	v6 =	vld [tilespmem:s4+$0x11F80];
	v1 =	vadd.f32 v1, v0  }
0xd4: {  	v7 =	vld [tilespmem:s4+$0x12C00];
	v2 =	vadd.f32 v2, v0  }
0xd5: {  	v8 =	vld [tilespmem:s4+$0x13880];
	[tilespmem:s4+$0xE100] =	vst v1;
	v1 =	vadd.f32 v3, v0  }
0xd6: {  	v9 =	vld [tilespmem:s4+$0x14500];
	[tilespmem:s4+$0xED80] =	vst v2;
	v2 =	vadd.f32 v4, v0  }
0xd7: {  	v10 =	vld [tilespmem:s4+$0x15180];
	[tilespmem:s4+$0xFA00] =	vst v1;
	v1 =	vadd.f32 v5, v0  }
0xd8: {  	v3 =	vadd.f32 v6, v0;
	[tilespmem:s4+$0x10680] =	vst v2;
	v2 =	vld [tilespmem:s4+$0x15E00]  }
0xd9: {  	v4 =	vadd.f32 v7, v0;
	[tilespmem:s4+$0x11300] =	vst v1;
	v1 =	vld [tilespmem:s4+$0x16A80]  }
0xda: {  	[tilespmem:s4+$0x11F80] =	vst v3;
	v3 =	vld [tilespmem:s4+$0x17700];
	v5 =	vadd.f32 v8, v0  }
0xdb: {  	v7 =	vadd.f32 v9, v0;
	[tilespmem:s4+$0x12C00] =	vst v4;
	v4 =	vld [tilespmem:s4+$0x18380]  }
0xdc: {  	s5 =	simm.s32 $0x40;
	v6 =	vadd.f32 v10, v0;
	[tilespmem:s4+$0x13880] =	vst v5;
	v5 =	vld [tilespmem:s4+$0x19000]  }
.LBB2_8:
0xdd: {  	s6 =	sshra.s32 s5, $0x2;
	p0 =	sne.s32 s5, $0x31C0;
	[tilespmem:s4+$0x14500] =	vst v7;
	v2 =	vadd.f32 v2, v0;
	v7 =	vld [tilespmem:s4+$0x19C80]  }
0xde: {  	v8 =	vld [tilespmem:s6+$0x1A900];
	[tilespmem:s4+$0x15180] =	vst v6;
	v1 =	vadd.f32 v1, v0  }
0xdf: {  	v6 =	vld [tilespmem:s6+$0xE100];
	[tilespmem:s4+$0x15E00] =	vst v2;
	v2 =	vadd.f32 v3, v0  }
0xe0: {  	v3 =	vld [tilespmem:s6+$0xED80];
	[tilespmem:s4+$0x16A80] =	vst v1;
	v1 =	vadd.f32 v4, v0  }
0xe1: {  	v4 =	vld [tilespmem:s6+$0xFA00];
	[tilespmem:s4+$0x17700] =	vst v2;
	v2 =	vadd.f32 v5, v0  }
0xe2: {  	v5 =	vld [tilespmem:s6+$0x10680];
	[tilespmem:s4+$0x18380] =	vst v1;
	v1 =	vadd.f32 v7, v0  }
0xe3: {  	v7 =	vld [tilespmem:s6+$0x11300];
	[tilespmem:s4+$0x19000] =	vst v2;
	v0 =	vmov v8  }
0xe4: {  	v2 =	vadd.f32 v6, v0;
	v6 =	vld [tilespmem:s6+$0x11F80];
	[tilespmem:s4+$0x19C80] =	vst v1;
	s4 =	smov.u32 s6  }
0xe5: {  	v1 =	vadd.f32 v3, v0;
	v3 =	vld [tilespmem:s4+$0x12C00]  }
0xe6: {  	[tilespmem:s4+$0xE100] =	vst v2;
	v2 =	vadd.f32 v4, v0;
	v4 =	vld [tilespmem:s4+$0x13880]  }
0xe7: {  	[tilespmem:s4+$0xED80] =	vst v1;
	v1 =	vadd.f32 v5, v0;
	v5 =	vld [tilespmem:s4+$0x14500]  }
0xe8: {  	[tilespmem:s4+$0xFA00] =	vst v2;
	v7 =	vadd.f32 v7, v0;
	v8 =	vld [tilespmem:s4+$0x15180]  }
.Ltmp3:
0xe9: {  	[tilespmem:s4+$0x10680] =	vst v1;
	v6 =	vadd.f32 v6, v0;
	v2 =	vld [tilespmem:s4+$0x15E00];
	(pc) =	sbr.rel @p0 .LBB2_8-.Ltmp3, $4  }
0xea: {  	[tilespmem:s4+$0x11300] =	vst v7;
	v7 =	vadd.f32 v3, v0;
	v1 =	vld [tilespmem:s4+$0x16A80]  }
0xeb: {  	[tilespmem:s4+$0x11F80] =	vst v6;
	v6 =	vadd.f32 v4, v0;
	v3 =	vld [tilespmem:s4+$0x17700]  }
0xec: {  	[tilespmem:s4+$0x12C00] =	vst v7;
	v7 =	vadd.f32 v5, v0;
	v4 =	vld [tilespmem:s4+$0x18380]  }
0xed: {  	s5 =	sadd.s32 $0x40, s5;
	[tilespmem:s4+$0x13880] =	vst v6;
	v6 =	vadd.f32 v8, v0;
	v5 =	vld [tilespmem:s4+$0x19000]  }
0xee: {  	[tilespmem:s4+$0x14500] =	vst v7;
	v2 =	vadd.f32 v2, v0;
	v7 =	vld [tilespmem:s4+$0x19C80]  }
0xef: {  	[tilespmem:s4+$0x15180] =	vst v6;
	v1 =	vadd.f32 v1, v0  }
0xf0: {  	[tilespmem:s4+$0x15E00] =	vst v2;
	v2 =	vadd.f32 v3, v0  }
0xf1: {  	[tilespmem:s4+$0x16A80] =	vst v1;
	v1 =	vadd.f32 v4, v0  }
0xf2: {  	[tilespmem:s4+$0x17700] =	vst v2;
	v2 =	vadd.f32 v5, v0  }
0xf3: {  	[tilespmem:s4+$0x18380] =	vst v1;
	v0 =	vadd.f32 v7, v0  }
0xf4: {  	[tilespmem:s4+$0x19000] =	vst v2  }
0xf5: {  	s6 =	simm.s32 $0x0;
	[tilespmem:s4+$0x19C80] =	vst v0  }
0xf6: {  	[hbm4b:s14+s6] =	stream.linear.scatter [tilespmem:s29], [sflag:$0x6], $0xC800, $0x38;
	[tilespmem:$0x1B580] =	vst v63  }
0xf7: {  	_ =	swait.ge [sflag:s1], $0xC800  }
0xf8: {  	[sflag:s1] =	ssyncset.done $0x0  }
0xf9: {  	[sflag:s1] =	ssyncadd.s32 $0xFFFF3800  }
0xfa: {  	_ =	swait.ge [sflag:s28], $0xC80  }
0xfb: {  	[sflag:s28] =	ssyncset.done $0x0  }
0xfc: {  	[sflag:s28] =	ssyncadd.s32 $0xFFFFF380  }
0xfd: {  	[tilespmem:s29], [sflag:$0x4] =	stream.indirect.gather [hbm4b:s3+s25], $0x10, s25, s25, $0xb8;
	[tilespmem:$0x1B580] =	vst v63  }
0xfe: {  	_ =	swait.ge [sflag:s30], $0xC800  }
0xff: {  	[sflag:s30] =	ssyncset.done $0x0  }
0x100: {  	s4 =	simm.s32 $0x0;
	[sflag:s30] =	ssyncadd.s32 $0xFFFF3800  }
0x101: {  	[tilespmem:s6], [sflag:$0x1] =	stream.linear.gather [hbm4b:s15+s6], $0xC80, $0x38;
	[tilespmem:$0x1B580] =	vst v63  }
0x102: {  	v0 =	vld [tilespmem:s4+$0x1A900]  }
0x103: {  	v1 =	vld [tilespmem:s4+$0x1900]  }
0x104: {  	v2 =	vld [tilespmem:s4+$0x2580]  }
0x105: {  	v3 =	vld [tilespmem:s4+$0x3200]  }
0x106: {  	v4 =	vld [tilespmem:s4+$0x3E80]  }
0x107: {  	v5 =	vld [tilespmem:s4+$0x4B00]  }
0x108: {  	v6 =	vld [tilespmem:s4+$0x5780];
	v1 =	vadd.f32 v1, v0  }
0x109: {  	v7 =	vld [tilespmem:s4+$0x6400];
	v2 =	vadd.f32 v2, v0  }
0x10a: {  	v8 =	vld [tilespmem:s4+$0x7080];
	[tilespmem:s4+$0x1900] =	vst v1;
	v1 =	vadd.f32 v3, v0  }
0x10b: {  	v9 =	vld [tilespmem:s4+$0x7D00];
	[tilespmem:s4+$0x2580] =	vst v2;
	v2 =	vadd.f32 v4, v0  }
0x10c: {  	v10 =	vld [tilespmem:s4+$0x8980];
	[tilespmem:s4+$0x3200] =	vst v1;
	v1 =	vadd.f32 v5, v0  }
0x10d: {  	v3 =	vadd.f32 v6, v0;
	[tilespmem:s4+$0x3E80] =	vst v2;
	v2 =	vld [tilespmem:s4+$0x9600]  }
0x10e: {  	v4 =	vadd.f32 v7, v0;
	[tilespmem:s4+$0x4B00] =	vst v1;
	v1 =	vld [tilespmem:s4+$0xA280]  }
0x10f: {  	[tilespmem:s4+$0x5780] =	vst v3;
	v3 =	vld [tilespmem:s4+$0xAF00];
	v5 =	vadd.f32 v8, v0  }
0x110: {  	v7 =	vadd.f32 v9, v0;
	[tilespmem:s4+$0x6400] =	vst v4;
	v4 =	vld [tilespmem:s4+$0xBB80]  }
0x111: {  	s5 =	simm.s32 $0x40;
	v6 =	vadd.f32 v10, v0;
	[tilespmem:s4+$0x7080] =	vst v5;
	v5 =	vld [tilespmem:s4+$0xC800]  }
.LBB2_10:
0x112: {  	s6 =	sshra.s32 s5, $0x2;
	p0 =	sne.s32 s5, $0x31C0;
	[tilespmem:s4+$0x7D00] =	vst v7;
	v2 =	vadd.f32 v2, v0;
	v7 =	vld [tilespmem:s4+$0xD480]  }
0x113: {  	v8 =	vld [tilespmem:s6+$0x1A900];
	[tilespmem:s4+$0x8980] =	vst v6;
	v1 =	vadd.f32 v1, v0  }
0x114: {  	v6 =	vld [tilespmem:s6+$0x1900];
	[tilespmem:s4+$0x9600] =	vst v2;
	v2 =	vadd.f32 v3, v0  }
0x115: {  	v3 =	vld [tilespmem:s6+$0x2580];
	[tilespmem:s4+$0xA280] =	vst v1;
	v1 =	vadd.f32 v4, v0  }
0x116: {  	v4 =	vld [tilespmem:s6+$0x3200];
	[tilespmem:s4+$0xAF00] =	vst v2;
	v2 =	vadd.f32 v5, v0  }
0x117: {  	v5 =	vld [tilespmem:s6+$0x3E80];
	[tilespmem:s4+$0xBB80] =	vst v1;
	v1 =	vadd.f32 v7, v0  }
0x118: {  	v7 =	vld [tilespmem:s6+$0x4B00];
	[tilespmem:s4+$0xC800] =	vst v2;
	v0 =	vmov v8  }
0x119: {  	v2 =	vadd.f32 v6, v0;
	v6 =	vld [tilespmem:s6+$0x5780];
	[tilespmem:s4+$0xD480] =	vst v1;
	s4 =	smov.u32 s6  }
0x11a: {  	v1 =	vadd.f32 v3, v0;
	v3 =	vld [tilespmem:s4+$0x6400]  }
0x11b: {  	[tilespmem:s4+$0x1900] =	vst v2;
	v2 =	vadd.f32 v4, v0;
	v4 =	vld [tilespmem:s4+$0x7080]  }
0x11c: {  	[tilespmem:s4+$0x2580] =	vst v1;
	v1 =	vadd.f32 v5, v0;
	v5 =	vld [tilespmem:s4+$0x7D00]  }
0x11d: {  	[tilespmem:s4+$0x3200] =	vst v2;
	v7 =	vadd.f32 v7, v0;
	v8 =	vld [tilespmem:s4+$0x8980]  }
.Ltmp4:
0x11e: {  	[tilespmem:s4+$0x3E80] =	vst v1;
	v6 =	vadd.f32 v6, v0;
	v2 =	vld [tilespmem:s4+$0x9600];
	(pc) =	sbr.rel @p0 .LBB2_10-.Ltmp4, $4  }
0x11f: {  	[tilespmem:s4+$0x4B00] =	vst v7;
	v7 =	vadd.f32 v3, v0;
	v1 =	vld [tilespmem:s4+$0xA280]  }
0x120: {  	[tilespmem:s4+$0x5780] =	vst v6;
	v6 =	vadd.f32 v4, v0;
	v3 =	vld [tilespmem:s4+$0xAF00]  }
0x121: {  	[tilespmem:s4+$0x6400] =	vst v7;
	v7 =	vadd.f32 v5, v0;
	v4 =	vld [tilespmem:s4+$0xBB80]  }
0x122: {  	s5 =	sadd.s32 $0x40, s5;
	[tilespmem:s4+$0x7080] =	vst v6;
	v6 =	vadd.f32 v8, v0;
	v5 =	vld [tilespmem:s4+$0xC800]  }
0x123: {  	[tilespmem:s4+$0x7D00] =	vst v7;
	v2 =	vadd.f32 v2, v0;
	v7 =	vld [tilespmem:s4+$0xD480]  }
0x124: {  	[tilespmem:s4+$0x8980] =	vst v6;
	v1 =	vadd.f32 v1, v0  }
0x125: {  	[tilespmem:s4+$0x9600] =	vst v2;
	v2 =	vadd.f32 v3, v0  }
0x126: {  	[tilespmem:s4+$0xA280] =	vst v1;
	v1 =	vadd.f32 v4, v0  }
0x127: {  	[tilespmem:s4+$0xAF00] =	vst v2;
	v2 =	vadd.f32 v5, v0  }
0x128: {  	[tilespmem:s4+$0xBB80] =	vst v1;
	v0 =	vadd.f32 v7, v0  }
0x129: {  	[tilespmem:s4+$0xC800] =	vst v2  }
0x12a: {  	s6 =	simm.s32 $0x0;
	[tilespmem:s4+$0xD480] =	vst v0  }
0x12b: {  	[hbm4b:s16+s6] =	stream.linear.scatter [tilespmem:s26], [sflag:$0x5], $0xC800, $0x38;
	[tilespmem:$0x1B580] =	vst v63  }
0x12c: {  	_ =	swait.ge [sflag:s31], $0xC800  }
0x12d: {  	[sflag:s31] =	ssyncset.done $0x0  }
0x12e: {  	[sflag:s31] =	ssyncadd.s32 $0xFFFF3800  }
0x12f: {  	_ =	swait.ge [sflag:s24], $0xC80  }
0x130: {  	[sflag:s24] =	ssyncset.done $0x0  }
0x131: {  	[sflag:s24] =	ssyncadd.s32 $0xFFFFF380  }
0x132: {  	[tilespmem:s26], [sflag:$0x3] =	stream.indirect.gather [hbm4b:s3+s25], $0x10, s6, s25, $0xb8;
	[tilespmem:$0x1B580] =	vst v63  }
0x133: {  	_ =	swait.ge [sflag:s0], $0xC800  }
0x134: {  	[sflag:s0] =	ssyncset.done $0x0  }
0x135: {  	s4 =	simm.s32 $0x0;
	[sflag:s0] =	ssyncadd.s32 $0xFFFF3800  }
0x136: {  	[tilespmem:s25], [sflag:$0x2] =	stream.linear.gather [hbm4b:s17+s6], $0xC80, $0x38;
	[tilespmem:$0x1B580] =	vst v63  }
0x137: {  	v0 =	vld [tilespmem:s4+$0x1A900]  }
0x138: {  	v1 =	vld [tilespmem:s4+$0xE100]  }
0x139: {  	v2 =	vld [tilespmem:s4+$0xED80]  }
0x13a: {  	v3 =	vld [tilespmem:s4+$0xFA00]  }
0x13b: {  	v4 =	vld [tilespmem:s4+$0x10680]  }
0x13c: {  	v5 =	vld [tilespmem:s4+$0x11300]  }
0x13d: {  	v6 =	vld [tilespmem:s4+$0x11F80];
	v1 =	vadd.f32 v1, v0  }
0x13e: {  	v7 =	vld [tilespmem:s4+$0x12C00];
	v2 =	vadd.f32 v2, v0  }
0x13f: {  	v8 =	vld [tilespmem:s4+$0x13880];
	[tilespmem:s4+$0xE100] =	vst v1;
	v1 =	vadd.f32 v3, v0  }
0x140: {  	v9 =	vld [tilespmem:s4+$0x14500];
	[tilespmem:s4+$0xED80] =	vst v2;
	v2 =	vadd.f32 v4, v0  }
0x141: {  	v10 =	vld [tilespmem:s4+$0x15180];
	[tilespmem:s4+$0xFA00] =	vst v1;
	v1 =	vadd.f32 v5, v0  }
0x142: {  	v3 =	vadd.f32 v6, v0;
	[tilespmem:s4+$0x10680] =	vst v2;
	v2 =	vld [tilespmem:s4+$0x15E00]  }
0x143: {  	v4 =	vadd.f32 v7, v0;
	[tilespmem:s4+$0x11300] =	vst v1;
	v1 =	vld [tilespmem:s4+$0x16A80]  }
0x144: {  	[tilespmem:s4+$0x11F80] =	vst v3;
	v3 =	vld [tilespmem:s4+$0x17700];
	v5 =	vadd.f32 v8, v0  }
0x145: {  	v7 =	vadd.f32 v9, v0;
	[tilespmem:s4+$0x12C00] =	vst v4;
	v4 =	vld [tilespmem:s4+$0x18380]  }
0x146: {  	s5 =	simm.s32 $0x40;
	v6 =	vadd.f32 v10, v0;
	[tilespmem:s4+$0x13880] =	vst v5;
	v5 =	vld [tilespmem:s4+$0x19000]  }
.LBB2_12:
0x147: {  	s6 =	sshra.s32 s5, $0x2;
	p0 =	sne.s32 s5, $0x31C0;
	[tilespmem:s4+$0x14500] =	vst v7;
	v2 =	vadd.f32 v2, v0;
	v7 =	vld [tilespmem:s4+$0x19C80]  }
0x148: {  	v8 =	vld [tilespmem:s6+$0x1A900];
	[tilespmem:s4+$0x15180] =	vst v6;
	v1 =	vadd.f32 v1, v0  }
0x149: {  	v6 =	vld [tilespmem:s6+$0xE100];
	[tilespmem:s4+$0x15E00] =	vst v2;
	v2 =	vadd.f32 v3, v0  }
0x14a: {  	v3 =	vld [tilespmem:s6+$0xED80];
	[tilespmem:s4+$0x16A80] =	vst v1;
	v1 =	vadd.f32 v4, v0  }
0x14b: {  	v4 =	vld [tilespmem:s6+$0xFA00];
	[tilespmem:s4+$0x17700] =	vst v2;
	v2 =	vadd.f32 v5, v0  }
0x14c: {  	v5 =	vld [tilespmem:s6+$0x10680];
	[tilespmem:s4+$0x18380] =	vst v1;
	v1 =	vadd.f32 v7, v0  }
0x14d: {  	v7 =	vld [tilespmem:s6+$0x11300];
	[tilespmem:s4+$0x19000] =	vst v2;
	v0 =	vmov v8  }
0x14e: {  	v2 =	vadd.f32 v6, v0;
	v6 =	vld [tilespmem:s6+$0x11F80];
	[tilespmem:s4+$0x19C80] =	vst v1;
	s4 =	smov.u32 s6  }
0x14f: {  	v1 =	vadd.f32 v3, v0;
	v3 =	vld [tilespmem:s4+$0x12C00]  }
0x150: {  	[tilespmem:s4+$0xE100] =	vst v2;
	v2 =	vadd.f32 v4, v0;
	v4 =	vld [tilespmem:s4+$0x13880]  }
0x151: {  	[tilespmem:s4+$0xED80] =	vst v1;
	v1 =	vadd.f32 v5, v0;
	v5 =	vld [tilespmem:s4+$0x14500]  }
0x152: {  	[tilespmem:s4+$0xFA00] =	vst v2;
	v7 =	vadd.f32 v7, v0;
	v8 =	vld [tilespmem:s4+$0x15180]  }
.Ltmp5:
0x153: {  	[tilespmem:s4+$0x10680] =	vst v1;
	v6 =	vadd.f32 v6, v0;
	v2 =	vld [tilespmem:s4+$0x15E00];
	(pc) =	sbr.rel @p0 .LBB2_12-.Ltmp5, $4  }
0x154: {  	[tilespmem:s4+$0x11300] =	vst v7;
	v7 =	vadd.f32 v3, v0;
	v1 =	vld [tilespmem:s4+$0x16A80]  }
0x155: {  	[tilespmem:s4+$0x11F80] =	vst v6;
	v6 =	vadd.f32 v4, v0;
	v3 =	vld [tilespmem:s4+$0x17700]  }
0x156: {  	[tilespmem:s4+$0x12C00] =	vst v7;
	v7 =	vadd.f32 v5, v0;
	v4 =	vld [tilespmem:s4+$0x18380]  }
0x157: {  	s5 =	sadd.s32 $0x40, s5;
	[tilespmem:s4+$0x13880] =	vst v6;
	v6 =	vadd.f32 v8, v0;
	v5 =	vld [tilespmem:s4+$0x19000]  }
0x158: {  	[tilespmem:s4+$0x14500] =	vst v7;
	v2 =	vadd.f32 v2, v0;
	v7 =	vld [tilespmem:s4+$0x19C80]  }
0x159: {  	[tilespmem:s4+$0x15180] =	vst v6;
	v1 =	vadd.f32 v1, v0  }
0x15a: {  	[tilespmem:s4+$0x15E00] =	vst v2;
	v2 =	vadd.f32 v3, v0  }
0x15b: {  	[tilespmem:s4+$0x16A80] =	vst v1;
	v1 =	vadd.f32 v4, v0  }
0x15c: {  	[tilespmem:s4+$0x17700] =	vst v2;
	v2 =	vadd.f32 v5, v0  }
0x15d: {  	[tilespmem:s4+$0x18380] =	vst v1;
	v0 =	vadd.f32 v7, v0  }
0x15e: {  	[tilespmem:s4+$0x19000] =	vst v2  }
0x15f: {  	s6 =	simm.s32 $0x0;
	[tilespmem:s4+$0x19C80] =	vst v0  }
0x160: {  	[hbm4b:s18+s6] =	stream.linear.scatter [tilespmem:s29], [sflag:$0x6], $0xC800, $0x38;
	[tilespmem:$0x1B580] =	vst v63  }
0x161: {  	_ =	swait.ge [sflag:s1], $0xC800  }
0x162: {  	[sflag:s1] =	ssyncset.done $0x0  }
0x163: {  	[sflag:s1] =	ssyncadd.s32 $0xFFFF3800  }
0x164: {  	_ =	swait.ge [sflag:s28], $0xC80  }
0x165: {  	[sflag:s28] =	ssyncset.done $0x0  }
0x166: {  	[sflag:s28] =	ssyncadd.s32 $0xFFFFF380  }
0x167: {  	[tilespmem:s29], [sflag:$0x4] =	stream.indirect.gather [hbm4b:s3+s25], $0x10, s25, s25, $0xb8;
	[tilespmem:$0x1B580] =	vst v63  }
0x168: {  	_ =	swait.ge [sflag:s30], $0xC800  }
0x169: {  	[sflag:s30] =	ssyncset.done $0x0  }
0x16a: {  	s4 =	simm.s32 $0x0;
	[sflag:s30] =	ssyncadd.s32 $0xFFFF3800  }
0x16b: {  	v0 =	vld [tilespmem:s4+$0x1A900]  }
0x16c: {  	v1 =	vld [tilespmem:s4+$0x1900]  }
0x16d: {  	v2 =	vld [tilespmem:s4+$0x2580]  }
0x16e: {  	v3 =	vld [tilespmem:s4+$0x3200]  }
0x16f: {  	v4 =	vld [tilespmem:s4+$0x3E80]  }
0x170: {  	v5 =	vld [tilespmem:s4+$0x4B00]  }
0x171: {  	v6 =	vld [tilespmem:s4+$0x5780];
	v1 =	vadd.f32 v1, v0  }
0x172: {  	v7 =	vld [tilespmem:s4+$0x6400];
	v2 =	vadd.f32 v2, v0  }
0x173: {  	v8 =	vld [tilespmem:s4+$0x7080];
	[tilespmem:s4+$0x1900] =	vst v1;
	v1 =	vadd.f32 v3, v0  }
0x174: {  	v9 =	vld [tilespmem:s4+$0x7D00];
	[tilespmem:s4+$0x2580] =	vst v2;
	v2 =	vadd.f32 v4, v0  }
0x175: {  	v10 =	vld [tilespmem:s4+$0x8980];
	[tilespmem:s4+$0x3200] =	vst v1;
	v1 =	vadd.f32 v5, v0  }
0x176: {  	v3 =	vadd.f32 v6, v0;
	[tilespmem:s4+$0x3E80] =	vst v2;
	v2 =	vld [tilespmem:s4+$0x9600]  }
0x177: {  	v4 =	vadd.f32 v7, v0;
	[tilespmem:s4+$0x4B00] =	vst v1;
	v1 =	vld [tilespmem:s4+$0xA280]  }
0x178: {  	[tilespmem:s4+$0x5780] =	vst v3;
	v3 =	vld [tilespmem:s4+$0xAF00];
	v5 =	vadd.f32 v8, v0  }
0x179: {  	v7 =	vadd.f32 v9, v0;
	[tilespmem:s4+$0x6400] =	vst v4;
	v4 =	vld [tilespmem:s4+$0xBB80]  }
0x17a: {  	s5 =	simm.s32 $0x40;
	v6 =	vadd.f32 v10, v0;
	[tilespmem:s4+$0x7080] =	vst v5;
	v5 =	vld [tilespmem:s4+$0xC800]  }
.LBB2_14:
0x17b: {  	s6 =	sshra.s32 s5, $0x2;
	p0 =	sne.s32 s5, $0x31C0;
	[tilespmem:s4+$0x7D00] =	vst v7;
	v2 =	vadd.f32 v2, v0;
	v7 =	vld [tilespmem:s4+$0xD480]  }
0x17c: {  	v8 =	vld [tilespmem:s6+$0x1A900];
	[tilespmem:s4+$0x8980] =	vst v6;
	v1 =	vadd.f32 v1, v0  }
0x17d: {  	v6 =	vld [tilespmem:s6+$0x1900];
	[tilespmem:s4+$0x9600] =	vst v2;
	v2 =	vadd.f32 v3, v0  }
0x17e: {  	v3 =	vld [tilespmem:s6+$0x2580];
	[tilespmem:s4+$0xA280] =	vst v1;
	v1 =	vadd.f32 v4, v0  }
0x17f: {  	v4 =	vld [tilespmem:s6+$0x3200];
	[tilespmem:s4+$0xAF00] =	vst v2;
	v2 =	vadd.f32 v5, v0  }
0x180: {  	v5 =	vld [tilespmem:s6+$0x3E80];
	[tilespmem:s4+$0xBB80] =	vst v1;
	v1 =	vadd.f32 v7, v0  }
0x181: {  	v7 =	vld [tilespmem:s6+$0x4B00];
	[tilespmem:s4+$0xC800] =	vst v2;
	v0 =	vmov v8  }
0x182: {  	v2 =	vadd.f32 v6, v0;
	v6 =	vld [tilespmem:s6+$0x5780];
	[tilespmem:s4+$0xD480] =	vst v1;
	s4 =	smov.u32 s6  }
0x183: {  	v1 =	vadd.f32 v3, v0;
	v3 =	vld [tilespmem:s4+$0x6400]  }
0x184: {  	[tilespmem:s4+$0x1900] =	vst v2;
	v2 =	vadd.f32 v4, v0;
	v4 =	vld [tilespmem:s4+$0x7080]  }
0x185: {  	[tilespmem:s4+$0x2580] =	vst v1;
	v1 =	vadd.f32 v5, v0;
	v5 =	vld [tilespmem:s4+$0x7D00]  }
0x186: {  	[tilespmem:s4+$0x3200] =	vst v2;
	v7 =	vadd.f32 v7, v0;
	v8 =	vld [tilespmem:s4+$0x8980]  }
.Ltmp6:
0x187: {  	[tilespmem:s4+$0x3E80] =	vst v1;
	v6 =	vadd.f32 v6, v0;
	v2 =	vld [tilespmem:s4+$0x9600];
	(pc) =	sbr.rel @p0 .LBB2_14-.Ltmp6, $4  }
0x188: {  	[tilespmem:s4+$0x4B00] =	vst v7;
	v7 =	vadd.f32 v3, v0;
	v1 =	vld [tilespmem:s4+$0xA280]  }
0x189: {  	[tilespmem:s4+$0x5780] =	vst v6;
	v6 =	vadd.f32 v4, v0;
	v3 =	vld [tilespmem:s4+$0xAF00]  }
0x18a: {  	[tilespmem:s4+$0x6400] =	vst v7;
	v7 =	vadd.f32 v5, v0;
	v4 =	vld [tilespmem:s4+$0xBB80]  }
0x18b: {  	s5 =	sadd.s32 $0x40, s5;
	[tilespmem:s4+$0x7080] =	vst v6;
	v6 =	vadd.f32 v8, v0;
	v5 =	vld [tilespmem:s4+$0xC800]  }
0x18c: {  	[tilespmem:s4+$0x7D00] =	vst v7;
	v2 =	vadd.f32 v2, v0;
	v7 =	vld [tilespmem:s4+$0xD480]  }
0x18d: {  	[tilespmem:s4+$0x8980] =	vst v6;
	v1 =	vadd.f32 v1, v0  }
0x18e: {  	[tilespmem:s4+$0x9600] =	vst v2;
	v2 =	vadd.f32 v3, v0  }
0x18f: {  	[tilespmem:s4+$0xA280] =	vst v1;
	v1 =	vadd.f32 v4, v0  }
0x190: {  	[tilespmem:s4+$0xAF00] =	vst v2;
	v2 =	vadd.f32 v5, v0  }
0x191: {  	[tilespmem:s4+$0xBB80] =	vst v1;
	v0 =	vadd.f32 v7, v0  }
0x192: {  	[tilespmem:s4+$0xC800] =	vst v2  }
0x193: {  	s6 =	simm.s32 $0x0;
	[tilespmem:s4+$0xD480] =	vst v0  }
0x194: {  	[hbm4b:s19+s6] =	stream.linear.scatter [tilespmem:s26], [sflag:$0x5], $0xC800, $0x38;
	[tilespmem:$0x1B580] =	vst v63  }
0x195: {  	_ =	swait.ge [sflag:s0], $0xC800  }
0x196: {  	[sflag:s0] =	ssyncset.done $0x0  }
0x197: {  	s4 =	simm.s32 $0x0;
	[sflag:s0] =	ssyncadd.s32 $0xFFFF3800  }
0x198: {  	v0 =	vld [tilespmem:s4+$0x1A900]  }
0x199: {  	v1 =	vld [tilespmem:s4+$0xE100]  }
0x19a: {  	v2 =	vld [tilespmem:s4+$0xED80]  }
0x19b: {  	v3 =	vld [tilespmem:s4+$0xFA00]  }
0x19c: {  	v4 =	vld [tilespmem:s4+$0x10680]  }
0x19d: {  	v5 =	vld [tilespmem:s4+$0x11300]  }
0x19e: {  	v6 =	vld [tilespmem:s4+$0x11F80];
	v1 =	vadd.f32 v1, v0  }
0x19f: {  	v7 =	vld [tilespmem:s4+$0x12C00];
	v2 =	vadd.f32 v2, v0  }
0x1a0: {  	v8 =	vld [tilespmem:s4+$0x13880];
	[tilespmem:s4+$0xE100] =	vst v1;
	v1 =	vadd.f32 v3, v0  }
0x1a1: {  	v9 =	vld [tilespmem:s4+$0x14500];
	[tilespmem:s4+$0xED80] =	vst v2;
	v2 =	vadd.f32 v4, v0  }
0x1a2: {  	v10 =	vld [tilespmem:s4+$0x15180];
	[tilespmem:s4+$0xFA00] =	vst v1;
	v1 =	vadd.f32 v5, v0  }
0x1a3: {  	v3 =	vadd.f32 v6, v0;
	[tilespmem:s4+$0x10680] =	vst v2;
	v2 =	vld [tilespmem:s4+$0x15E00]  }
0x1a4: {  	v4 =	vadd.f32 v7, v0;
	[tilespmem:s4+$0x11300] =	vst v1;
	v1 =	vld [tilespmem:s4+$0x16A80]  }
0x1a5: {  	[tilespmem:s4+$0x11F80] =	vst v3;
	v3 =	vld [tilespmem:s4+$0x17700];
	v5 =	vadd.f32 v8, v0  }
0x1a6: {  	v7 =	vadd.f32 v9, v0;
	[tilespmem:s4+$0x12C00] =	vst v4;
	v4 =	vld [tilespmem:s4+$0x18380]  }
0x1a7: {  	s5 =	simm.s32 $0x40;
	v6 =	vadd.f32 v10, v0;
	[tilespmem:s4+$0x13880] =	vst v5;
	v5 =	vld [tilespmem:s4+$0x19000]  }
.LBB2_16:
0x1a8: {  	s6 =	sshra.s32 s5, $0x2;
	p0 =	sne.s32 s5, $0x31C0;
	[tilespmem:s4+$0x14500] =	vst v7;
	v2 =	vadd.f32 v2, v0;
	v7 =	vld [tilespmem:s4+$0x19C80]  }
0x1a9: {  	v8 =	vld [tilespmem:s6+$0x1A900];
	[tilespmem:s4+$0x15180] =	vst v6;
	v1 =	vadd.f32 v1, v0  }
0x1aa: {  	v6 =	vld [tilespmem:s6+$0xE100];
	[tilespmem:s4+$0x15E00] =	vst v2;
	v2 =	vadd.f32 v3, v0  }
0x1ab: {  	v3 =	vld [tilespmem:s6+$0xED80];
	[tilespmem:s4+$0x16A80] =	vst v1;
	v1 =	vadd.f32 v4, v0  }
0x1ac: {  	v4 =	vld [tilespmem:s6+$0xFA00];
	[tilespmem:s4+$0x17700] =	vst v2;
	v2 =	vadd.f32 v5, v0  }
0x1ad: {  	v5 =	vld [tilespmem:s6+$0x10680];
	[tilespmem:s4+$0x18380] =	vst v1;
	v1 =	vadd.f32 v7, v0  }
0x1ae: {  	v7 =	vld [tilespmem:s6+$0x11300];
	[tilespmem:s4+$0x19000] =	vst v2;
	v0 =	vmov v8  }
0x1af: {  	v2 =	vadd.f32 v6, v0;
	v6 =	vld [tilespmem:s6+$0x11F80];
	[tilespmem:s4+$0x19C80] =	vst v1;
	s4 =	smov.u32 s6  }
0x1b0: {  	v1 =	vadd.f32 v3, v0;
	v3 =	vld [tilespmem:s4+$0x12C00]  }
0x1b1: {  	[tilespmem:s4+$0xE100] =	vst v2;
	v2 =	vadd.f32 v4, v0;
	v4 =	vld [tilespmem:s4+$0x13880]  }
0x1b2: {  	[tilespmem:s4+$0xED80] =	vst v1;
	v1 =	vadd.f32 v5, v0;
	v5 =	vld [tilespmem:s4+$0x14500]  }
0x1b3: {  	[tilespmem:s4+$0xFA00] =	vst v2;
	v7 =	vadd.f32 v7, v0;
	v8 =	vld [tilespmem:s4+$0x15180]  }
.Ltmp7:
0x1b4: {  	[tilespmem:s4+$0x10680] =	vst v1;
	v6 =	vadd.f32 v6, v0;
	v2 =	vld [tilespmem:s4+$0x15E00];
	(pc) =	sbr.rel @p0 .LBB2_16-.Ltmp7, $4  }
0x1b5: {  	[tilespmem:s4+$0x11300] =	vst v7;
	v7 =	vadd.f32 v3, v0;
	v1 =	vld [tilespmem:s4+$0x16A80]  }
0x1b6: {  	[tilespmem:s4+$0x11F80] =	vst v6;
	v6 =	vadd.f32 v4, v0;
	v3 =	vld [tilespmem:s4+$0x17700]  }
0x1b7: {  	[tilespmem:s4+$0x12C00] =	vst v7;
	v7 =	vadd.f32 v5, v0;
	v4 =	vld [tilespmem:s4+$0x18380]  }
0x1b8: {  	s5 =	sadd.s32 $0x40, s5;
	[tilespmem:s4+$0x13880] =	vst v6;
	v6 =	vadd.f32 v8, v0;
	v5 =	vld [tilespmem:s4+$0x19000]  }
0x1b9: {  	[tilespmem:s4+$0x14500] =	vst v7;
	v2 =	vadd.f32 v2, v0;
	v59 =	vld [tilespmem:s4+$0x19C80]  }
0x1ba: {  	[tilespmem:s4+$0x15180] =	vst v6;
	v1 =	vadd.f32 v1, v0  }
0x1bb: {  	[tilespmem:s4+$0x15E00] =	vst v2;
	v60 =	vadd.f32 v3, v0  }
0x1bc: {  	[tilespmem:s4+$0x16A80] =	vst v1;
	v61 =	vadd.f32 v4, v0  }
0x1bd: {  	[tilespmem:s4+$0x17700] =	vst v60;
	v62 =	vadd.f32 v5, v0  }
0x1be: {  	[tilespmem:s4+$0x18380] =	vst v61;
	v63 =	vadd.f32 v59, v0  }
0x1bf: {  	[tilespmem:s4+$0x19000] =	vst v62  }
0x1c0: {  	s22 =	sadd.s32 $0x1, s22;
	[tilespmem:s4+$0x19C80] =	vst v63  }
0x1c1: {  	[hbm4b:s20+s2] =	stream.linear.scatter [tilespmem:s29], [sflag:$0x6], $0xC800, $0x38;
	[tilespmem:$0x1B580] =	vst v63  }
0x1c2: {  	p0 =	sne.s32 s22, s21;
	_ =	swait.ge [sflag:s31], $0xC800  }
.Ltmp8:
0x1c3: {  	[sflag:s31] =	ssyncset.done $0x0;
	(pc) =	sbr.rel @p0 .LBB2_1-.Ltmp8, $4  }
0x1c4: {  	[sflag:s31] =	ssyncadd.s32 $0xFFFF3800  }
0x1c5: {  	_ =	swait.ge [sflag:s1], $0xC800  }
0x1c6: {  	[sflag:s1] =	ssyncset.done $0x0  }
0x1c7: {  	[sflag:s1] =	ssyncadd.s32 $0xFFFF3800  }
0x1c8: {  	_ =	sfence.sel $0x180000  }
0x1c9: {  	[bflag:$0x0] =	sbarrier.arrive $0xFFFF  }
0x1ca: {  	_ =	strace $0x90000047  }
0x1cb: {  	s0 =	stileid.u32;
	[bflag:$0x2] =	sbarrier.arrive $0xFFFF  }
0x1cc: {  	p0 =	sne.s32 s0, $0x0;
	s0 =	rddreg [dreg:$0x2]  }
0x1cd: {  	s0 =	sadd.s32 @!p0 $0x100000, s0  }
0x1ce: {  	[sflag:s0] =	ssyncadd.tile.s32 @!p0 $0x1;
	_ =	shalt  }
.Lfunc_end2:
_tile_overlayer_lowered:
.L_overlay_start_2:
0x1cf: {  	(tag) =	ssettag $0x2  }
0x1d0: {  	s0 =	rddreg [dreg:$0x0];
	s2 =	stileid.u32  }
0x1d1: {  	s1 =	rddreg [dreg:$0x1];
	p0 =	sne.s32 s2, $0x0  }
0x1d2: {  	s3 =	rddreg [dreg:$0x2];
	[bflag:$0x3] =	sbarrier.arrive $0xFFFF;
	s2 =	simm.s32 @!p0 $0x1C07  }
0x1d3: {  	[timem:s3], [sflag:s2] =	dma.local @!p0 [hbm:s0], s1  }
0x1d4: {  	s0 =	simm.s32 @!p0 $0x7  }
0x1d5: {  	_ =	swait.ge @!p0 [sflag:s0], s1  }
0x1d6: {  	s1 =	ssub.s32 @!p0 $0x0, s1;
	[sflag:s0] =	ssyncset.done @!p0 $0x0  }
0x1d7: {  	[sflag:s0] =	ssyncadd.s32 @!p0 s1  }
0x1d8: {  	[bflag:$0x3] =	sbarrier.arrive $0xFFFF  }
0x1d9: {  	_ =	shalt  }

// kernel: sparse-core-data-format-call.cloned.1.call-start
scs
called_computation_lowered:
.L_overlay_start_0:
0x0: {  	s2 =	sld [smem:$0x3FD9]  }
0x1: {  	s3 =	sld [smem:$0x3FFE];
	_ =	sdelay $0x1  }
0x2: {  	s1 =	srdreg.scid  }
0x3: {  	s0 =	sand.u32 $0x1, s1  }
0x4: {  	s18 =	sshll.u32 s0, $0xA;
	s2 =	sadd.s32 s3, s2  }
0x5: {  	s2 =	sadd.s32 s2, s18  }
0x6: {  	[smem:$0x3FC5] =	sst s2  }
0x7: {  	_ = 	snop  }
0x8: {  	s2 =	sld [smem:$0x3FD0];
	(tm) =	ssettm $0x1  }
0x9: {  	s19 =	sld [smem:$0x3FFB];
	_ =	sdelay $0x3  }
0xa: {  	_ =	strace s19  }
0xb: {  	s3 =	sld [smem:$0x3FFC];
	_ =	sdelay $0x3  }
0xc: {  	_ =	strace s3  }
0xd: {  	s3 =	sld [smem:$0x3FFD];
	_ =	sdelay $0x3  }
0xe: {  	_ =	strace s3  }
0xf: {  	_ =	strace $0x8FFFFFFF  }
0x10: {  	s20 =	sld [smem:$0x3FDB];
	_ =	sdelay $0x1  }
0x11: {  	s4 =	simm.s32 $_scs_section_size  }
0x12: {  	s5 =	simm.s32 $_size__tile_overlayer_lowered;
	s6 =	simm.s32 $_tile_overlayer_lowered  }
0x13: {  	s23 =	simm.s32 $0x1BFF;
	s22 =	sshll.u32 s6, $0x1;
	s3 =	sadd.s32 s4, s20  }
0x14: {  	s7 =	simm.s32 $0x0;
	s21 =	sshll.u32 s5, $0x1;
	s5 =	sadd.s32 s22, s3  }
0x15: {  	[timem:s7], [sflag:s23] =	dma.local [hbm:s5], s21  }
0x16: {  	_ =	swait.ge [sflag:s23], s21  }
0x17: {  	s4 =	ssub.s32 $0x0, s21;
	[sflag:s23] =	ssyncset.done $0x0  }
0x18: {  	[sflag:s23] =	ssyncadd.s32 s4;
	_ =	sdelay $0x1  }
0x19: {  	s24 =	simm.s32 $0x1B8B  }
0x1a: {  	_ =	swait.ge [sflag:s24], $0x1  }
0x1b: {  	[sflag:s24] =	ssyncset.done $0x0  }
0x1c: {  	s26 =	simm.s32 $0x1B8E;
	s25 =	sld [smem:$0x3FFE];
	[sflag:s24] =	ssyncadd.s32 $0xFFFFFFFF  }
0x1d: {  	s27 =	simm.s32 $execute0_lowered;
	[smem:$0x3FD2] =	sst s26  }
0x1e: {  	s5 =	sshll.u32 s27, $0x1;
	_ =	strace $0x80000049;
	[dreg:$0x1] =	wrdreg $0xFFFFFFFF  }
0x1f: {  	s28 =	simm.s32 $_size_execute0_lowered;
	s3 =	sadd.s32 s3, s5;
	[dreg:$0x0] =	wrdreg $0x0  }
0x20: {  	s5 =	sshll.u32 s28, $0x1;
	[dreg:$0x2] =	wrdreg s3  }
0x21: {  	[dreg:$0x3] =	wrdreg s5  }
0x22: {  	[dreg:$0x4] =	wrdreg $0xC0  }
0x23: {  	_ =	task [dreg:s7], $0x5FFFF  }
0x24: {  	[dreg:$0x1] =	wrdreg $0xFFFFFFFF  }
0x25: {  	[dreg:$0x0] =	wrdreg $0x60  }
0x26: {  	[dreg:$0x2] =	wrdreg s25  }
0x27: {  	[dreg:$0x3] =	wrdreg s2  }
0x28: {  	[dreg:$0x4] =	wrdreg $0x9  }
0x29: {  	_ =	task.clear_ibuf [dreg:s7], $0x5FFFF;
	_ =	strace $0x90000049  }
0x2a: {  	s29 =	simm.s32 $0x9;
	_ =	strace $0x8000004B  }
0x2b: {  	_ =	swait.ge [sflag:s29], $0x1  }
0x2c: {  	[sflag:s29] =	ssyncadd.s32 $0xFFFFFFFF  }
0x2d: {  	_ =	strace $0x9000004B  }
0x2e: {  	_ =	sfence  }
0x2f: {  	s30 =	sld [smem:$0x0];
	_ =	sdelay $0x2  }
0x30: {  	s31 =	sshll.u32 s1, $0xD;
	s1 =	sshrl.u32 s1, $0x2  }
0x31: {  	s3 =	sand.u32 $0x4000, s31;
	s1 =	sadd.s32 s1, s30  }
0x32: {  	s0 =	sor.u32 s3, s0;
	s1 =	sshll.u32 s1, $0x11  }
0x33: {  	s0 =	sor.u32 s1, s0  }
0x34: {  	s0 =	sadd.s32 $0x8F2B, s0  }
0x35: {  	[sflag:s0] =	ssyncadd.remote.s32 $0x1  }
0x36: {  	_ =	sfence.sel $0xFFFF  }
0x37: {  	[dreg:$0x0] =	wrdreg $0xFFFFFFFF;
	(pc) =	sbr.abs _section_cstart, $3  }
0x38: {  	[dreg:$0x1] =	wrdreg $0xFFFFFFFF  }
0x39: {  	_ =	task.clear_ibuf [dreg:s7], $0x2FFFF;
	_ =	strace $0x9FFFFFFF  }
0x3a: {  	(tm) =	ssettm $0x7FFFFFFF  }
0x3b: {  	_ =	shalt  }
tec
execute0_lowered:
.L_overlay_start_1:
0x0: {  	(tag) =	ssettag $0x1  }
0x1: {  	s0 =	srdreg.scid  }
0x2: {  	s1 =	sshll.u32 s0, $0x4  }
0x3: {  	s0 =	stileid.u32;
	s1 =	sand.u32 $0x10, s1  }
0x4: {  	s1 =	sor.u32 s0, s1  }
0x5: {  	s6 =	rddreg [dreg:$0x0];
	s4 =	simm.s32 $0x1;
	s2 =	sshll.u32 s1, $0x7  }
0x6: {  	s7 =	simm.s32 $0x2;
	s12 =	simm.s32 $0x0;
	s1 =	ssub.s32 $0x1000, s2  }
0x7: {  	s8 =	simm.s32 $0x8000;
	s13 =	simm.s32 $0x0;
	s3 =	sand.u32 $0xF80, s1  }
0x8: {  	s9 =	simm.s32 $0x0;
	s5 =	sshrl.u32 s1, $0xC;
	p0 =	sne.s32 s3, $0x0  }
.Ltmp0:
0x9: {  	s1 =	rddreg [dreg:$0x2];
	s4 =	simm.s32 @!p0 $0x0;
	(pc) =	sbr.rel .LBB1_1-.Ltmp0, $4  }
0xa: {  	s11 =	simm.s32 $0x0;
	s3 =	rddreg [dreg:$0x1];
	s5 =	sadd.s32 s4, s5  }
0xb: {  	_ =	strace $0x8000004A;
	s4 =	simm.s32 $0x1;
	s5 =	smul.u32 $0xC8, s5  }
0xc: {  	s6 =	sadd.s32 $0xC00, s6;
	s10 =	smov.u32 s2;
	[sflag:s4] =	ssyncpa.u1 $0x0  }
0xd: {  	p0 =	por $0x0, $0x0;
	[sflag:s7] =	ssyncpa.u1 $0x0;
	s7 =	sor.u32 $0x1, s5  }
.LBB1_4:
0xe: {  	s16 =	sshll.u32 s13, $0x3;
	s17 =	sand.u32 $0x78, s13  }
0xf: {  	s30 =	sand.u32 $0x1E00, s13;
	s12 =	sshll.u32 s12, $0xD;
	s16 =	sand.u32 $0xC00, s16  }
0x10: {  	s31 =	sand.u32 $0x7, s13;
	s16 =	sor.u32 s17, s16;
	s17 =	sadd.s32 s3, s30  }
0x11: {  	s13 =	sshll.u32 s31, $0x12;
	s16 =	sshrl.u32 s16, $0x3;
	s12 =	sadd.s32 s12, s17  }
0x12: {  	[tilespmem:s15+$0x0 ss:$0x81] =	vst.msk $0xffff, v1;
	s13 =	sor.u32 $0x400, s13;
	s12 =	sadd.s32 s16, s12  }
0x13: {  	[hbm4b:s12+s13] =	stream.strided.scatter [tilespmem:s14], [sflag:$0x2], $0x800, s8, s13, $0x20;
	[tilespmem:$0x2020] =	vst v63  }
.LBB1_5:
0x14: {  	s14 =	sadd.s32 $0x1, s9  }
0x15: {  	s12 =	sadd.s32 $0x1000, s10;
	s16 =	smov.u32 s10;
	p2 =	sgt.s32 s14, $0xC7  }
0x16: {  	s16 =	smov.u32 @p2 s12  }
0x17: {  	s14 =	simm.s32 @p2 $0x0;
	p2 =	sgt.s32 s16, $0xFFF  }
0x18: {  	s16 =	smov.u32 @p2 s2;
	p2 =	sne.s32 s11, s7  }
.Ltmp1:
0x19: {  	p1 =	slt.u32 s11, $0x2;
	(pc) =	sbr.rel @!p2 .LBB1_6-.Ltmp1, $4  }
0x1a: {  	s15 =	simm.s32 @!p1 $0x2  }
0x1b: {  	s13 =	smov.u32 s10;
	p0 =	por !p0, !p0;
	_ =	swait.ge @!p1 [sflag:s15], $0x800  }
0x1c: {  	s12 =	smov.u32 s9;
	[sflag:s15] =	ssyncset.done @!p1 $0x0;
	s9 =	smov.u32 s14  }
0x1d: {  	s11 =	sadd.s32 $0x1, s11;
	[sflag:s15] =	ssyncadd.s32 @!p1 $0xFFFFF800;
	s10 =	smov.u32 s16  }
.LBB1_1:
0x1e: {  	p1 =	sge.u32 s11, s5  }
0x1f: {  	s14 =	sand.u32 @!p1 $0x1FFFFFF, s9  }
0x20: {  	s15 =	smulhi.u32 @!p1 $0x147AE15, s14;
	_ =	sdelay $0x1  }
0x21: {  	s15 =	smul.u32 @!p1 $0xC8, s15  }
0x22: {  	s16 =	sxor.u32 @!p1 $0xFFFFFFFF, s11;
	s17 =	smul.u32 @!p1 $0xC80, s10  }
0x23: {  	s31 =	sadd.s32 $0xFFFFFFFF, s11;
	s16 =	sshll.u32 @!p1 s16, $0xB;
	s14 =	ssub.s32 @!p1 s14, s15  }
0x24: {  	s15 =	sand.u32 @!p1 $0x800, s16;
	s16 =	sadd.s32 @!p1 s6, s17;
	s14 =	sshll.u32 @!p1 s14, $0x4  }
0x25: {  	s17 =	simm.s32 @!p1 $0x6400;
	s14 =	sadd.s32 @!p1 s14, s16;
	s16 =	simm.s32 @!p1 $0x10  }
0x26: {  	[tilespmem:s15], [sflag:$0x1] =	stream.strided.gather @!p1 [hbm4b:s14+s16], $0x800, s17, s16, $0x38;
	[tilespmem:$0x2020] =	vst v63  }
0x27: {  	p1 =	sge.u32 s31, s5  }
.Ltmp2:
0x28: {  	_ = 	snop;
	(pc) =	sbr.rel @p1 .LBB1_5-.Ltmp2, $1  }
0x29: {  	_ =	sdelay $0x3  }
0x2a: {  	s14 =	simm.s32 $0x1  }
0x2b: {  	s14 =	simm.s32 @!p0 $0x0  }
0x2c: {  	s15 =	sshll.u32 s14, $0xB  }
0x2d: {  	v0 =	vmov s15;
	_ =	sdelay $0x1  }
0x2e: {  	_ =	swait.ge [sflag:s4], $0x800  }
0x2f: {  	s31 =	sand.u32 $0x1, s11;
	[sflag:s4] =	ssyncset.done $0x0  }
0x30: {  	s17 =	simm.s32 $0x0;
	s14 =	smul.u32 $0x2040, s14;
	[sflag:s4] =	ssyncadd.s32 $0xFFFFF800  }
0x31: {  	s15 =	smul.u32 $0x2040, s31;
	v1 =	vld.idx.msk [tilespmem:v0+s17+$0x0 ss:$0x1], $0xffff;
	_ =	sdelay $0x1  }
0x32: {  	s14 =	sshrl.u32 s14, $0x2;
	s16 =	sshrl.u32 s15, $0x2  }
0x33: {  	s15 =	sor.u32 $0x1000, s14;
	s14 =	sor.u32 $0x1000, s16;
	s16 =	simm.s32 $0x40  }
.LBB1_3:
0x34: {  	s17 =	sshra.s32 s16, $0x2;
	p1 =	sne.s32 s16, $0x1FC0;
	s16 =	sadd.s32 $0x40, s16  }
.Ltmp3:
0x35: {  	[tilespmem:s15+$0x0 ss:$0x81] =	vst.msk $0xffff, v1;
	v1 =	vld.idx.msk [tilespmem:v0+s17+$0x0 ss:$0x1], $0xffff;
	(pc) =	sbr.rel @p1 .LBB1_3-.Ltmp3, $2  }
0x36: {  	_ =	sdelay $0x2  }
0x37: {  	s15 =	sadd.s32 $0x1, s15  }
.Ltmp4:
0x38: {  	_ = 	snop;
	(pc) =	sbr.rel .LBB1_4-.Ltmp4, $1  }
0x39: {  	_ =	sdelay $0x3  }
.LBB1_6:
0x3a: {  	_ =	sfence.sel $0x180000  }
0x3b: {  	s2 =	simm.s32 $0x1;
	[bflag:$0x0] =	sbarrier.arrive $0xFFFF  }
0x3c: {  	s31 =	simm.s32 $0x2;
	[sflag:s2] =	ssyncpa.u1 $0x1  }
0x3d: {  	[sflag:s31] =	ssyncpa.u1 $0x1  }
0x3e: {  	p0 =	sne.s32 s0, $0x0;
	_ =	strace $0x9000004A  }
0x3f: {  	s0 =	sadd.s32 @!p0 $0x100000, s1;
	[bflag:$0x2] =	sbarrier.arrive $0xFFFF  }
0x40: {  	[sflag:s0] =	ssyncadd.tile.s32 @!p0 $0x1;
	_ =	shalt  }
.Lfunc_end1:
_tile_overlayer_lowered:
.L_overlay_start_2:
0x41: {  	(tag) =	ssettag $0x2  }
0x42: {  	s0 =	rddreg [dreg:$0x0];
	s2 =	stileid.u32  }
0x43: {  	s1 =	rddreg [dreg:$0x1];
	p0 =	sne.s32 s2, $0x0  }
0x44: {  	s3 =	rddreg [dreg:$0x2];
	[bflag:$0x3] =	sbarrier.arrive $0xFFFF;
	s2 =	simm.s32 @!p0 $0x1C01  }
0x45: {  	[timem:s3], [sflag:s2] =	dma.local @!p0 [hbm:s0], s1  }
0x46: {  	s0 =	simm.s32 @!p0 $0x1  }
0x47: {  	_ =	swait.ge @!p0 [sflag:s0], s1  }
0x48: {  	s1 =	ssub.s32 @!p0 $0x0, s1;
	[sflag:s0] =	ssyncset.done @!p0 $0x0  }
0x49: {  	[sflag:s0] =	ssyncadd.s32 @!p0 s1  }
0x4a: {  	[bflag:$0x3] =	sbarrier.arrive $0xFFFF  }
0x4b: {  	_ =	shalt  }

</sc_bundles>
